<compile_context>
chip_gen: v7x
topology: tpu7x:2x2x1
jax: 0.10.2.dev20260603
libtpu: 0.0.44.dev20260713+nightly
codegen_flags: <defaults>
</compile_context>

<pallas_src>
import functools

import numpy as np

import jax
import jax.numpy as jnp
from jax import lax
from jax.experimental import pallas as pl
from jax.experimental.pallas import tpu as pltpu
from jax.experimental.pallas import tpu_sc as plsc

_N_POS = 128
_N_NEG = 512
_NSEL = _N_POS + _N_NEG
_B, _C, _H, _W = 4, 96, 512, 512
_HW = _H * _W
_NPIX = _B * _HW
_CHW = _C * _HW
_TEMP = 0.1
_EPS = 1e-6

_NC, _NS = 2, 16
_NW = _NC * _NS
_SPW = _NSEL // _NW
_GPW = _SPW * _C
_GCH = 128
_CH = 2048
_CPAD = 128


def _threefry2x32_pair(k1, k2, x0, x1):
    x = [x0.astype(np.uint32).copy(), x1.astype(np.uint32).copy()]
    rotations = [(13, 15, 26, 6), (17, 29, 16, 24)]
    k1 = np.uint32(k1)
    k2 = np.uint32(k2)
    ks = [k1, k2, k1 ^ k2 ^ np.uint32(0x1BD11BDA)]

    def rotl(v, d):
        return (v << np.uint32(d)) | (v >> np.uint32(32 - d))

    x[0] = x[0] + ks[0]
    x[1] = x[1] + ks[1]
    kidx = [1, 2, 0, 1, 2, 0]
    for i in range(5):
        for r in rotations[i % 2]:
            x[0] = x[0] + x[1]
            x[1] = rotl(x[1], r)
            x[1] = x[0] ^ x[1]
        x[0] = x[0] + ks[kidx[i]]
        x[1] = x[1] + ks[kidx[i + 1]] + np.uint32(i + 1)
    return x[0], x[1]


def _np_uniform_bits(k1, k2, n):
    b1, b2 = _threefry2x32_pair(k1, k2, np.zeros(n, np.uint32),
                                np.arange(n, dtype=np.uint32))
    bits = b1 ^ b2
    f = ((bits >> np.uint32(9)) | np.uint32(0x3F800000)).view(np.float32) - 1.0
    return np.maximum(np.float32(0.0), f).astype(np.float32)


def _compute_orders():
    b1, b2 = _threefry2x32_pair(np.uint32(0), np.uint32(1234),
                                np.zeros(2, np.uint32),
                                np.arange(2, dtype=np.uint32))
    kp = (b1[0], b2[0])
    kn = (b1[1], b2[1])
    sp = _np_uniform_bits(kp[0], kp[1], _NPIX)
    sn = _np_uniform_bits(kn[0], kn[1], _NPIX)
    order_pos = np.argsort(-sp, kind="stable").astype(np.int64)
    order_neg = np.argsort(-sn, kind="stable").astype(np.int64)

    def tiled(p):
        b = p >> 18
        hw = p & (_HW - 1)
        t = (((hw >> 12) << 12) | (((hw >> 7) & 3) << 10)
             | (((hw >> 9) & 7) << 7) | (hw & 127))
        return ((b << 18) | t).astype(np.int32)

    return tiled(order_pos), tiled(order_neg)


_ORDER_POS, _ORDER_NEG = _compute_orders()


def _sc_select_gather_body(feat_hbm, opos_hbm, oneg_hbm, label_hbm, out_hbm,
                           ord_v, lab_v, selbase_v, idx_v, gath_v, shr_v, sem):
    cid = lax.axis_index("c")
    sid = lax.axis_index("s")
    wid = sid * _NC + cid

    def select(order_hbm, n_sel, sel_off, want_pos):
        def chunk_body(chunk, off_c):
            base_r = pl.multiple_of(chunk * _CH, _CH)
            pltpu.sync_copy(order_hbm.at[pl.ds(base_r, _CH)], ord_v)
            copies = []
            for j in range(_CH // _GCH):
                copies.append(pltpu.async_copy(
                    label_hbm.at[ord_v.at[pl.ds(j * _GCH, _GCH)]],
                    lab_v.at[pl.ds(j * _GCH, _GCH)], sem))
            for cp in copies:
                cp.wait()

            def group(g, off_i):
                lab = lab_v[pl.ds(g * 16, 16)]
                vals = ord_v[pl.ds(g * 16, 16)]
                if want_pos:
                    m = lab > 0.5
                else:
                    m = lab <= 0.5
                mi = m.astype(jnp.int32)
                pos = off_i + plsc.cumsum(mi) - 1
                wm = jnp.logical_and(m, pos < n_sel)
                base = ((vals >> 18) * _CHW) + (vals & (_HW - 1))
                plsc.store_scatter(selbase_v, [pos + sel_off], base,
                                   mask=wm)
                return off_i + jnp.sum(mi)

            def guarded_group(g, off_i):
                return lax.cond(off_i < n_sel,
                                lambda o: group(g, o), lambda o: o, off_i)

            return lax.fori_loop(0, _CH // 16, guarded_group, off_c)

        def guarded_chunk(chunk, off):
            return lax.cond(off < n_sel,
                            lambda o: chunk_body(chunk, o), lambda o: o, off)

        off0 = chunk_body(0, jnp.int32(0))
        lax.cond(off0 < n_sel,
                 lambda o: lax.fori_loop(1, _NPIX // _CH, guarded_chunk, o),
                 lambda o: o, off0)

    @pl.when(sid == 0)
    def _():
        select(opos_hbm, _N_POS, 0, True)
        pltpu.sync_copy(selbase_v.at[pl.ds(0, _N_POS)],
                        shr_v.at[pl.ds(0, _N_POS)])

    @pl.when(sid == 1)
    def _():
        select(oneg_hbm, _N_NEG, _N_POS, False)
        pltpu.sync_copy(selbase_v.at[pl.ds(_N_POS, _N_NEG)],
                        shr_v.at[pl.ds(_N_POS, _N_NEG)])

    plsc.subcore_barrier()
    pltpu.sync_copy(shr_v, selbase_v)

    base_row = wid * _SPW
    chan_off = lax.iota(jnp.int32, 16) * _HW

    def build(j, carry):
        samp = jnp.full((16,), 0, jnp.int32) + (base_row + j)
        sbase = plsc.load_gather(selbase_v, [samp])
        for g in range(_C // 16):
            idx_v[pl.ds(j * _C + g * 16, 16)] = (
                sbase + (g * 16) * _HW + chan_off)
        return carry

    lax.fori_loop(0, _SPW, build, jnp.int32(0))

    copies = []
    for j in range(_SPW):
        copies.append(pltpu.async_copy(
            feat_hbm.at[idx_v.at[pl.ds(j * _C, _C)]],
            gath_v.at[pl.ds(j * _CPAD, _C)], sem))
    for cp in copies:
        cp.wait()

    out_off = pl.multiple_of(wid * (_SPW * _CPAD), _SPW * _CPAD)
    pltpu.sync_copy(gath_v, out_hbm.at[pl.ds(out_off, _SPW * _CPAD)])


_sc_select_gather = functools.partial(
    pl.kernel,
    out_type=jax.ShapeDtypeStruct((_NSEL * _CPAD,), jnp.float32),
    mesh=plsc.VectorSubcoreMesh(core_axis_name="c", subcore_axis_name="s"),
    compiler_params=pltpu.CompilerParams(needs_layout_passes=False),
    scratch_types=[
        pltpu.VMEM((_CH,), jnp.int32),
        pltpu.VMEM((_CH,), jnp.float32),
        pltpu.VMEM((_NSEL,), jnp.int32),
        pltpu.VMEM((_GPW,), jnp.int32),
        pltpu.VMEM((_SPW * _CPAD,), jnp.float32),
        pltpu.VMEM_SHARED((_NSEL,), jnp.int32),
        pltpu.SemaphoreType.DMA,
    ],
)(_sc_select_gather_body)


def _loss_body(sel_ref, out_ref):
    pos = sel_ref[0:_N_POS, 0:_C]
    neg = sel_ref[_N_POS:_NSEL, 0:_C]
    pn = pos / jnp.maximum(
        jnp.sqrt(jnp.sum(pos * pos, axis=1, keepdims=True)), _EPS)
    nn = neg / jnp.maximum(
        jnp.sqrt(jnp.sum(neg * neg, axis=1, keepdims=True)), _EPS)
    ps = lax.dot_general(pn, pn, (((1,), (1,)), ((), ())),
                         preferred_element_type=jnp.float32)
    ns = lax.dot_general(pn, nn, (((1,), (1,)), ((), ())),
                         preferred_element_type=jnp.float32)
    prs = jnp.sum(jnp.exp(ps / _TEMP), axis=1) - np.float32(np.exp(1.0))
    nrs = jnp.sum(jnp.exp(ns / _TEMP), axis=1)
    lik = prs / (prs + nrs)
    nll = -jnp.mean(jnp.log(lik))
    out_ref[0, 0] = nll


_loss_call = pl.pallas_call(
    _loss_body,
    out_shape=jax.ShapeDtypeStruct((1, 1), jnp.float32),
    out_specs=pl.BlockSpec(memory_space=pltpu.SMEM),
)


def kernel(predict_seg_map, real_label):
    feat = (predict_seg_map
            .reshape(_B * _C * (_H // 8), 8, _W // 128, 128)
            .transpose(0, 2, 1, 3)
            .reshape(-1))
    label = (real_label
             .reshape(_B * (_H // 8), 8, _W // 128, 128)
             .transpose(0, 2, 1, 3)
             .reshape(-1))
    gathered = _sc_select_gather(
        feat, jnp.asarray(_ORDER_POS), jnp.asarray(_ORDER_NEG), label)
    sel = gathered.reshape(_NSEL, _CPAD)
    return _loss_call(sel)[0, 0]

# --- scband reference (transcript-rebuilt; emitter-appended) ---
"""Pipeline reference for scband-pixelwise-contrastive-loss-32358283608354 (READ-ONLY COPY).

The authoritative reference and input builder live on the scoring server;
editing this copy changes nothing except your own understanding.
"""

import jax, jax.numpy as jnp
import numpy as np

N_POS = 128
N_NEG = 512  # n_max_pos * neg_multiplier = 128 * 4
TEMPERATURE = 0.1
EPS = 1e-6


def setup_inputs(seed: int = 0) -> dict:
    key = jax.random.key(seed)
    k1, k2 = jax.random.split(key)
    B, C, H, W = 4, 96, 512, 512
    predict_seg_map = jax.random.normal(k1, (B, C, H, W), dtype=jnp.float32)
    real_label = jax.random.randint(k2, (B, 1, H, W), 0, 2).astype(jnp.float32)
    return {"predict_seg_map": predict_seg_map, "real_label": real_label}


def _sample_pixels(mask_bool_flat, n, key):
    # Equivalent of torch.nonzero + randperm[:n]: give every candidate pixel a
    # random score, mask out non-candidates, and take the top-n indices.
    scores = jax.random.uniform(key, mask_bool_flat.shape, dtype=jnp.float32)
    masked = jnp.where(mask_bool_flat, scores, -1e9)
    _, idx = jax.lax.top_k(masked, n)
    return idx


def _flat_to_bhw(idx, H, W):
    # label has shape [B, 1, H, W]; channel index is always 0
    b = idx // (H * W)
    rem = idx % (H * W)
    h = rem // W
    w = rem % W
    return b, h, w


def _cosine_normalize(x):
    nrm = jnp.linalg.norm(x, axis=-1, keepdims=True)
    return x / jnp.maximum(nrm, EPS)


def reference(predict_seg_map, real_label):
    B, C, H, W = predict_seg_map.shape
    flat_label = real_label.reshape(-1)

    skey = jax.random.key(1234)
    kp, kn = jax.random.split(skey)
    # boundary_aware=False -> all positives sampled from label==1 (n_pos_not_bd = n_max_pos),
    # all negatives from label==0 (n_neg_not_bd = n_max_neg)
    pos_idx = _sample_pixels(flat_label > 0.5, N_POS, kp)
    neg_idx = _sample_pixels(flat_label <= 0.5, N_NEG, kn)

    pb, ph, pw = _flat_to_bhw(pos_idx, H, W)
    nb, nh, nw = _flat_to_bhw(neg_idx, H, W)

    # sparse gather of feature vectors out of the large feature map
    positive_logits = predict_seg_map[pb, :, ph, pw]  # [N_POS, C]
    negative_logits = predict_seg_map[nb, :, nh, nw]  # [N_NEG, C]

    # single process: all_* logits == local logits
    all_positive = positive_logits
    all_negative = negative_logits

    pn = _cosine_normalize(positive_logits)
    apn = _cosine_normalize(all_positive)
    ann = _cosine_normalize(all_negative)

    positive_sim = pn @ apn.T  # [N_POS, N_POS]
    exp_positive_sim = jnp.exp(positive_sim / TEMPERATURE)
    # faithful to original: subtracts exp(1.0) (not exp(1/temperature))
    positive_row_sum = jnp.sum(exp_positive_sim, axis=1) - jnp.exp(jnp.float32(1.0))

    negative_sim = pn @ ann.T  # [N_POS, N_NEG]
    exp_negative_sim = jnp.exp(negative_sim / TEMPERATURE)
    negative_row_sum = jnp.sum(exp_negative_sim, axis=1)

    likelihood = positive_row_sum / (positive_row_sum + negative_row_sum)
    nll = -jnp.mean(jnp.log(likelihood))
    return nll

if __name__ == "__main__":
    import jax
    _d = setup_inputs()
    print(jax.jit(kernel)(*tuple(_d.values())))

</pallas_src>

<mosaic_0001>
#map = affine_map<(d0, d1) -> (0)>
module attributes {stable_mosaic.version = 14 : i64} {
  func.func @_sc_select_gather_body(%arg0: i32, %arg1: i32, %arg2: memref<100663296xf32, #tpu.memory_space<hbm>>, %arg3: memref<1048576xi32, #tpu.memory_space<hbm>>, %arg4: memref<1048576xi32, #tpu.memory_space<hbm>>, %arg5: memref<1048576xf32, #tpu.memory_space<hbm>>, %arg6: memref<81920xf32, #tpu.memory_space<hbm>>, %arg7: memref<2048xi32, #tpu.memory_space<vmem>>, %arg8: memref<2048xf32, #tpu.memory_space<vmem>>, %arg9: memref<640xi32, #tpu.memory_space<vmem>>, %arg10: memref<1920xi32, #tpu.memory_space<vmem>>, %arg11: memref<2560xf32, #tpu.memory_space<vmem>>, %arg12: memref<640xi32, #tpu.memory_space<vmem_shared>>, %arg13: memref<!tpu.dma_semaphore, #tpu.memory_space<semaphore_mem>>) attributes {dimension_semantics = [#tpu.dimension_semantics<core_parallel>, #tpu.dimension_semantics<subcore_parallel>], iteration_bounds = array<i64: 2, 16>, scalar_prefetch = 0 : i64, scratch_operands = 7 : i64, tpu.core_type = #tpu.core_type<sc_vector_subcore>, window_params = [{transform_indices = #map}, {transform_indices = #map}, {transform_indices = #map}, {transform_indices = #map}, {transform_indices = #map}]} {
    %mul3A = arith.constant 2 : i32
    %mul3A_0 = arith.muli %arg1, %mul3A : i32
    %add3A = arith.addi %mul3A_0, %arg0 : i32
    %eq3A = arith.constant 0 : i32
    %eq3A_1 = arith.cmpi eq, %arg1, %eq3A : i32
    %convert_element_type3A = arith.extui %eq3A_1 : i1 to i32
    %cond3A = arith.constant 0 : i32
    %cond3A_2 = arith.cmpi ne, %convert_element_type3A, %cond3A : i32
    scf.if %cond3A_2 {
      %multiple_of3A_258 = arith.constant 0 : i32
      %multiple_of3A_259 = tpu.assume_multiple %multiple_of3A_258, 2048 : i32
      "tpu.region"() ({
        %run_scoped3A = tpu.sem_alloc : memref<!tpu.dma_semaphore, #tpu.memory_space<semaphore_mem>>
        %dma_start3A_464 = tpu.memref_slice %arg3[%multiple_of3A_259] : memref<1048576xi32, #tpu.memory_space<hbm>> -> memref<2048xi32, #tpu.memory_space<hbm>>
        %dma_start3A_465 = tpu.memref_slice %arg3[%multiple_of3A_259] : memref<1048576xi32, #tpu.memory_space<hbm>> -> memref<2048xi32, #tpu.memory_space<hbm>>
        tpu.enqueue_dma source(%dma_start3A_465 : memref<2048xi32, #tpu.memory_space<hbm>>) target(%arg7 : memref<2048xi32, #tpu.memory_space<vmem>>) target_semaphore(%run_scoped3A : memref<!tpu.dma_semaphore, #tpu.memory_space<semaphore_mem>>)
        %dma_wait3A_466 = tpu.memref_slice %arg3[%multiple_of3A_259] : memref<1048576xi32, #tpu.memory_space<hbm>> -> memref<2048xi32, #tpu.memory_space<hbm>>
        %dma_wait3A_467 = tpu.memref_slice %arg3[%multiple_of3A_259] : memref<1048576xi32, #tpu.memory_space<hbm>> -> memref<2048xi32, #tpu.memory_space<hbm>>
        tpu.wait_dma2 semaphore(%run_scoped3A : memref<!tpu.dma_semaphore, #tpu.memory_space<semaphore_mem>>) src(%dma_wait3A_467 : memref<2048xi32, #tpu.memory_space<hbm>>) dst(%arg7 : memref<2048xi32, #tpu.memory_space<vmem>>)
        tpu.yield
      }) : () -> ()
      %dma_start3A_260 = arith.constant 0 : i32
      %dma_start3A_261 = tpu.memref_slice %arg8[%dma_start3A_260] : memref<2048xf32, #tpu.memory_space<vmem>> -> memref<128xf32, #tpu.memory_space<vmem>>
      %dma_start3A_262 = arith.constant 0 : i32
      %dma_start3A_263 = tpu.memref_slice %arg7[%dma_start3A_262] : memref<2048xi32, #tpu.memory_space<vmem>> -> memref<128xi32, #tpu.memory_space<vmem>>
      %dma_start3A_264 = arith.constant 0 : i32
      %dma_start3A_265 = tpu.memref_slice %arg5[%dma_start3A_264] : memref<1048576xf32, #tpu.memory_space<hbm>> -> memref<1048576xf32, #tpu.memory_space<hbm>>
      tpu.enqueue_indirect_dma source(%dma_start3A_265 : memref<1048576xf32, #tpu.memory_space<hbm>>) target(%dma_start3A_261 : memref<128xf32, #tpu.memory_space<vmem>>) offsets(%dma_start3A_263 : memref<128xi32, #tpu.memory_space<vmem>>) semaphore(%arg13 : memref<!tpu.dma_semaphore, #tpu.memory_space<semaphore_mem>>)
      %dma_start3A_266 = arith.constant 128 : i32
      %dma_start3A_267 = tpu.memref_slice %arg8[%dma_start3A_266] : memref<2048xf32, #tpu.memory_space<vmem>> -> memref<128xf32, #tpu.memory_space<vmem>>
      %dma_start3A_268 = arith.constant 128 : i32
      %dma_start3A_269 = tpu.memref_slice %arg7[%dma_start3A_268] : memref<2048xi32, #tpu.memory_space<vmem>> -> memref<128xi32, #tpu.memory_space<vmem>>
      %dma_start3A_270 = arith.constant 0 : i32
      %dma_start3A_271 = tpu.memref_slice %arg5[%dma_start3A_270] : memref<1048576xf32, #tpu.memory_space<hbm>> -> memref<1048576xf32, #tpu.memory_space<hbm>>
      tpu.enqueue_indirect_dma source(%dma_start3A_271 : memref<1048576xf32, #tpu.memory_space<hbm>>) target(%dma_start3A_267 : memref<128xf32, #tpu.memory_space<vmem>>) offsets(%dma_start3A_269 : memref<128xi32, #tpu.memory_space<vmem>>) semaphore(%arg13 : memref<!tpu.dma_semaphore, #tpu.memory_space<semaphore_mem>>)
      %dma_start3A_272 = arith.constant 256 : i32
      %dma_start3A_273 = tpu.memref_slice %arg8[%dma_start3A_272] : memref<2048xf32, #tpu.memory_space<vmem>> -> memref<128xf32, #tpu.memory_space<vmem>>
      %dma_start3A_274 = arith.constant 256 : i32
      %dma_start3A_275 = tpu.memref_slice %arg7[%dma_start3A_274] : memref<2048xi32, #tpu.memory_space<vmem>> -> memref<128xi32, #tpu.memory_space<vmem>>
      %dma_start3A_276 = arith.constant 0 : i32
      %dma_start3A_277 = tpu.memref_slice %arg5[%dma_start3A_276] : memref<1048576xf32, #tpu.memory_space<hbm>> -> memref<1048576xf32, #tpu.memory_space<hbm>>
      tpu.enqueue_indirect_dma source(%dma_start3A_277 : memref<1048576xf32, #tpu.memory_space<hbm>>) target(%dma_start3A_273 : memref<128xf32, #tpu.memory_space<vmem>>) offsets(%dma_start3A_275 : memref<128xi32, #tpu.memory_space<vmem>>) semaphore(%arg13 : memref<!tpu.dma_semaphore, #tpu.memory_space<semaphore_mem>>)
      %dma_start3A_278 = arith.constant 384 : i32
      %dma_start3A_279 = tpu.memref_slice %arg8[%dma_start3A_278] : memref<2048xf32, #tpu.memory_space<vmem>> -> memref<128xf32, #tpu.memory_space<vmem>>
      %dma_start3A_280 = arith.constant 384 : i32
      %dma_start3A_281 = tpu.memref_slice %arg7[%dma_start3A_280] : memref<2048xi32, #tpu.memory_space<vmem>> -> memref<128xi32, #tpu.memory_space<vmem>>
      %dma_start3A_282 = arith.constant 0 : i32
      %dma_start3A_283 = tpu.memref_slice %arg5[%dma_start3A_282] : memref<1048576xf32, #tpu.memory_space<hbm>> -> memref<1048576xf32, #tpu.memory_space<hbm>>
      tpu.enqueue_indirect_dma source(%dma_start3A_283 : memref<1048576xf32, #tpu.memory_space<hbm>>) target(%dma_start3A_279 : memref<128xf32, #tpu.memory_space<vmem>>) offsets(%dma_start3A_281 : memref<128xi32, #tpu.memory_space<vmem>>) semaphore(%arg13 : memref<!tpu.dma_semaphore, #tpu.memory_space<semaphore_mem>>)
      %dma_start3A_284 = arith.constant 512 : i32
      %dma_start3A_285 = tpu.memref_slice %arg8[%dma_start3A_284] : memref<2048xf32, #tpu.memory_space<vmem>> -> memref<128xf32, #tpu.memory_space<vmem>>
      %dma_start3A_286 = arith.constant 512 : i32
      %dma_start3A_287 = tpu.memref_slice %arg7[%dma_start3A_286] : memref<2048xi32, #tpu.memory_space<vmem>> -> memref<128xi32, #tpu.memory_space<vmem>>
      %dma_start3A_288 = arith.constant 0 : i32
      %dma_start3A_289 = tpu.memref_slice %arg5[%dma_start3A_288] : memref<1048576xf32, #tpu.memory_space<hbm>> -> memref<1048576xf32, #tpu.memory_space<hbm>>
      tpu.enqueue_indirect_dma source(%dma_start3A_289 : memref<1048576xf32, #tpu.memory_space<hbm>>) target(%dma_start3A_285 : memref<128xf32, #tpu.memory_space<vmem>>) offsets(%dma_start3A_287 : memref<128xi32, #tpu.memory_space<vmem>>) semaphore(%arg13 : memref<!tpu.dma_semaphore, #tpu.memory_space<semaphore_mem>>)
      %dma_start3A_290 = arith.constant 640 : i32
      %dma_start3A_291 = tpu.memref_slice %arg8[%dma_start3A_290] : memref<2048xf32, #tpu.memory_space<vmem>> -> memref<128xf32, #tpu.memory_space<vmem>>
      %dma_start3A_292 = arith.constant 640 : i32
      %dma_start3A_293 = tpu.memref_slice %arg7[%dma_start3A_292] : memref<2048xi32, #tpu.memory_space<vmem>> -> memref<128xi32, #tpu.memory_space<vmem>>
      %dma_start3A_294 = arith.constant 0 : i32
      %dma_start3A_295 = tpu.memref_slice %arg5[%dma_start3A_294] : memref<1048576xf32, #tpu.memory_space<hbm>> -> memref<1048576xf32, #tpu.memory_space<hbm>>
      tpu.enqueue_indirect_dma source(%dma_start3A_295 : memref<1048576xf32, #tpu.memory_space<hbm>>) target(%dma_start3A_291 : memref<128xf32, #tpu.memory_space<vmem>>) offsets(%dma_start3A_293 : memref<128xi32, #tpu.memory_space<vmem>>) semaphore(%arg13 : memref<!tpu.dma_semaphore, #tpu.memory_space<semaphore_mem>>)
      %dma_start3A_296 = arith.constant 768 : i32
      %dma_start3A_297 = tpu.memref_slice %arg8[%dma_start3A_296] : memref<2048xf32, #tpu.memory_space<vmem>> -> memref<128xf32, #tpu.memory_space<vmem>>
      %dma_start3A_298 = arith.constant 768 : i32
      %dma_start3A_299 = tpu.memref_slice %arg7[%dma_start3A_298] : memref<2048xi32, #tpu.memory_space<vmem>> -> memref<128xi32, #tpu.memory_space<vmem>>
      %dma_start3A_300 = arith.constant 0 : i32
      %dma_start3A_301 = tpu.memref_slice %arg5[%dma_start3A_300] : memref<1048576xf32, #tpu.memory_space<hbm>> -> memref<1048576xf32, #tpu.memory_space<hbm>>
      tpu.enqueue_indirect_dma source(%dma_start3A_301 : memref<1048576xf32, #tpu.memory_space<hbm>>) target(%dma_start3A_297 : memref<128xf32, #tpu.memory_space<vmem>>) offsets(%dma_start3A_299 : memref<128xi32, #tpu.memory_space<vmem>>) semaphore(%arg13 : memref<!tpu.dma_semaphore, #tpu.memory_space<semaphore_mem>>)
      %dma_start3A_302 = arith.constant 896 : i32
      %dma_start3A_303 = tpu.memref_slice %arg8[%dma_start3A_302] : memref<2048xf32, #tpu.memory_space<vmem>> -> memref<128xf32, #tpu.memory_space<vmem>>
      %dma_start3A_304 = arith.constant 896 : i32
      %dma_start3A_305 = tpu.memref_slice %arg7[%dma_start3A_304] : memref<2048xi32, #tpu.memory_space<vmem>> -> memref<128xi32, #tpu.memory_space<vmem>>
      %dma_start3A_306 = arith.constant 0 : i32
      %dma_start3A_307 = tpu.memref_slice %arg5[%dma_start3A_306] : memref<1048576xf32, #tpu.memory_space<hbm>> -> memref<1048576xf32, #tpu.memory_space<hbm>>
      tpu.enqueue_indirect_dma source(%dma_start3A_307 : memref<1048576xf32, #tpu.memory_space<hbm>>) target(%dma_start3A_303 : memref<128xf32, #tpu.memory_space<vmem>>) offsets(%dma_start3A_305 : memref<128xi32, #tpu.memory_space<vmem>>) semaphore(%arg13 : memref<!tpu.dma_semaphore, #tpu.memory_space<semaphore_mem>>)
      %dma_start3A_308 = arith.constant 1024 : i32
      %dma_start3A_309 = tpu.memref_slice %arg8[%dma_start3A_308] : memref<2048xf32, #tpu.memory_space<vmem>> -> memref<128xf32, #tpu.memory_space<vmem>>
      %dma_start3A_310 = arith.constant 1024 : i32
      %dma_start3A_311 = tpu.memref_slice %arg7[%dma_start3A_310] : memref<2048xi32, #tpu.memory_space<vmem>> -> memref<128xi32, #tpu.memory_space<vmem>>
      %dma_start3A_312 = arith.constant 0 : i32
      %dma_start3A_313 = tpu.memref_slice %arg5[%dma_start3A_312] : memref<1048576xf32, #tpu.memory_space<hbm>> -> memref<1048576xf32, #tpu.memory_space<hbm>>
      tpu.enqueue_indirect_dma source(%dma_start3A_313 : memref<1048576xf32, #tpu.memory_space<hbm>>) target(%dma_start3A_309 : memref<128xf32, #tpu.memory_space<vmem>>) offsets(%dma_start3A_311 : memref<128xi32, #tpu.memory_space<vmem>>) semaphore(%arg13 : memref<!tpu.dma_semaphore, #tpu.memory_space<semaphore_mem>>)
      %dma_start3A_314 = arith.constant 1152 : i32
      %dma_start3A_315 = tpu.memref_slice %arg8[%dma_start3A_314] : memref<2048xf32, #tpu.memory_space<vmem>> -> memref<128xf32, #tpu.memory_space<vmem>>
      %dma_start3A_316 = arith.constant 1152 : i32
      %dma_start3A_317 = tpu.memref_slice %arg7[%dma_start3A_316] : memref<2048xi32, #tpu.memory_space<vmem>> -> memref<128xi32, #tpu.memory_space<vmem>>
      %dma_start3A_318 = arith.constant 0 : i32
      %dma_start3A_319 = tpu.memref_slice %arg5[%dma_start3A_318] : memref<1048576xf32, #tpu.memory_space<hbm>> -> memref<1048576xf32, #tpu.memory_space<hbm>>
      tpu.enqueue_indirect_dma source(%dma_start3A_319 : memref<1048576xf32, #tpu.memory_space<hbm>>) target(%dma_start3A_315 : memref<128xf32, #tpu.memory_space<vmem>>) offsets(%dma_start3A_317 : memref<128xi32, #tpu.memory_space<vmem>>) semaphore(%arg13 : memref<!tpu.dma_semaphore, #tpu.memory_space<semaphore_mem>>)
      %dma_start3A_320 = arith.constant 1280 : i32
      %dma_start3A_321 = tpu.memref_slice %arg8[%dma_start3A_320] : memref<2048xf32, #tpu.memory_space<vmem>> -> memref<128xf32, #tpu.memory_space<vmem>>
      %dma_start3A_322 = arith.constant 1280 : i32
      %dma_start3A_323 = tpu.memref_slice %arg7[%dma_start3A_322] : memref<2048xi32, #tpu.memory_space<vmem>> -> memref<128xi32, #tpu.memory_space<vmem>>
      %dma_start3A_324 = arith.constant 0 : i32
      %dma_start3A_325 = tpu.memref_slice %arg5[%dma_start3A_324] : memref<1048576xf32, #tpu.memory_space<hbm>> -> memref<1048576xf32, #tpu.memory_space<hbm>>
      tpu.enqueue_indirect_dma source(%dma_start3A_325 : memref<1048576xf32, #tpu.memory_space<hbm>>) target(%dma_start3A_321 : memref<128xf32, #tpu.memory_space<vmem>>) offsets(%dma_start3A_323 : memref<128xi32, #tpu.memory_space<vmem>>) semaphore(%arg13 : memref<!tpu.dma_semaphore, #tpu.memory_space<semaphore_mem>>)
      %dma_start3A_326 = arith.constant 1408 : i32
      %dma_start3A_327 = tpu.memref_slice %arg8[%dma_start3A_326] : memref<2048xf32, #tpu.memory_space<vmem>> -> memref<128xf32, #tpu.memory_space<vmem>>
      %dma_start3A_328 = arith.constant 1408 : i32
      %dma_start3A_329 = tpu.memref_slice %arg7[%dma_start3A_328] : memref<2048xi32, #tpu.memory_space<vmem>> -> memref<128xi32, #tpu.memory_space<vmem>>
      %dma_start3A_330 = arith.constant 0 : i32
      %dma_start3A_331 = tpu.memref_slice %arg5[%dma_start3A_330] : memref<1048576xf32, #tpu.memory_space<hbm>> -> memref<1048576xf32, #tpu.memory_space<hbm>>
      tpu.enqueue_indirect_dma source(%dma_start3A_331 : memref<1048576xf32, #tpu.memory_space<hbm>>) target(%dma_start3A_327 : memref<128xf32, #tpu.memory_space<vmem>>) offsets(%dma_start3A_329 : memref<128xi32, #tpu.memory_space<vmem>>) semaphore(%arg13 : memref<!tpu.dma_semaphore, #tpu.memory_space<semaphore_mem>>)
      %dma_start3A_332 = arith.constant 1536 : i32
      %dma_start3A_333 = tpu.memref_slice %arg8[%dma_start3A_332] : memref<2048xf32, #tpu.memory_space<vmem>> -> memref<128xf32, #tpu.memory_space<vmem>>
      %dma_start3A_334 = arith.constant 1536 : i32
      %dma_start3A_335 = tpu.memref_slice %arg7[%dma_start3A_334] : memref<2048xi32, #tpu.memory_space<vmem>> -> memref<128xi32, #tpu.memory_space<vmem>>
      %dma_start3A_336 = arith.constant 0 : i32
      %dma_start3A_337 = tpu.memref_slice %arg5[%dma_start3A_336] : memref<1048576xf32, #tpu.memory_space<hbm>> -> memref<1048576xf32, #tpu.memory_space<hbm>>
      tpu.enqueue_indirect_dma source(%dma_start3A_337 : memref<1048576xf32, #tpu.memory_space<hbm>>) target(%dma_start3A_333 : memref<128xf32, #tpu.memory_space<vmem>>) offsets(%dma_start3A_335 : memref<128xi32, #tpu.memory_space<vmem>>) semaphore(%arg13 : memref<!tpu.dma_semaphore, #tpu.memory_space<semaphore_mem>>)
      %dma_start3A_338 = arith.constant 1664 : i32
      %dma_start3A_339 = tpu.memref_slice %arg8[%dma_start3A_338] : memref<2048xf32, #tpu.memory_space<vmem>> -> memref<128xf32, #tpu.memory_space<vmem>>
      %dma_start3A_340 = arith.constant 1664 : i32
      %dma_start3A_341 = tpu.memref_slice %arg7[%dma_start3A_340] : memref<2048xi32, #tpu.memory_space<vmem>> -> memref<128xi32, #tpu.memory_space<vmem>>
      %dma_start3A_342 = arith.constant 0 : i32
      %dma_start3A_343 = tpu.memref_slice %arg5[%dma_start3A_342] : memref<1048576xf32, #tpu.memory_space<hbm>> -> memref<1048576xf32, #tpu.memory_space<hbm>>
      tpu.enqueue_indirect_dma source(%dma_start3A_343 : memref<1048576xf32, #tpu.memory_space<hbm>>) target(%dma_start3A_339 : memref<128xf32, #tpu.memory_space<vmem>>) offsets(%dma_start3A_341 : memref<128xi32, #tpu.memory_space<vmem>>) semaphore(%arg13 : memref<!tpu.dma_semaphore, #tpu.memory_space<semaphore_mem>>)
      %dma_start3A_344 = arith.constant 1792 : i32
      %dma_start3A_345 = tpu.memref_slice %arg8[%dma_start3A_344] : memref<2048xf32, #tpu.memory_space<vmem>> -> memref<128xf32, #tpu.memory_space<vmem>>
      %dma_start3A_346 = arith.constant 1792 : i32
      %dma_start3A_347 = tpu.memref_slice %arg7[%dma_start3A_346] : memref<2048xi32, #tpu.memory_space<vmem>> -> memref<128xi32, #tpu.memory_space<vmem>>
      %dma_start3A_348 = arith.constant 0 : i32
      %dma_start3A_349 = tpu.memref_slice %arg5[%dma_start3A_348] : memref<1048576xf32, #tpu.memory_space<hbm>> -> memref<1048576xf32, #tpu.memory_space<hbm>>
      tpu.enqueue_indirect_dma source(%dma_start3A_349 : memref<1048576xf32, #tpu.memory_space<hbm>>) target(%dma_start3A_345 : memref<128xf32, #tpu.memory_space<vmem>>) offsets(%dma_start3A_347 : memref<128xi32, #tpu.memory_space<vmem>>) semaphore(%arg13 : memref<!tpu.dma_semaphore, #tpu.memory_space<semaphore_mem>>)
      %dma_start3A_350 = arith.constant 1920 : i32
      %dma_start3A_351 = tpu.memref_slice %arg8[%dma_start3A_350] : memref<2048xf32, #tpu.memory_space<vmem>> -> memref<128xf32, #tpu.memory_space<vmem>>
      %dma_start3A_352 = arith.constant 1920 : i32
      %dma_start3A_353 = tpu.memref_slice %arg7[%dma_start3A_352] : memref<2048xi32, #tpu.memory_space<vmem>> -> memref<128xi32, #tpu.memory_space<vmem>>
      %dma_start3A_354 = arith.constant 0 : i32
      %dma_start3A_355 = tpu.memref_slice %arg5[%dma_start3A_354] : memref<1048576xf32, #tpu.memory_space<hbm>> -> memref<1048576xf32, #tpu.memory_space<hbm>>
      tpu.enqueue_indirect_dma source(%dma_start3A_355 : memref<1048576xf32, #tpu.memory_space<hbm>>) target(%dma_start3A_351 : memref<128xf32, #tpu.memory_space<vmem>>) offsets(%dma_start3A_353 : memref<128xi32, #tpu.memory_space<vmem>>) semaphore(%arg13 : memref<!tpu.dma_semaphore, #tpu.memory_space<semaphore_mem>>)
      %dma_wait3A_356 = arith.constant 0 : i32
      %dma_wait3A_357 = tpu.memref_slice %arg8[%dma_wait3A_356] : memref<2048xf32, #tpu.memory_space<vmem>> -> memref<128xf32, #tpu.memory_space<vmem>>
      %dma_wait3A_358 = arith.constant 0 : i32
      %dma_wait3A_359 = tpu.memref_slice %arg7[%dma_wait3A_358] : memref<2048xi32, #tpu.memory_space<vmem>> -> memref<128xi32, #tpu.memory_space<vmem>>
      %dma_wait3A_360 = arith.constant 0 : i32
      %dma_wait3A_361 = tpu.memref_slice %arg5[%dma_wait3A_360] : memref<1048576xf32, #tpu.memory_space<hbm>> -> memref<1048576xf32, #tpu.memory_space<hbm>>
      tpu.wait_indirect_dma semaphore(%arg13 : memref<!tpu.dma_semaphore, #tpu.memory_space<semaphore_mem>>) src(%dma_wait3A_361 : memref<1048576xf32, #tpu.memory_space<hbm>>) dst(%dma_wait3A_357 : memref<128xf32, #tpu.memory_space<vmem>>)
      %dma_wait3A_362 = arith.constant 128 : i32
      %dma_wait3A_363 = tpu.memref_slice %arg8[%dma_wait3A_362] : memref<2048xf32, #tpu.memory_space<vmem>> -> memref<128xf32, #tpu.memory_space<vmem>>
      %dma_wait3A_364 = arith.constant 128 : i32
      %dma_wait3A_365 = tpu.memref_slice %arg7[%dma_wait3A_364] : memref<2048xi32, #tpu.memory_space<vmem>> -> memref<128xi32, #tpu.memory_space<vmem>>
      %dma_wait3A_366 = arith.constant 0 : i32
      %dma_wait3A_367 = tpu.memref_slice %arg5[%dma_wait3A_366] : memref<1048576xf32, #tpu.memory_space<hbm>> -> memref<1048576xf32, #tpu.memory_space<hbm>>
      tpu.wait_indirect_dma semaphore(%arg13 : memref<!tpu.dma_semaphore, #tpu.memory_space<semaphore_mem>>) src(%dma_wait3A_367 : memref<1048576xf32, #tpu.memory_space<hbm>>) dst(%dma_wait3A_363 : memref<128xf32, #tpu.memory_space<vmem>>)
      %dma_wait3A_368 = arith.constant 256 : i32
      %dma_wait3A_369 = tpu.memref_slice %arg8[%dma_wait3A_368] : memref<2048xf32, #tpu.memory_space<vmem>> -> memref<128xf32, #tpu.memory_space<vmem>>
      %dma_wait3A_370 = arith.constant 256 : i32
      %dma_wait3A_371 = tpu.memref_slice %arg7[%dma_wait3A_370] : memref<2048xi32, #tpu.memory_space<vmem>> -> memref<128xi32, #tpu.memory_space<vmem>>
      %dma_wait3A_372 = arith.constant 0 : i32
      %dma_wait3A_373 = tpu.memref_slice %arg5[%dma_wait3A_372] : memref<1048576xf32, #tpu.memory_space<hbm>> -> memref<1048576xf32, #tpu.memory_space<hbm>>
      tpu.wait_indirect_dma semaphore(%arg13 : memref<!tpu.dma_semaphore, #tpu.memory_space<semaphore_mem>>) src(%dma_wait3A_373 : memref<1048576xf32, #tpu.memory_space<hbm>>) dst(%dma_wait3A_369 : memref<128xf32, #tpu.memory_space<vmem>>)
      %dma_wait3A_374 = arith.constant 384 : i32
      %dma_wait3A_375 = tpu.memref_slice %arg8[%dma_wait3A_374] : memref<2048xf32, #tpu.memory_space<vmem>> -> memref<128xf32, #tpu.memory_space<vmem>>
      %dma_wait3A_376 = arith.constant 384 : i32
      %dma_wait3A_377 = tpu.memref_slice %arg7[%dma_wait3A_376] : memref<2048xi32, #tpu.memory_space<vmem>> -> memref<128xi32, #tpu.memory_space<vmem>>
      %dma_wait3A_378 = arith.constant 0 : i32
      %dma_wait3A_379 = tpu.memref_slice %arg5[%dma_wait3A_378] : memref<1048576xf32, #tpu.memory_space<hbm>> -> memref<1048576xf32, #tpu.memory_space<hbm>>
      tpu.wait_indirect_dma semaphore(%arg13 : memref<!tpu.dma_semaphore, #tpu.memory_space<semaphore_mem>>) src(%dma_wait3A_379 : memref<1048576xf32, #tpu.memory_space<hbm>>) dst(%dma_wait3A_375 : memref<128xf32, #tpu.memory_space<vmem>>)
      %dma_wait3A_380 = arith.constant 512 : i32
      %dma_wait3A_381 = tpu.memref_slice %arg8[%dma_wait3A_380] : memref<2048xf32, #tpu.memory_space<vmem>> -> memref<128xf32, #tpu.memory_space<vmem>>
      %dma_wait3A_382 = arith.constant 512 : i32
      %dma_wait3A_383 = tpu.memref_slice %arg7[%dma_wait3A_382] : memref<2048xi32, #tpu.memory_space<vmem>> -> memref<128xi32, #tpu.memory_space<vmem>>
      %dma_wait3A_384 = arith.constant 0 : i32
      %dma_wait3A_385 = tpu.memref_slice %arg5[%dma_wait3A_384] : memref<1048576xf32, #tpu.memory_space<hbm>> -> memref<1048576xf32, #tpu.memory_space<hbm>>
      tpu.wait_indirect_dma semaphore(%arg13 : memref<!tpu.dma_semaphore, #tpu.memory_space<semaphore_mem>>) src(%dma_wait3A_385 : memref<1048576xf32, #tpu.memory_space<hbm>>) dst(%dma_wait3A_381 : memref<128xf32, #tpu.memory_space<vmem>>)
      %dma_wait3A_386 = arith.constant 640 : i32
      %dma_wait3A_387 = tpu.memref_slice %arg8[%dma_wait3A_386] : memref<2048xf32, #tpu.memory_space<vmem>> -> memref<128xf32, #tpu.memory_space<vmem>>
      %dma_wait3A_388 = arith.constant 640 : i32
      %dma_wait3A_389 = tpu.memref_slice %arg7[%dma_wait3A_388] : memref<2048xi32, #tpu.memory_space<vmem>> -> memref<128xi32, #tpu.memory_space<vmem>>
      %dma_wait3A_390 = arith.constant 0 : i32
      %dma_wait3A_391 = tpu.memref_slice %arg5[%dma_wait3A_390] : memref<1048576xf32, #tpu.memory_space<hbm>> -> memref<1048576xf32, #tpu.memory_space<hbm>>
      tpu.wait_indirect_dma semaphore(%arg13 : memref<!tpu.dma_semaphore, #tpu.memory_space<semaphore_mem>>) src(%dma_wait3A_391 : memref<1048576xf32, #tpu.memory_space<hbm>>) dst(%dma_wait3A_387 : memref<128xf32, #tpu.memory_space<vmem>>)
      %dma_wait3A_392 = arith.constant 768 : i32
      %dma_wait3A_393 = tpu.memref_slice %arg8[%dma_wait3A_392] : memref<2048xf32, #tpu.memory_space<vmem>> -> memref<128xf32, #tpu.memory_space<vmem>>
      %dma_wait3A_394 = arith.constant 768 : i32
      %dma_wait3A_395 = tpu.memref_slice %arg7[%dma_wait3A_394] : memref<2048xi32, #tpu.memory_space<vmem>> -> memref<128xi32, #tpu.memory_space<vmem>>
      %dma_wait3A_396 = arith.constant 0 : i32
      %dma_wait3A_397 = tpu.memref_slice %arg5[%dma_wait3A_396] : memref<1048576xf32, #tpu.memory_space<hbm>> -> memref<1048576xf32, #tpu.memory_space<hbm>>
      tpu.wait_indirect_dma semaphore(%arg13 : memref<!tpu.dma_semaphore, #tpu.memory_space<semaphore_mem>>) src(%dma_wait3A_397 : memref<1048576xf32, #tpu.memory_space<hbm>>) dst(%dma_wait3A_393 : memref<128xf32, #tpu.memory_space<vmem>>)
      %dma_wait3A_398 = arith.constant 896 : i32
      %dma_wait3A_399 = tpu.memref_slice %arg8[%dma_wait3A_398] : memref<2048xf32, #tpu.memory_space<vmem>> -> memref<128xf32, #tpu.memory_space<vmem>>
      %dma_wait3A_400 = arith.constant 896 : i32
      %dma_wait3A_401 = tpu.memref_slice %arg7[%dma_wait3A_400] : memref<2048xi32, #tpu.memory_space<vmem>> -> memref<128xi32, #tpu.memory_space<vmem>>
      %dma_wait3A_402 = arith.constant 0 : i32
      %dma_wait3A_403 = tpu.memref_slice %arg5[%dma_wait3A_402] : memref<1048576xf32, #tpu.memory_space<hbm>> -> memref<1048576xf32, #tpu.memory_space<hbm>>
      tpu.wait_indirect_dma semaphore(%arg13 : memref<!tpu.dma_semaphore, #tpu.memory_space<semaphore_mem>>) src(%dma_wait3A_403 : memref<1048576xf32, #tpu.memory_space<hbm>>) dst(%dma_wait3A_399 : memref<128xf32, #tpu.memory_space<vmem>>)
      %dma_wait3A_404 = arith.constant 1024 : i32
      %dma_wait3A_405 = tpu.memref_slice %arg8[%dma_wait3A_404] : memref<2048xf32, #tpu.memory_space<vmem>> -> memref<128xf32, #tpu.memory_space<vmem>>
      %dma_wait3A_406 = arith.constant 1024 : i32
      %dma_wait3A_407 = tpu.memref_slice %arg7[%dma_wait3A_406] : memref<2048xi32, #tpu.memory_space<vmem>> -> memref<128xi32, #tpu.memory_space<vmem>>
      %dma_wait3A_408 = arith.constant 0 : i32
      %dma_wait3A_409 = tpu.memref_slice %arg5[%dma_wait3A_408] : memref<1048576xf32, #tpu.memory_space<hbm>> -> memref<1048576xf32, #tpu.memory_space<hbm>>
      tpu.wait_indirect_dma semaphore(%arg13 : memref<!tpu.dma_semaphore, #tpu.memory_space<semaphore_mem>>) src(%dma_wait3A_409 : memref<1048576xf32, #tpu.memory_space<hbm>>) dst(%dma_wait3A_405 : memref<128xf32, #tpu.memory_space<vmem>>)
      %dma_wait3A_410 = arith.constant 1152 : i32
      %dma_wait3A_411 = tpu.memref_slice %arg8[%dma_wait3A_410] : memref<2048xf32, #tpu.memory_space<vmem>> -> memref<128xf32, #tpu.memory_space<vmem>>
      %dma_wait3A_412 = arith.constant 1152 : i32
      %dma_wait3A_413 = tpu.memref_slice %arg7[%dma_wait3A_412] : memref<2048xi32, #tpu.memory_space<vmem>> -> memref<128xi32, #tpu.memory_space<vmem>>
      %dma_wait3A_414 = arith.constant 0 : i32
      %dma_wait3A_415 = tpu.memref_slice %arg5[%dma_wait3A_414] : memref<1048576xf32, #tpu.memory_space<hbm>> -> memref<1048576xf32, #tpu.memory_space<hbm>>
      tpu.wait_indirect_dma semaphore(%arg13 : memref<!tpu.dma_semaphore, #tpu.memory_space<semaphore_mem>>) src(%dma_wait3A_415 : memref<1048576xf32, #tpu.memory_space<hbm>>) dst(%dma_wait3A_411 : memref<128xf32, #tpu.memory_space<vmem>>)
      %dma_wait3A_416 = arith.constant 1280 : i32
      %dma_wait3A_417 = tpu.memref_slice %arg8[%dma_wait3A_416] : memref<2048xf32, #tpu.memory_space<vmem>> -> memref<128xf32, #tpu.memory_space<vmem>>
      %dma_wait3A_418 = arith.constant 1280 : i32
      %dma_wait3A_419 = tpu.memref_slice %arg7[%dma_wait3A_418] : memref<2048xi32, #tpu.memory_space<vmem>> -> memref<128xi32, #tpu.memory_space<vmem>>
      %dma_wait3A_420 = arith.constant 0 : i32
      %dma_wait3A_421 = tpu.memref_slice %arg5[%dma_wait3A_420] : memref<1048576xf32, #tpu.memory_space<hbm>> -> memref<1048576xf32, #tpu.memory_space<hbm>>
      tpu.wait_indirect_dma semaphore(%arg13 : memref<!tpu.dma_semaphore, #tpu.memory_space<semaphore_mem>>) src(%dma_wait3A_421 : memref<1048576xf32, #tpu.memory_space<hbm>>) dst(%dma_wait3A_417 : memref<128xf32, #tpu.memory_space<vmem>>)
      %dma_wait3A_422 = arith.constant 1408 : i32
      %dma_wait3A_423 = tpu.memref_slice %arg8[%dma_wait3A_422] : memref<2048xf32, #tpu.memory_space<vmem>> -> memref<128xf32, #tpu.memory_space<vmem>>
      %dma_wait3A_424 = arith.constant 1408 : i32
      %dma_wait3A_425 = tpu.memref_slice %arg7[%dma_wait3A_424] : memref<2048xi32, #tpu.memory_space<vmem>> -> memref<128xi32, #tpu.memory_space<vmem>>
      %dma_wait3A_426 = arith.constant 0 : i32
      %dma_wait3A_427 = tpu.memref_slice %arg5[%dma_wait3A_426] : memref<1048576xf32, #tpu.memory_space<hbm>> -> memref<1048576xf32, #tpu.memory_space<hbm>>
      tpu.wait_indirect_dma semaphore(%arg13 : memref<!tpu.dma_semaphore, #tpu.memory_space<semaphore_mem>>) src(%dma_wait3A_427 : memref<1048576xf32, #tpu.memory_space<hbm>>) dst(%dma_wait3A_423 : memref<128xf32, #tpu.memory_space<vmem>>)
      %dma_wait3A_428 = arith.constant 1536 : i32
      %dma_wait3A_429 = tpu.memref_slice %arg8[%dma_wait3A_428] : memref<2048xf32, #tpu.memory_space<vmem>> -> memref<128xf32, #tpu.memory_space<vmem>>
      %dma_wait3A_430 = arith.constant 1536 : i32
      %dma_wait3A_431 = tpu.memref_slice %arg7[%dma_wait3A_430] : memref<2048xi32, #tpu.memory_space<vmem>> -> memref<128xi32, #tpu.memory_space<vmem>>
      %dma_wait3A_432 = arith.constant 0 : i32
      %dma_wait3A_433 = tpu.memref_slice %arg5[%dma_wait3A_432] : memref<1048576xf32, #tpu.memory_space<hbm>> -> memref<1048576xf32, #tpu.memory_space<hbm>>
      tpu.wait_indirect_dma semaphore(%arg13 : memref<!tpu.dma_semaphore, #tpu.memory_space<semaphore_mem>>) src(%dma_wait3A_433 : memref<1048576xf32, #tpu.memory_space<hbm>>) dst(%dma_wait3A_429 : memref<128xf32, #tpu.memory_space<vmem>>)
      %dma_wait3A_434 = arith.constant 1664 : i32
      %dma_wait3A_435 = tpu.memref_slice %arg8[%dma_wait3A_434] : memref<2048xf32, #tpu.memory_space<vmem>> -> memref<128xf32, #tpu.memory_space<vmem>>
      %dma_wait3A_436 = arith.constant 1664 : i32
      %dma_wait3A_437 = tpu.memref_slice %arg7[%dma_wait3A_436] : memref<2048xi32, #tpu.memory_space<vmem>> -> memref<128xi32, #tpu.memory_space<vmem>>
      %dma_wait3A_438 = arith.constant 0 : i32
      %dma_wait3A_439 = tpu.memref_slice %arg5[%dma_wait3A_438] : memref<1048576xf32, #tpu.memory_space<hbm>> -> memref<1048576xf32, #tpu.memory_space<hbm>>
      tpu.wait_indirect_dma semaphore(%arg13 : memref<!tpu.dma_semaphore, #tpu.memory_space<semaphore_mem>>) src(%dma_wait3A_439 : memref<1048576xf32, #tpu.memory_space<hbm>>) dst(%dma_wait3A_435 : memref<128xf32, #tpu.memory_space<vmem>>)
      %dma_wait3A_440 = arith.constant 1792 : i32
      %dma_wait3A_441 = tpu.memref_slice %arg8[%dma_wait3A_440] : memref<2048xf32, #tpu.memory_space<vmem>> -> memref<128xf32, #tpu.memory_space<vmem>>
      %dma_wait3A_442 = arith.constant 1792 : i32
      %dma_wait3A_443 = tpu.memref_slice %arg7[%dma_wait3A_442] : memref<2048xi32, #tpu.memory_space<vmem>> -> memref<128xi32, #tpu.memory_space<vmem>>
      %dma_wait3A_444 = arith.constant 0 : i32
      %dma_wait3A_445 = tpu.memref_slice %arg5[%dma_wait3A_444] : memref<1048576xf32, #tpu.memory_space<hbm>> -> memref<1048576xf32, #tpu.memory_space<hbm>>
      tpu.wait_indirect_dma semaphore(%arg13 : memref<!tpu.dma_semaphore, #tpu.memory_space<semaphore_mem>>) src(%dma_wait3A_445 : memref<1048576xf32, #tpu.memory_space<hbm>>) dst(%dma_wait3A_441 : memref<128xf32, #tpu.memory_space<vmem>>)
      %dma_wait3A_446 = arith.constant 1920 : i32
      %dma_wait3A_447 = tpu.memref_slice %arg8[%dma_wait3A_446] : memref<2048xf32, #tpu.memory_space<vmem>> -> memref<128xf32, #tpu.memory_space<vmem>>
      %dma_wait3A_448 = arith.constant 1920 : i32
      %dma_wait3A_449 = tpu.memref_slice %arg7[%dma_wait3A_448] : memref<2048xi32, #tpu.memory_space<vmem>> -> memref<128xi32, #tpu.memory_space<vmem>>
      %dma_wait3A_450 = arith.constant 0 : i32
      %dma_wait3A_451 = tpu.memref_slice %arg5[%dma_wait3A_450] : memref<1048576xf32, #tpu.memory_space<hbm>> -> memref<1048576xf32, #tpu.memory_space<hbm>>
      tpu.wait_indirect_dma semaphore(%arg13 : memref<!tpu.dma_semaphore, #tpu.memory_space<semaphore_mem>>) src(%dma_wait3A_451 : memref<1048576xf32, #tpu.memory_space<hbm>>) dst(%dma_wait3A_447 : memref<128xf32, #tpu.memory_space<vmem>>)
      %scan3A_452 = arith.constant 0 : i32
      %scan3A_453 = arith.constant 0 : i32
      %scan3A_454 = arith.constant 128 : i32
      %scan3A_455 = arith.addi %scan3A_453, %scan3A_454 : i32
      %scan3A_456 = arith.constant 1 : i32
      %scan3A_457 = scf.for %scan3A_464 = %scan3A_453 to %scan3A_455 step %scan3A_456 iter_args(%scan3A_465 = %scan3A_452) -> (i32)  : i32 {
        %lt3A_466 = arith.constant 128 : i32
        %lt3A_467 = arith.cmpi slt, %scan3A_465, %lt3A_466 : i32
        %convert_element_type3A_468 = arith.extui %lt3A_467 : i1 to i32
        %cond3A_469 = arith.constant 0 : i32
        %cond3A_470 = arith.cmpi ne, %convert_element_type3A_468, %cond3A_469 : i32
        %cond3A_471 = scf.if %cond3A_470 -> (i32) {
          %mul3A_472 = arith.constant 16 : i32
          %mul3A_473 = arith.muli %scan3A_464, %mul3A_472 : i32
          %get3A = arith.index_cast %mul3A_473 : i32 to index
          %get3A_474 = tpu.vector_load %arg8[%get3A] {strides = array<i32>} : memref<2048xf32, #tpu.memory_space<vmem>>, vector<16xf32>,
          %mul3A_475 = arith.constant 16 : i32
          %mul3A_476 = arith.muli %scan3A_464, %mul3A_475 : i32
          %get3A_477 = arith.index_cast %mul3A_476 : i32 to index
          %get3A_478 = tpu.vector_load %arg7[%get3A_477] {strides = array<i32>} : memref<2048xi32, #tpu.memory_space<vmem>>, vector<16xi32>,
          %gt3A = arith.constant 5.000000e-01 : f32
          %gt3A_479 = vector.broadcast %gt3A : f32 to vector<16xf32>
          %gt3A_480 = arith.cmpf ogt, %get3A_474, %gt3A_479 : vector<16xf32>
          %convert_element_type3A_481 = arith.extui %gt3A_480 : vector<16xi1> to vector<16xi32>
          %broadcast_in_dim3A = arith.constant true
          %broadcast_in_dim3A_482 = vector.broadcast %broadcast_in_dim3A : i1 to vector<16xi1>
          %masked_cumsum3A = tpu.scan <sum>, %convert_element_type3A_481 masked %broadcast_in_dim3A_482 : vector<16xi32>, vector<16xi1> -> vector<16xi32>
          %add3A_483 = vector.broadcast %scan3A_465 : i32 to vector<16xi32>
          %add3A_484 = arith.addi %add3A_483, %masked_cumsum3A : vector<16xi32>
          %sub3A = arith.constant 1 : i32
          %sub3A_485 = vector.broadcast %sub3A : i32 to vector<16xi32>
          %sub3A_486 = arith.subi %add3A_484, %sub3A_485 : vector<16xi32>
          %lt3A_487 = arith.constant 128 : i32
          %lt3A_488 = vector.broadcast %lt3A_487 : i32 to vector<16xi32>
          %lt3A_489 = arith.cmpi slt, %sub3A_486, %lt3A_488 : vector<16xi32>
          %and3A = arith.andi %gt3A_480, %lt3A_489 : vector<16xi1>
          %shift_right_arithmetic3A = arith.constant 18 : i32
          %shift_right_arithmetic3A_490 = vector.broadcast %shift_right_arithmetic3A : i32 to vector<16xi32>
          %shift_right_arithmetic3A_491 = arith.shrsi %get3A_478, %shift_right_arithmetic3A_490 : vector<16xi32>
          %mul3A_492 = arith.constant 25165824 : i32
          %mul3A_493 = vector.broadcast %mul3A_492 : i32 to vector<16xi32>
          %mul3A_494 = arith.muli %shift_right_arithmetic3A_491, %mul3A_493 : vector<16xi32>
          %and3A_495 = arith.constant 262143 : i32
          %and3A_496 = vector.broadcast %and3A_495 : i32 to vector<16xi32>
          %and3A_497 = arith.andi %get3A_478, %and3A_496 : vector<16xi32>
          %add3A_498 = arith.addi %mul3A_494, %and3A_497 : vector<16xi32>
          %add3A_499 = arith.constant 0 : i32
          %add3A_500 = vector.broadcast %add3A_499 : i32 to vector<16xi32>
          %add3A_501 = arith.addi %sub3A_486, %add3A_500 : vector<16xi32>
          tpu.vector_store_idx %arg9[%add3A_501], %add3A_498 masked %and3A : memref<640xi32, #tpu.memory_space<vmem>>[vector<16xi32>], vector<16xi32>, vector<16xi1>
          %reduce_sum3A = arith.constant true
          %reduce_sum3A_502 = vector.broadcast %reduce_sum3A : i1 to vector<16xi1>
          %reduce_sum3A_503 = tpu.scan <sum>, %convert_element_type3A_481 masked %reduce_sum3A_502 : vector<16xi32>, vector<16xi1> -> vector<16xi32>
          %reduce_sum3A_504 = vector.extract %reduce_sum3A_503[15] : i32 from vector<16xi32>
          %add3A_505 = arith.addi %scan3A_465, %reduce_sum3A_504 : i32
          scf.yield %add3A_505 : i32
        } else {
          scf.yield %scan3A_465 : i32
        }
        scf.yield %cond3A_471 : i32
      }
      %scan3A_458 = arith.constant 128 : i32
      %lt3A = arith.constant 128 : i32
      %lt3A_459 = arith.cmpi slt, %scan3A_457, %lt3A : i32
      %convert_element_type3A_460 = arith.extui %lt3A_459 : i1 to i32
      %cond3A_461 = arith.constant 0 : i32
      %cond3A_462 = arith.cmpi ne, %convert_element_type3A_460, %cond3A_461 : i32
      %cond3A_463 = scf.if %cond3A_462 -> (i32) {
        %scan3A_464 = arith.constant 1 : i32
        %scan3A_465 = arith.constant 511 : i32
        %scan3A_466 = arith.addi %scan3A_464, %scan3A_465 : i32
        %scan3A_467 = arith.constant 1 : i32
        %scan3A_468 = scf.for %scan3A_470 = %scan3A_464 to %scan3A_466 step %scan3A_467 iter_args(%scan3A_471 = %scan3A_457) -> (i32)  : i32 {
          %lt3A_472 = arith.constant 128 : i32
          %lt3A_473 = arith.cmpi slt, %scan3A_471, %lt3A_472 : i32
          %convert_element_type3A_474 = arith.extui %lt3A_473 : i1 to i32
          %cond3A_475 = arith.constant 0 : i32
          %cond3A_476 = arith.cmpi ne, %convert_element_type3A_474, %cond3A_475 : i32
          %cond3A_477 = scf.if %cond3A_476 -> (i32) {
            %mul3A_478 = arith.constant 2048 : i32
            %mul3A_479 = arith.muli %scan3A_470, %mul3A_478 : i32
            %multiple_of3A_480 = tpu.assume_multiple %mul3A_479, 2048 : i32
            "tpu.region"() ({
              %run_scoped3A = tpu.sem_alloc : memref<!tpu.dma_semaphore, #tpu.memory_space<semaphore_mem>>
              %dma_start3A_679 = tpu.memref_slice %arg3[%multiple_of3A_480] : memref<1048576xi32, #tpu.memory_space<hbm>> -> memref<2048xi32, #tpu.memory_space<hbm>>
              %dma_start3A_680 = tpu.memref_slice %arg3[%multiple_of3A_480] : memref<1048576xi32, #tpu.memory_space<hbm>> -> memref<2048xi32, #tpu.memory_space<hbm>>
              tpu.enqueue_dma source(%dma_start3A_680 : memref<2048xi32, #tpu.memory_space<hbm>>) target(%arg7 : memref<2048xi32, #tpu.memory_space<vmem>>) target_semaphore(%run_scoped3A : memref<!tpu.dma_semaphore, #tpu.memory_space<semaphore_mem>>)
              %dma_wait3A_681 = tpu.memref_slice %arg3[%multiple_of3A_480] : memref<1048576xi32, #tpu.memory_space<hbm>> -> memref<2048xi32, #tpu.memory_space<hbm>>
              %dma_wait3A_682 = tpu.memref_slice %arg3[%multiple_of3A_480] : memref<1048576xi32, #tpu.memory_space<hbm>> -> memref<2048xi32, #tpu.memory_space<hbm>>
              tpu.wait_dma2 semaphore(%run_scoped3A : memref<!tpu.dma_semaphore, #tpu.memory_space<semaphore_mem>>) src(%dma_wait3A_682 : memref<2048xi32, #tpu.memory_space<hbm>>) dst(%arg7 : memref<2048xi32, #tpu.memory_space<vmem>>)
              tpu.yield
            }) : () -> ()
            %dma_start3A_481 = arith.constant 0 : i32
            %dma_start3A_482 = tpu.memref_slice %arg8[%dma_start3A_481] : memref<2048xf32, #tpu.memory_space<vmem>> -> memref<128xf32, #tpu.memory_space<vmem>>
            %dma_start3A_483 = arith.constant 0 : i32
            %dma_start3A_484 = tpu.memref_slice %arg7[%dma_start3A_483] : memref<2048xi32, #tpu.memory_space<vmem>> -> memref<128xi32, #tpu.memory_space<vmem>>
            %dma_start3A_485 = arith.constant 0 : i32
            %dma_start3A_486 = tpu.memref_slice %arg5[%dma_start3A_485] : memref<1048576xf32, #tpu.memory_space<hbm>> -> memref<1048576xf32, #tpu.memory_space<hbm>>
            tpu.enqueue_indirect_dma source(%dma_start3A_486 : memref<1048576xf32, #tpu.memory_space<hbm>>) target(%dma_start3A_482 : memref<128xf32, #tpu.memory_space<vmem>>) offsets(%dma_start3A_484 : memref<128xi32, #tpu.memory_space<vmem>>) semaphore(%arg13 : memref<!tpu.dma_semaphore, #tpu.memory_space<semaphore_mem>>)
            %dma_start3A_487 = arith.constant 128 : i32
            %dma_start3A_488 = tpu.memref_slice %arg8[%dma_start3A_487] : memref<2048xf32, #tpu.memory_space<vmem>> -> memref<128xf32, #tpu.memory_space<vmem>>
            %dma_start3A_489 = arith.constant 128 : i32
            %dma_start3A_490 = tpu.memref_slice %arg7[%dma_start3A_489] : memref<2048xi32, #tpu.memory_space<vmem>> -> memref<128xi32, #tpu.memory_space<vmem>>
            %dma_start3A_491 = arith.constant 0 : i32
            %dma_start3A_492 = tpu.memref_slice %arg5[%dma_start3A_491] : memref<1048576xf32, #tpu.memory_space<hbm>> -> memref<1048576xf32, #tpu.memory_space<hbm>>
            tpu.enqueue_indirect_dma source(%dma_start3A_492 : memref<1048576xf32, #tpu.memory_space<hbm>>) target(%dma_start3A_488 : memref<128xf32, #tpu.memory_space<vmem>>) offsets(%dma_start3A_490 : memref<128xi32, #tpu.memory_space<vmem>>) semaphore(%arg13 : memref<!tpu.dma_semaphore, #tpu.memory_space<semaphore_mem>>)
            %dma_start3A_493 = arith.constant 256 : i32
            %dma_start3A_494 = tpu.memref_slice %arg8[%dma_start3A_493] : memref<2048xf32, #tpu.memory_space<vmem>> -> memref<128xf32, #tpu.memory_space<vmem>>
            %dma_start3A_495 = arith.constant 256 : i32
            %dma_start3A_496 = tpu.memref_slice %arg7[%dma_start3A_495] : memref<2048xi32, #tpu.memory_space<vmem>> -> memref<128xi32, #tpu.memory_space<vmem>>
            %dma_start3A_497 = arith.constant 0 : i32
            %dma_start3A_498 = tpu.memref_slice %arg5[%dma_start3A_497] : memref<1048576xf32, #tpu.memory_space<hbm>> -> memref<1048576xf32, #tpu.memory_space<hbm>>
            tpu.enqueue_indirect_dma source(%dma_start3A_498 : memref<1048576xf32, #tpu.memory_space<hbm>>) target(%dma_start3A_494 : memref<128xf32, #tpu.memory_space<vmem>>) offsets(%dma_start3A_496 : memref<128xi32, #tpu.memory_space<vmem>>) semaphore(%arg13 : memref<!tpu.dma_semaphore, #tpu.memory_space<semaphore_mem>>)
            %dma_start3A_499 = arith.constant 384 : i32
            %dma_start3A_500 = tpu.memref_slice %arg8[%dma_start3A_499] : memref<2048xf32, #tpu.memory_space<vmem>> -> memref<128xf32, #tpu.memory_space<vmem>>
            %dma_start3A_501 = arith.constant 384 : i32
            %dma_start3A_502 = tpu.memref_slice %arg7[%dma_start3A_501] : memref<2048xi32, #tpu.memory_space<vmem>> -> memref<128xi32, #tpu.memory_space<vmem>>
            %dma_start3A_503 = arith.constant 0 : i32
            %dma_start3A_504 = tpu.memref_slice %arg5[%dma_start3A_503] : memref<1048576xf32, #tpu.memory_space<hbm>> -> memref<1048576xf32, #tpu.memory_space<hbm>>
            tpu.enqueue_indirect_dma source(%dma_start3A_504 : memref<1048576xf32, #tpu.memory_space<hbm>>) target(%dma_start3A_500 : memref<128xf32, #tpu.memory_space<vmem>>) offsets(%dma_start3A_502 : memref<128xi32, #tpu.memory_space<vmem>>) semaphore(%arg13 : memref<!tpu.dma_semaphore, #tpu.memory_space<semaphore_mem>>)
            %dma_start3A_505 = arith.constant 512 : i32
            %dma_start3A_506 = tpu.memref_slice %arg8[%dma_start3A_505] : memref<2048xf32, #tpu.memory_space<vmem>> -> memref<128xf32, #tpu.memory_space<vmem>>
            %dma_start3A_507 = arith.constant 512 : i32
            %dma_start3A_508 = tpu.memref_slice %arg7[%dma_start3A_507] : memref<2048xi32, #tpu.memory_space<vmem>> -> memref<128xi32, #tpu.memory_space<vmem>>
            %dma_start3A_509 = arith.constant 0 : i32
            %dma_start3A_510 = tpu.memref_slice %arg5[%dma_start3A_509] : memref<1048576xf32, #tpu.memory_space<hbm>> -> memref<1048576xf32, #tpu.memory_space<hbm>>
            tpu.enqueue_indirect_dma source(%dma_start3A_510 : memref<1048576xf32, #tpu.memory_space<hbm>>) target(%dma_start3A_506 : memref<128xf32, #tpu.memory_space<vmem>>) offsets(%dma_start3A_508 : memref<128xi32, #tpu.memory_space<vmem>>) semaphore(%arg13 : memref<!tpu.dma_semaphore, #tpu.memory_space<semaphore_mem>>)
            %dma_start3A_511 = arith.constant 640 : i32
            %dma_start3A_512 = tpu.memref_slice %arg8[%dma_start3A_511] : memref<2048xf32, #tpu.memory_space<vmem>> -> memref<128xf32, #tpu.memory_space<vmem>>
            %dma_start3A_513 = arith.constant 640 : i32
            %dma_start3A_514 = tpu.memref_slice %arg7[%dma_start3A_513] : memref<2048xi32, #tpu.memory_space<vmem>> -> memref<128xi32, #tpu.memory_space<vmem>>
            %dma_start3A_515 = arith.constant 0 : i32
            %dma_start3A_516 = tpu.memref_slice %arg5[%dma_start3A_515] : memref<1048576xf32, #tpu.memory_space<hbm>> -> memref<1048576xf32, #tpu.memory_space<hbm>>
            tpu.enqueue_indirect_dma source(%dma_start3A_516 : memref<1048576xf32, #tpu.memory_space<hbm>>) target(%dma_start3A_512 : memref<128xf32, #tpu.memory_space<vmem>>) offsets(%dma_start3A_514 : memref<128xi32, #tpu.memory_space<vmem>>) semaphore(%arg13 : memref<!tpu.dma_semaphore, #tpu.memory_space<semaphore_mem>>)
            %dma_start3A_517 = arith.constant 768 : i32
            %dma_start3A_518 = tpu.memref_slice %arg8[%dma_start3A_517] : memref<2048xf32, #tpu.memory_space<vmem>> -> memref<128xf32, #tpu.memory_space<vmem>>
            %dma_start3A_519 = arith.constant 768 : i32
            %dma_start3A_520 = tpu.memref_slice %arg7[%dma_start3A_519] : memref<2048xi32, #tpu.memory_space<vmem>> -> memref<128xi32, #tpu.memory_space<vmem>>
            %dma_start3A_521 = arith.constant 0 : i32
            %dma_start3A_522 = tpu.memref_slice %arg5[%dma_start3A_521] : memref<1048576xf32, #tpu.memory_space<hbm>> -> memref<1048576xf32, #tpu.memory_space<hbm>>
            tpu.enqueue_indirect_dma source(%dma_start3A_522 : memref<1048576xf32, #tpu.memory_space<hbm>>) target(%dma_start3A_518 : memref<128xf32, #tpu.memory_space<vmem>>) offsets(%dma_start3A_520 : memref<128xi32, #tpu.memory_space<vmem>>) semaphore(%arg13 : memref<!tpu.dma_semaphore, #tpu.memory_space<semaphore_mem>>)
            %dma_start3A_523 = arith.constant 896 : i32
            %dma_start3A_524 = tpu.memref_slice %arg8[%dma_start3A_523] : memref<2048xf32, #tpu.memory_space<vmem>> -> memref<128xf32, #tpu.memory_space<vmem>>
            %dma_start3A_525 = arith.constant 896 : i32
            %dma_start3A_526 = tpu.memref_slice %arg7[%dma_start3A_525] : memref<2048xi32, #tpu.memory_space<vmem>> -> memref<128xi32, #tpu.memory_space<vmem>>
            %dma_start3A_527 = arith.constant 0 : i32
            %dma_start3A_528 = tpu.memref_slice %arg5[%dma_start3A_527] : memref<1048576xf32, #tpu.memory_space<hbm>> -> memref<1048576xf32, #tpu.memory_space<hbm>>
            tpu.enqueue_indirect_dma source(%dma_start3A_528 : memref<1048576xf32, #tpu.memory_space<hbm>>) target(%dma_start3A_524 : memref<128xf32, #tpu.memory_space<vmem>>) offsets(%dma_start3A_526 : memref<128xi32, #tpu.memory_space<vmem>>) semaphore(%arg13 : memref<!tpu.dma_semaphore, #tpu.memory_space<semaphore_mem>>)
            %dma_start3A_529 = arith.constant 1024 : i32
            %dma_start3A_530 = tpu.memref_slice %arg8[%dma_start3A_529] : memref<2048xf32, #tpu.memory_space<vmem>> -> memref<128xf32, #tpu.memory_space<vmem>>
            %dma_start3A_531 = arith.constant 1024 : i32
            %dma_start3A_532 = tpu.memref_slice %arg7[%dma_start3A_531] : memref<2048xi32, #tpu.memory_space<vmem>> -> memref<128xi32, #tpu.memory_space<vmem>>
            %dma_start3A_533 = arith.constant 0 : i32
            %dma_start3A_534 = tpu.memref_slice %arg5[%dma_start3A_533] : memref<1048576xf32, #tpu.memory_space<hbm>> -> memref<1048576xf32, #tpu.memory_space<hbm>>
            tpu.enqueue_indirect_dma source(%dma_start3A_534 : memref<1048576xf32, #tpu.memory_space<hbm>>) target(%dma_start3A_530 : memref<128xf32, #tpu.memory_space<vmem>>) offsets(%dma_start3A_532 : memref<128xi32, #tpu.memory_space<vmem>>) semaphore(%arg13 : memref<!tpu.dma_semaphore, #tpu.memory_space<semaphore_mem>>)
            %dma_start3A_535 = arith.constant 1152 : i32
            %dma_start3A_536 = tpu.memref_slice %arg8[%dma_start3A_535] : memref<2048xf32, #tpu.memory_space<vmem>> -> memref<128xf32, #tpu.memory_space<vmem>>
            %dma_start3A_537 = arith.constant 1152 : i32
            %dma_start3A_538 = tpu.memref_slice %arg7[%dma_start3A_537] : memref<2048xi32, #tpu.memory_space<vmem>> -> memref<128xi32, #tpu.memory_space<vmem>>
            %dma_start3A_539 = arith.constant 0 : i32
            %dma_start3A_540 = tpu.memref_slice %arg5[%dma_start3A_539] : memref<1048576xf32, #tpu.memory_space<hbm>> -> memref<1048576xf32, #tpu.memory_space<hbm>>
            tpu.enqueue_indirect_dma source(%dma_start3A_540 : memref<1048576xf32, #tpu.memory_space<hbm>>) target(%dma_start3A_536 : memref<128xf32, #tpu.memory_space<vmem>>) offsets(%dma_start3A_538 : memref<128xi32, #tpu.memory_space<vmem>>) semaphore(%arg13 : memref<!tpu.dma_semaphore, #tpu.memory_space<semaphore_mem>>)
            %dma_start3A_541 = arith.constant 1280 : i32
            %dma_start3A_542 = tpu.memref_slice %arg8[%dma_start3A_541] : memref<2048xf32, #tpu.memory_space<vmem>> -> memref<128xf32, #tpu.memory_space<vmem>>
            %dma_start3A_543 = arith.constant 1280 : i32
            %dma_start3A_544 = tpu.memref_slice %arg7[%dma_start3A_543] : memref<2048xi32, #tpu.memory_space<vmem>> -> memref<128xi32, #tpu.memory_space<vmem>>
            %dma_start3A_545 = arith.constant 0 : i32
            %dma_start3A_546 = tpu.memref_slice %arg5[%dma_start3A_545] : memref<1048576xf32, #tpu.memory_space<hbm>> -> memref<1048576xf32, #tpu.memory_space<hbm>>
            tpu.enqueue_indirect_dma source(%dma_start3A_546 : memref<1048576xf32, #tpu.memory_space<hbm>>) target(%dma_start3A_542 : memref<128xf32, #tpu.memory_space<vmem>>) offsets(%dma_start3A_544 : memref<128xi32, #tpu.memory_space<vmem>>) semaphore(%arg13 : memref<!tpu.dma_semaphore, #tpu.memory_space<semaphore_mem>>)
            %dma_start3A_547 = arith.constant 1408 : i32
            %dma_start3A_548 = tpu.memref_slice %arg8[%dma_start3A_547] : memref<2048xf32, #tpu.memory_space<vmem>> -> memref<128xf32, #tpu.memory_space<vmem>>
            %dma_start3A_549 = arith.constant 1408 : i32
            %dma_start3A_550 = tpu.memref_slice %arg7[%dma_start3A_549] : memref<2048xi32, #tpu.memory_space<vmem>> -> memref<128xi32, #tpu.memory_space<vmem>>
            %dma_start3A_551 = arith.constant 0 : i32
            %dma_start3A_552 = tpu.memref_slice %arg5[%dma_start3A_551] : memref<1048576xf32, #tpu.memory_space<hbm>> -> memref<1048576xf32, #tpu.memory_space<hbm>>
            tpu.enqueue_indirect_dma source(%dma_start3A_552 : memref<1048576xf32, #tpu.memory_space<hbm>>) target(%dma_start3A_548 : memref<128xf32, #tpu.memory_space<vmem>>) offsets(%dma_start3A_550 : memref<128xi32, #tpu.memory_space<vmem>>) semaphore(%arg13 : memref<!tpu.dma_semaphore, #tpu.memory_space<semaphore_mem>>)
            %dma_start3A_553 = arith.constant 1536 : i32
            %dma_start3A_554 = tpu.memref_slice %arg8[%dma_start3A_553] : memref<2048xf32, #tpu.memory_space<vmem>> -> memref<128xf32, #tpu.memory_space<vmem>>
            %dma_start3A_555 = arith.constant 1536 : i32
            %dma_start3A_556 = tpu.memref_slice %arg7[%dma_start3A_555] : memref<2048xi32, #tpu.memory_space<vmem>> -> memref<128xi32, #tpu.memory_space<vmem>>
            %dma_start3A_557 = arith.constant 0 : i32
            %dma_start3A_558 = tpu.memref_slice %arg5[%dma_start3A_557] : memref<1048576xf32, #tpu.memory_space<hbm>> -> memref<1048576xf32, #tpu.memory_space<hbm>>
            tpu.enqueue_indirect_dma source(%dma_start3A_558 : memref<1048576xf32, #tpu.memory_space<hbm>>) target(%dma_start3A_554 : memref<128xf32, #tpu.memory_space<vmem>>) offsets(%dma_start3A_556 : memref<128xi32, #tpu.memory_space<vmem>>) semaphore(%arg13 : memref<!tpu.dma_semaphore, #tpu.memory_space<semaphore_mem>>)
            %dma_start3A_559 = arith.constant 1664 : i32
            %dma_start3A_560 = tpu.memref_slice %arg8[%dma_start3A_559] : memref<2048xf32, #tpu.memory_space<vmem>> -> memref<128xf32, #tpu.memory_space<vmem>>
            %dma_start3A_561 = arith.constant 1664 : i32
            %dma_start3A_562 = tpu.memref_slice %arg7[%dma_start3A_561] : memref<2048xi32, #tpu.memory_space<vmem>> -> memref<128xi32, #tpu.memory_space<vmem>>
            %dma_start3A_563 = arith.constant 0 : i32
            %dma_start3A_564 = tpu.memref_slice %arg5[%dma_start3A_563] : memref<1048576xf32, #tpu.memory_space<hbm>> -> memref<1048576xf32, #tpu.memory_space<hbm>>
            tpu.enqueue_indirect_dma source(%dma_start3A_564 : memref<1048576xf32, #tpu.memory_space<hbm>>) target(%dma_start3A_560 : memref<128xf32, #tpu.memory_space<vmem>>) offsets(%dma_start3A_562 : memref<128xi32, #tpu.memory_space<vmem>>) semaphore(%arg13 : memref<!tpu.dma_semaphore, #tpu.memory_space<semaphore_mem>>)
            %dma_start3A_565 = arith.constant 1792 : i32
            %dma_start3A_566 = tpu.memref_slice %arg8[%dma_start3A_565] : memref<2048xf32, #tpu.memory_space<vmem>> -> memref<128xf32, #tpu.memory_space<vmem>>
            %dma_start3A_567 = arith.constant 1792 : i32
            %dma_start3A_568 = tpu.memref_slice %arg7[%dma_start3A_567] : memref<2048xi32, #tpu.memory_space<vmem>> -> memref<128xi32, #tpu.memory_space<vmem>>
            %dma_start3A_569 = arith.constant 0 : i32
            %dma_start3A_570 = tpu.memref_slice %arg5[%dma_start3A_569] : memref<1048576xf32, #tpu.memory_space<hbm>> -> memref<1048576xf32, #tpu.memory_space<hbm>>
            tpu.enqueue_indirect_dma source(%dma_start3A_570 : memref<1048576xf32, #tpu.memory_space<hbm>>) target(%dma_start3A_566 : memref<128xf32, #tpu.memory_space<vmem>>) offsets(%dma_start3A_568 : memref<128xi32, #tpu.memory_space<vmem>>) semaphore(%arg13 : memref<!tpu.dma_semaphore, #tpu.memory_space<semaphore_mem>>)
            %dma_start3A_571 = arith.constant 1920 : i32
            %dma_start3A_572 = tpu.memref_slice %arg8[%dma_start3A_571] : memref<2048xf32, #tpu.memory_space<vmem>> -> memref<128xf32, #tpu.memory_space<vmem>>
            %dma_start3A_573 = arith.constant 1920 : i32
            %dma_start3A_574 = tpu.memref_slice %arg7[%dma_start3A_573] : memref<2048xi32, #tpu.memory_space<vmem>> -> memref<128xi32, #tpu.memory_space<vmem>>
            %dma_start3A_575 = arith.constant 0 : i32
            %dma_start3A_576 = tpu.memref_slice %arg5[%dma_start3A_575] : memref<1048576xf32, #tpu.memory_space<hbm>> -> memref<1048576xf32, #tpu.memory_space<hbm>>
            tpu.enqueue_indirect_dma source(%dma_start3A_576 : memref<1048576xf32, #tpu.memory_space<hbm>>) target(%dma_start3A_572 : memref<128xf32, #tpu.memory_space<vmem>>) offsets(%dma_start3A_574 : memref<128xi32, #tpu.memory_space<vmem>>) semaphore(%arg13 : memref<!tpu.dma_semaphore, #tpu.memory_space<semaphore_mem>>)
            %dma_wait3A_577 = arith.constant 0 : i32
            %dma_wait3A_578 = tpu.memref_slice %arg8[%dma_wait3A_577] : memref<2048xf32, #tpu.memory_space<vmem>> -> memref<128xf32, #tpu.memory_space<vmem>>
            %dma_wait3A_579 = arith.constant 0 : i32
            %dma_wait3A_580 = tpu.memref_slice %arg7[%dma_wait3A_579] : memref<2048xi32, #tpu.memory_space<vmem>> -> memref<128xi32, #tpu.memory_space<vmem>>
            %dma_wait3A_581 = arith.constant 0 : i32
            %dma_wait3A_582 = tpu.memref_slice %arg5[%dma_wait3A_581] : memref<1048576xf32, #tpu.memory_space<hbm>> -> memref<1048576xf32, #tpu.memory_space<hbm>>
            tpu.wait_indirect_dma semaphore(%arg13 : memref<!tpu.dma_semaphore, #tpu.memory_space<semaphore_mem>>) src(%dma_wait3A_582 : memref<1048576xf32, #tpu.memory_space<hbm>>) dst(%dma_wait3A_578 : memref<128xf32, #tpu.memory_space<vmem>>)
            %dma_wait3A_583 = arith.constant 128 : i32
            %dma_wait3A_584 = tpu.memref_slice %arg8[%dma_wait3A_583] : memref<2048xf32, #tpu.memory_space<vmem>> -> memref<128xf32, #tpu.memory_space<vmem>>
            %dma_wait3A_585 = arith.constant 128 : i32
            %dma_wait3A_586 = tpu.memref_slice %arg7[%dma_wait3A_585] : memref<2048xi32, #tpu.memory_space<vmem>> -> memref<128xi32, #tpu.memory_space<vmem>>
            %dma_wait3A_587 = arith.constant 0 : i32
            %dma_wait3A_588 = tpu.memref_slice %arg5[%dma_wait3A_587] : memref<1048576xf32, #tpu.memory_space<hbm>> -> memref<1048576xf32, #tpu.memory_space<hbm>>
            tpu.wait_indirect_dma semaphore(%arg13 : memref<!tpu.dma_semaphore, #tpu.memory_space<semaphore_mem>>) src(%dma_wait3A_588 : memref<1048576xf32, #tpu.memory_space<hbm>>) dst(%dma_wait3A_584 : memref<128xf32, #tpu.memory_space<vmem>>)
            %dma_wait3A_589 = arith.constant 256 : i32
            %dma_wait3A_590 = tpu.memref_slice %arg8[%dma_wait3A_589] : memref<2048xf32, #tpu.memory_space<vmem>> -> memref<128xf32, #tpu.memory_space<vmem>>
            %dma_wait3A_591 = arith.constant 256 : i32
            %dma_wait3A_592 = tpu.memref_slice %arg7[%dma_wait3A_591] : memref<2048xi32, #tpu.memory_space<vmem>> -> memref<128xi32, #tpu.memory_space<vmem>>
            %dma_wait3A_593 = arith.constant 0 : i32
            %dma_wait3A_594 = tpu.memref_slice %arg5[%dma_wait3A_593] : memref<1048576xf32, #tpu.memory_space<hbm>> -> memref<1048576xf32, #tpu.memory_space<hbm>>
            tpu.wait_indirect_dma semaphore(%arg13 : memref<!tpu.dma_semaphore, #tpu.memory_space<semaphore_mem>>) src(%dma_wait3A_594 : memref<1048576xf32, #tpu.memory_space<hbm>>) dst(%dma_wait3A_590 : memref<128xf32, #tpu.memory_space<vmem>>)
            %dma_wait3A_595 = arith.constant 384 : i32
            %dma_wait3A_596 = tpu.memref_slice %arg8[%dma_wait3A_595] : memref<2048xf32, #tpu.memory_space<vmem>> -> memref<128xf32, #tpu.memory_space<vmem>>
            %dma_wait3A_597 = arith.constant 384 : i32
            %dma_wait3A_598 = tpu.memref_slice %arg7[%dma_wait3A_597] : memref<2048xi32, #tpu.memory_space<vmem>> -> memref<128xi32, #tpu.memory_space<vmem>>
            %dma_wait3A_599 = arith.constant 0 : i32
            %dma_wait3A_600 = tpu.memref_slice %arg5[%dma_wait3A_599] : memref<1048576xf32, #tpu.memory_space<hbm>> -> memref<1048576xf32, #tpu.memory_space<hbm>>
            tpu.wait_indirect_dma semaphore(%arg13 : memref<!tpu.dma_semaphore, #tpu.memory_space<semaphore_mem>>) src(%dma_wait3A_600 : memref<1048576xf32, #tpu.memory_space<hbm>>) dst(%dma_wait3A_596 : memref<128xf32, #tpu.memory_space<vmem>>)
            %dma_wait3A_601 = arith.constant 512 : i32
            %dma_wait3A_602 = tpu.memref_slice %arg8[%dma_wait3A_601] : memref<2048xf32, #tpu.memory_space<vmem>> -> memref<128xf32, #tpu.memory_space<vmem>>
            %dma_wait3A_603 = arith.constant 512 : i32
            %dma_wait3A_604 = tpu.memref_slice %arg7[%dma_wait3A_603] : memref<2048xi32, #tpu.memory_space<vmem>> -> memref<128xi32, #tpu.memory_space<vmem>>
            %dma_wait3A_605 = arith.constant 0 : i32
            %dma_wait3A_606 = tpu.memref_slice %arg5[%dma_wait3A_605] : memref<1048576xf32, #tpu.memory_space<hbm>> -> memref<1048576xf32, #tpu.memory_space<hbm>>
            tpu.wait_indirect_dma semaphore(%arg13 : memref<!tpu.dma_semaphore, #tpu.memory_space<semaphore_mem>>) src(%dma_wait3A_606 : memref<1048576xf32, #tpu.memory_space<hbm>>) dst(%dma_wait3A_602 : memref<128xf32, #tpu.memory_space<vmem>>)
            %dma_wait3A_607 = arith.constant 640 : i32
            %dma_wait3A_608 = tpu.memref_slice %arg8[%dma_wait3A_607] : memref<2048xf32, #tpu.memory_space<vmem>> -> memref<128xf32, #tpu.memory_space<vmem>>
            %dma_wait3A_609 = arith.constant 640 : i32
            %dma_wait3A_610 = tpu.memref_slice %arg7[%dma_wait3A_609] : memref<2048xi32, #tpu.memory_space<vmem>> -> memref<128xi32, #tpu.memory_space<vmem>>
            %dma_wait3A_611 = arith.constant 0 : i32
            %dma_wait3A_612 = tpu.memref_slice %arg5[%dma_wait3A_611] : memref<1048576xf32, #tpu.memory_space<hbm>> -> memref<1048576xf32, #tpu.memory_space<hbm>>
            tpu.wait_indirect_dma semaphore(%arg13 : memref<!tpu.dma_semaphore, #tpu.memory_space<semaphore_mem>>) src(%dma_wait3A_612 : memref<1048576xf32, #tpu.memory_space<hbm>>) dst(%dma_wait3A_608 : memref<128xf32, #tpu.memory_space<vmem>>)
            %dma_wait3A_613 = arith.constant 768 : i32
            %dma_wait3A_614 = tpu.memref_slice %arg8[%dma_wait3A_613] : memref<2048xf32, #tpu.memory_space<vmem>> -> memref<128xf32, #tpu.memory_space<vmem>>
            %dma_wait3A_615 = arith.constant 768 : i32
            %dma_wait3A_616 = tpu.memref_slice %arg7[%dma_wait3A_615] : memref<2048xi32, #tpu.memory_space<vmem>> -> memref<128xi32, #tpu.memory_space<vmem>>
            %dma_wait3A_617 = arith.constant 0 : i32
            %dma_wait3A_618 = tpu.memref_slice %arg5[%dma_wait3A_617] : memref<1048576xf32, #tpu.memory_space<hbm>> -> memref<1048576xf32, #tpu.memory_space<hbm>>
            tpu.wait_indirect_dma semaphore(%arg13 : memref<!tpu.dma_semaphore, #tpu.memory_space<semaphore_mem>>) src(%dma_wait3A_618 : memref<1048576xf32, #tpu.memory_space<hbm>>) dst(%dma_wait3A_614 : memref<128xf32, #tpu.memory_space<vmem>>)
            %dma_wait3A_619 = arith.constant 896 : i32
            %dma_wait3A_620 = tpu.memref_slice %arg8[%dma_wait3A_619] : memref<2048xf32, #tpu.memory_space<vmem>> -> memref<128xf32, #tpu.memory_space<vmem>>
            %dma_wait3A_621 = arith.constant 896 : i32
            %dma_wait3A_622 = tpu.memref_slice %arg7[%dma_wait3A_621] : memref<2048xi32, #tpu.memory_space<vmem>> -> memref<128xi32, #tpu.memory_space<vmem>>
            %dma_wait3A_623 = arith.constant 0 : i32
            %dma_wait3A_624 = tpu.memref_slice %arg5[%dma_wait3A_623] : memref<1048576xf32, #tpu.memory_space<hbm>> -> memref<1048576xf32, #tpu.memory_space<hbm>>
            tpu.wait_indirect_dma semaphore(%arg13 : memref<!tpu.dma_semaphore, #tpu.memory_space<semaphore_mem>>) src(%dma_wait3A_624 : memref<1048576xf32, #tpu.memory_space<hbm>>) dst(%dma_wait3A_620 : memref<128xf32, #tpu.memory_space<vmem>>)
            %dma_wait3A_625 = arith.constant 1024 : i32
            %dma_wait3A_626 = tpu.memref_slice %arg8[%dma_wait3A_625] : memref<2048xf32, #tpu.memory_space<vmem>> -> memref<128xf32, #tpu.memory_space<vmem>>
            %dma_wait3A_627 = arith.constant 1024 : i32
            %dma_wait3A_628 = tpu.memref_slice %arg7[%dma_wait3A_627] : memref<2048xi32, #tpu.memory_space<vmem>> -> memref<128xi32, #tpu.memory_space<vmem>>
            %dma_wait3A_629 = arith.constant 0 : i32
            %dma_wait3A_630 = tpu.memref_slice %arg5[%dma_wait3A_629] : memref<1048576xf32, #tpu.memory_space<hbm>> -> memref<1048576xf32, #tpu.memory_space<hbm>>
            tpu.wait_indirect_dma semaphore(%arg13 : memref<!tpu.dma_semaphore, #tpu.memory_space<semaphore_mem>>) src(%dma_wait3A_630 : memref<1048576xf32, #tpu.memory_space<hbm>>) dst(%dma_wait3A_626 : memref<128xf32, #tpu.memory_space<vmem>>)
            %dma_wait3A_631 = arith.constant 1152 : i32
            %dma_wait3A_632 = tpu.memref_slice %arg8[%dma_wait3A_631] : memref<2048xf32, #tpu.memory_space<vmem>> -> memref<128xf32, #tpu.memory_space<vmem>>
            %dma_wait3A_633 = arith.constant 1152 : i32
            %dma_wait3A_634 = tpu.memref_slice %arg7[%dma_wait3A_633] : memref<2048xi32, #tpu.memory_space<vmem>> -> memref<128xi32, #tpu.memory_space<vmem>>
            %dma_wait3A_635 = arith.constant 0 : i32
            %dma_wait3A_636 = tpu.memref_slice %arg5[%dma_wait3A_635] : memref<1048576xf32, #tpu.memory_space<hbm>> -> memref<1048576xf32, #tpu.memory_space<hbm>>
            tpu.wait_indirect_dma semaphore(%arg13 : memref<!tpu.dma_semaphore, #tpu.memory_space<semaphore_mem>>) src(%dma_wait3A_636 : memref<1048576xf32, #tpu.memory_space<hbm>>) dst(%dma_wait3A_632 : memref<128xf32, #tpu.memory_space<vmem>>)
            %dma_wait3A_637 = arith.constant 1280 : i32
            %dma_wait3A_638 = tpu.memref_slice %arg8[%dma_wait3A_637] : memref<2048xf32, #tpu.memory_space<vmem>> -> memref<128xf32, #tpu.memory_space<vmem>>
            %dma_wait3A_639 = arith.constant 1280 : i32
            %dma_wait3A_640 = tpu.memref_slice %arg7[%dma_wait3A_639] : memref<2048xi32, #tpu.memory_space<vmem>> -> memref<128xi32, #tpu.memory_space<vmem>>
            %dma_wait3A_641 = arith.constant 0 : i32
            %dma_wait3A_642 = tpu.memref_slice %arg5[%dma_wait3A_641] : memref<1048576xf32, #tpu.memory_space<hbm>> -> memref<1048576xf32, #tpu.memory_space<hbm>>
            tpu.wait_indirect_dma semaphore(%arg13 : memref<!tpu.dma_semaphore, #tpu.memory_space<semaphore_mem>>) src(%dma_wait3A_642 : memref<1048576xf32, #tpu.memory_space<hbm>>) dst(%dma_wait3A_638 : memref<128xf32, #tpu.memory_space<vmem>>)
            %dma_wait3A_643 = arith.constant 1408 : i32
            %dma_wait3A_644 = tpu.memref_slice %arg8[%dma_wait3A_643] : memref<2048xf32, #tpu.memory_space<vmem>> -> memref<128xf32, #tpu.memory_space<vmem>>
            %dma_wait3A_645 = arith.constant 1408 : i32
            %dma_wait3A_646 = tpu.memref_slice %arg7[%dma_wait3A_645] : memref<2048xi32, #tpu.memory_space<vmem>> -> memref<128xi32, #tpu.memory_space<vmem>>
            %dma_wait3A_647 = arith.constant 0 : i32
            %dma_wait3A_648 = tpu.memref_slice %arg5[%dma_wait3A_647] : memref<1048576xf32, #tpu.memory_space<hbm>> -> memref<1048576xf32, #tpu.memory_space<hbm>>
            tpu.wait_indirect_dma semaphore(%arg13 : memref<!tpu.dma_semaphore, #tpu.memory_space<semaphore_mem>>) src(%dma_wait3A_648 : memref<1048576xf32, #tpu.memory_space<hbm>>) dst(%dma_wait3A_644 : memref<128xf32, #tpu.memory_space<vmem>>)
            %dma_wait3A_649 = arith.constant 1536 : i32
            %dma_wait3A_650 = tpu.memref_slice %arg8[%dma_wait3A_649] : memref<2048xf32, #tpu.memory_space<vmem>> -> memref<128xf32, #tpu.memory_space<vmem>>
            %dma_wait3A_651 = arith.constant 1536 : i32
            %dma_wait3A_652 = tpu.memref_slice %arg7[%dma_wait3A_651] : memref<2048xi32, #tpu.memory_space<vmem>> -> memref<128xi32, #tpu.memory_space<vmem>>
            %dma_wait3A_653 = arith.constant 0 : i32
            %dma_wait3A_654 = tpu.memref_slice %arg5[%dma_wait3A_653] : memref<1048576xf32, #tpu.memory_space<hbm>> -> memref<1048576xf32, #tpu.memory_space<hbm>>
            tpu.wait_indirect_dma semaphore(%arg13 : memref<!tpu.dma_semaphore, #tpu.memory_space<semaphore_mem>>) src(%dma_wait3A_654 : memref<1048576xf32, #tpu.memory_space<hbm>>) dst(%dma_wait3A_650 : memref<128xf32, #tpu.memory_space<vmem>>)
            %dma_wait3A_655 = arith.constant 1664 : i32
            %dma_wait3A_656 = tpu.memref_slice %arg8[%dma_wait3A_655] : memref<2048xf32, #tpu.memory_space<vmem>> -> memref<128xf32, #tpu.memory_space<vmem>>
            %dma_wait3A_657 = arith.constant 1664 : i32
            %dma_wait3A_658 = tpu.memref_slice %arg7[%dma_wait3A_657] : memref<2048xi32, #tpu.memory_space<vmem>> -> memref<128xi32, #tpu.memory_space<vmem>>
            %dma_wait3A_659 = arith.constant 0 : i32
            %dma_wait3A_660 = tpu.memref_slice %arg5[%dma_wait3A_659] : memref<1048576xf32, #tpu.memory_space<hbm>> -> memref<1048576xf32, #tpu.memory_space<hbm>>
            tpu.wait_indirect_dma semaphore(%arg13 : memref<!tpu.dma_semaphore, #tpu.memory_space<semaphore_mem>>) src(%dma_wait3A_660 : memref<1048576xf32, #tpu.memory_space<hbm>>) dst(%dma_wait3A_656 : memref<128xf32, #tpu.memory_space<vmem>>)
            %dma_wait3A_661 = arith.constant 1792 : i32
            %dma_wait3A_662 = tpu.memref_slice %arg8[%dma_wait3A_661] : memref<2048xf32, #tpu.memory_space<vmem>> -> memref<128xf32, #tpu.memory_space<vmem>>
            %dma_wait3A_663 = arith.constant 1792 : i32
            %dma_wait3A_664 = tpu.memref_slice %arg7[%dma_wait3A_663] : memref<2048xi32, #tpu.memory_space<vmem>> -> memref<128xi32, #tpu.memory_space<vmem>>
            %dma_wait3A_665 = arith.constant 0 : i32
            %dma_wait3A_666 = tpu.memref_slice %arg5[%dma_wait3A_665] : memref<1048576xf32, #tpu.memory_space<hbm>> -> memref<1048576xf32, #tpu.memory_space<hbm>>
            tpu.wait_indirect_dma semaphore(%arg13 : memref<!tpu.dma_semaphore, #tpu.memory_space<semaphore_mem>>) src(%dma_wait3A_666 : memref<1048576xf32, #tpu.memory_space<hbm>>) dst(%dma_wait3A_662 : memref<128xf32, #tpu.memory_space<vmem>>)
            %dma_wait3A_667 = arith.constant 1920 : i32
            %dma_wait3A_668 = tpu.memref_slice %arg8[%dma_wait3A_667] : memref<2048xf32, #tpu.memory_space<vmem>> -> memref<128xf32, #tpu.memory_space<vmem>>
            %dma_wait3A_669 = arith.constant 1920 : i32
            %dma_wait3A_670 = tpu.memref_slice %arg7[%dma_wait3A_669] : memref<2048xi32, #tpu.memory_space<vmem>> -> memref<128xi32, #tpu.memory_space<vmem>>
            %dma_wait3A_671 = arith.constant 0 : i32
            %dma_wait3A_672 = tpu.memref_slice %arg5[%dma_wait3A_671] : memref<1048576xf32, #tpu.memory_space<hbm>> -> memref<1048576xf32, #tpu.memory_space<hbm>>
            tpu.wait_indirect_dma semaphore(%arg13 : memref<!tpu.dma_semaphore, #tpu.memory_space<semaphore_mem>>) src(%dma_wait3A_672 : memref<1048576xf32, #tpu.memory_space<hbm>>) dst(%dma_wait3A_668 : memref<128xf32, #tpu.memory_space<vmem>>)
            %scan3A_673 = arith.constant 0 : i32
            %scan3A_674 = arith.constant 128 : i32
            %scan3A_675 = arith.addi %scan3A_673, %scan3A_674 : i32
            %scan3A_676 = arith.constant 1 : i32
            %scan3A_677 = scf.for %scan3A_679 = %scan3A_673 to %scan3A_675 step %scan3A_676 iter_args(%scan3A_680 = %scan3A_471) -> (i32)  : i32 {
              %lt3A_681 = arith.constant 128 : i32
              %lt3A_682 = arith.cmpi slt, %scan3A_680, %lt3A_681 : i32
              %convert_element_type3A_683 = arith.extui %lt3A_682 : i1 to i32
              %cond3A_684 = arith.constant 0 : i32
              %cond3A_685 = arith.cmpi ne, %convert_element_type3A_683, %cond3A_684 : i32
              %cond3A_686 = scf.if %cond3A_685 -> (i32) {
                %mul3A_687 = arith.constant 16 : i32
                %mul3A_688 = arith.muli %scan3A_679, %mul3A_687 : i32
                %get3A = arith.index_cast %mul3A_688 : i32 to index
                %get3A_689 = tpu.vector_load %arg8[%get3A] {strides = array<i32>} : memref<2048xf32, #tpu.memory_space<vmem>>, vector<16xf32>,
                %mul3A_690 = arith.constant 16 : i32
                %mul3A_691 = arith.muli %scan3A_679, %mul3A_690 : i32
                %get3A_692 = arith.index_cast %mul3A_691 : i32 to index
                %get3A_693 = tpu.vector_load %arg7[%get3A_692] {strides = array<i32>} : memref<2048xi32, #tpu.memory_space<vmem>>, vector<16xi32>,
                %gt3A = arith.constant 5.000000e-01 : f32
                %gt3A_694 = vector.broadcast %gt3A : f32 to vector<16xf32>
                %gt3A_695 = arith.cmpf ogt, %get3A_689, %gt3A_694 : vector<16xf32>
                %convert_element_type3A_696 = arith.extui %gt3A_695 : vector<16xi1> to vector<16xi32>
                %broadcast_in_dim3A = arith.constant true
                %broadcast_in_dim3A_697 = vector.broadcast %broadcast_in_dim3A : i1 to vector<16xi1>
                %masked_cumsum3A = tpu.scan <sum>, %convert_element_type3A_696 masked %broadcast_in_dim3A_697 : vector<16xi32>, vector<16xi1> -> vector<16xi32>
                %add3A_698 = vector.broadcast %scan3A_680 : i32 to vector<16xi32>
                %add3A_699 = arith.addi %add3A_698, %masked_cumsum3A : vector<16xi32>
                %sub3A = arith.constant 1 : i32
                %sub3A_700 = vector.broadcast %sub3A : i32 to vector<16xi32>
                %sub3A_701 = arith.subi %add3A_699, %sub3A_700 : vector<16xi32>
                %lt3A_702 = arith.constant 128 : i32
                %lt3A_703 = vector.broadcast %lt3A_702 : i32 to vector<16xi32>
                %lt3A_704 = arith.cmpi slt, %sub3A_701, %lt3A_703 : vector<16xi32>
                %and3A = arith.andi %gt3A_695, %lt3A_704 : vector<16xi1>
                %shift_right_arithmetic3A = arith.constant 18 : i32
                %shift_right_arithmetic3A_705 = vector.broadcast %shift_right_arithmetic3A : i32 to vector<16xi32>
                %shift_right_arithmetic3A_706 = arith.shrsi %get3A_693, %shift_right_arithmetic3A_705 : vector<16xi32>
                %mul3A_707 = arith.constant 25165824 : i32
                %mul3A_708 = vector.broadcast %mul3A_707 : i32 to vector<16xi32>
                %mul3A_709 = arith.muli %shift_right_arithmetic3A_706, %mul3A_708 : vector<16xi32>
                %and3A_710 = arith.constant 262143 : i32
                %and3A_711 = vector.broadcast %and3A_710 : i32 to vector<16xi32>
                %and3A_712 = arith.andi %get3A_693, %and3A_711 : vector<16xi32>
                %add3A_713 = arith.addi %mul3A_709, %and3A_712 : vector<16xi32>
                %add3A_714 = arith.constant 0 : i32
                %add3A_715 = vector.broadcast %add3A_714 : i32 to vector<16xi32>
                %add3A_716 = arith.addi %sub3A_701, %add3A_715 : vector<16xi32>
                tpu.vector_store_idx %arg9[%add3A_716], %add3A_713 masked %and3A : memref<640xi32, #tpu.memory_space<vmem>>[vector<16xi32>], vector<16xi32>, vector<16xi1>
                %reduce_sum3A = arith.constant true
                %reduce_sum3A_717 = vector.broadcast %reduce_sum3A : i1 to vector<16xi1>
                %reduce_sum3A_718 = tpu.scan <sum>, %convert_element_type3A_696 masked %reduce_sum3A_717 : vector<16xi32>, vector<16xi1> -> vector<16xi32>
                %reduce_sum3A_719 = vector.extract %reduce_sum3A_718[15] : i32 from vector<16xi32>
                %add3A_720 = arith.addi %scan3A_680, %reduce_sum3A_719 : i32
                scf.yield %add3A_720 : i32
              } else {
                scf.yield %scan3A_680 : i32
              }
              scf.yield %cond3A_686 : i32
            }
            %scan3A_678 = arith.constant 128 : i32
            scf.yield %scan3A_677 : i32
          } else {
            scf.yield %scan3A_471 : i32
          }
          scf.yield %cond3A_477 : i32
        }
        %scan3A_469 = arith.constant 511 : i32
        scf.yield %scan3A_468 : i32
      } else {
        scf.yield %scan3A_457 : i32
      }
      "tpu.region"() ({
        %run_scoped3A = tpu.sem_alloc : memref<!tpu.dma_semaphore, #tpu.memory_space<semaphore_mem>>
        %dma_start3A_464 = arith.constant 0 : i32
        %dma_start3A_465 = tpu.memref_slice %arg9[%dma_start3A_464] : memref<640xi32, #tpu.memory_space<vmem>> -> memref<128xi32, #tpu.memory_space<vmem>>
        %dma_start3A_466 = arith.constant 0 : i32
        %dma_start3A_467 = tpu.memref_slice %arg12[%dma_start3A_466] : memref<640xi32, #tpu.memory_space<vmem_shared>> -> memref<128xi32, #tpu.memory_space<vmem_shared>>
        %dma_start3A_468 = arith.constant 0 : i32
        %dma_start3A_469 = tpu.memref_slice %arg12[%dma_start3A_468] : memref<640xi32, #tpu.memory_space<vmem_shared>> -> memref<128xi32, #tpu.memory_space<vmem_shared>>
        %dma_start3A_470 = arith.constant 0 : i32
        %dma_start3A_471 = tpu.memref_slice %arg9[%dma_start3A_470] : memref<640xi32, #tpu.memory_space<vmem>> -> memref<128xi32, #tpu.memory_space<vmem>>
        tpu.enqueue_dma source(%dma_start3A_471 : memref<128xi32, #tpu.memory_space<vmem>>) target(%dma_start3A_469 : memref<128xi32, #tpu.memory_space<vmem_shared>>) target_semaphore(%run_scoped3A : memref<!tpu.dma_semaphore, #tpu.memory_space<semaphore_mem>>)
        %dma_wait3A_472 = arith.constant 0 : i32
        %dma_wait3A_473 = tpu.memref_slice %arg9[%dma_wait3A_472] : memref<640xi32, #tpu.memory_space<vmem>> -> memref<128xi32, #tpu.memory_space<vmem>>
        %dma_wait3A_474 = arith.constant 0 : i32
        %dma_wait3A_475 = tpu.memref_slice %arg12[%dma_wait3A_474] : memref<640xi32, #tpu.memory_space<vmem_shared>> -> memref<128xi32, #tpu.memory_space<vmem_shared>>
        %dma_wait3A_476 = arith.constant 0 : i32
        %dma_wait3A_477 = tpu.memref_slice %arg12[%dma_wait3A_476] : memref<640xi32, #tpu.memory_space<vmem_shared>> -> memref<128xi32, #tpu.memory_space<vmem_shared>>
        %dma_wait3A_478 = arith.constant 0 : i32
        %dma_wait3A_479 = tpu.memref_slice %arg9[%dma_wait3A_478] : memref<640xi32, #tpu.memory_space<vmem>> -> memref<128xi32, #tpu.memory_space<vmem>>
        tpu.wait_dma2 semaphore(%run_scoped3A : memref<!tpu.dma_semaphore, #tpu.memory_space<semaphore_mem>>) src(%dma_wait3A_479 : memref<128xi32, #tpu.memory_space<vmem>>) dst(%dma_wait3A_477 : memref<128xi32, #tpu.memory_space<vmem_shared>>)
        tpu.yield
      }) : () -> ()
    } else {
    }
    %eq3A_3 = arith.constant 1 : i32
    %eq3A_4 = arith.cmpi eq, %arg1, %eq3A_3 : i32
    %convert_element_type3A_5 = arith.extui %eq3A_4 : i1 to i32
    %cond3A_6 = arith.constant 0 : i32
    %cond3A_7 = arith.cmpi ne, %convert_element_type3A_5, %cond3A_6 : i32
    scf.if %cond3A_7 {
      %multiple_of3A_258 = arith.constant 0 : i32
      %multiple_of3A_259 = tpu.assume_multiple %multiple_of3A_258, 2048 : i32
      "tpu.region"() ({
        %run_scoped3A = tpu.sem_alloc : memref<!tpu.dma_semaphore, #tpu.memory_space<semaphore_mem>>
        %dma_start3A_464 = tpu.memref_slice %arg4[%multiple_of3A_259] : memref<1048576xi32, #tpu.memory_space<hbm>> -> memref<2048xi32, #tpu.memory_space<hbm>>
        %dma_start3A_465 = tpu.memref_slice %arg4[%multiple_of3A_259] : memref<1048576xi32, #tpu.memory_space<hbm>> -> memref<2048xi32, #tpu.memory_space<hbm>>
        tpu.enqueue_dma source(%dma_start3A_465 : memref<2048xi32, #tpu.memory_space<hbm>>) target(%arg7 : memref<2048xi32, #tpu.memory_space<vmem>>) target_semaphore(%run_scoped3A : memref<!tpu.dma_semaphore, #tpu.memory_space<semaphore_mem>>)
        %dma_wait3A_466 = tpu.memref_slice %arg4[%multiple_of3A_259] : memref<1048576xi32, #tpu.memory_space<hbm>> -> memref<2048xi32, #tpu.memory_space<hbm>>
        %dma_wait3A_467 = tpu.memref_slice %arg4[%multiple_of3A_259] : memref<1048576xi32, #tpu.memory_space<hbm>> -> memref<2048xi32, #tpu.memory_space<hbm>>
        tpu.wait_dma2 semaphore(%run_scoped3A : memref<!tpu.dma_semaphore, #tpu.memory_space<semaphore_mem>>) src(%dma_wait3A_467 : memref<2048xi32, #tpu.memory_space<hbm>>) dst(%arg7 : memref<2048xi32, #tpu.memory_space<vmem>>)
        tpu.yield
      }) : () -> ()
      %dma_start3A_260 = arith.constant 0 : i32
      %dma_start3A_261 = tpu.memref_slice %arg8[%dma_start3A_260] : memref<2048xf32, #tpu.memory_space<vmem>> -> memref<128xf32, #tpu.memory_space<vmem>>
      %dma_start3A_262 = arith.constant 0 : i32
      %dma_start3A_263 = tpu.memref_slice %arg7[%dma_start3A_262] : memref<2048xi32, #tpu.memory_space<vmem>> -> memref<128xi32, #tpu.memory_space<vmem>>
      %dma_start3A_264 = arith.constant 0 : i32
      %dma_start3A_265 = tpu.memref_slice %arg5[%dma_start3A_264] : memref<1048576xf32, #tpu.memory_space<hbm>> -> memref<1048576xf32, #tpu.memory_space<hbm>>
      tpu.enqueue_indirect_dma source(%dma_start3A_265 : memref<1048576xf32, #tpu.memory_space<hbm>>) target(%dma_start3A_261 : memref<128xf32, #tpu.memory_space<vmem>>) offsets(%dma_start3A_263 : memref<128xi32, #tpu.memory_space<vmem>>) semaphore(%arg13 : memref<!tpu.dma_semaphore, #tpu.memory_space<semaphore_mem>>)
      %dma_start3A_266 = arith.constant 128 : i32
      %dma_start3A_267 = tpu.memref_slice %arg8[%dma_start3A_266] : memref<2048xf32, #tpu.memory_space<vmem>> -> memref<128xf32, #tpu.memory_space<vmem>>
      %dma_start3A_268 = arith.constant 128 : i32
      %dma_start3A_269 = tpu.memref_slice %arg7[%dma_start3A_268] : memref<2048xi32, #tpu.memory_space<vmem>> -> memref<128xi32, #tpu.memory_space<vmem>>
      %dma_start3A_270 = arith.constant 0 : i32
      %dma_start3A_271 = tpu.memref_slice %arg5[%dma_start3A_270] : memref<1048576xf32, #tpu.memory_space<hbm>> -> memref<1048576xf32, #tpu.memory_space<hbm>>
      tpu.enqueue_indirect_dma source(%dma_start3A_271 : memref<1048576xf32, #tpu.memory_space<hbm>>) target(%dma_start3A_267 : memref<128xf32, #tpu.memory_space<vmem>>) offsets(%dma_start3A_269 : memref<128xi32, #tpu.memory_space<vmem>>) semaphore(%arg13 : memref<!tpu.dma_semaphore, #tpu.memory_space<semaphore_mem>>)
      %dma_start3A_272 = arith.constant 256 : i32
      %dma_start3A_273 = tpu.memref_slice %arg8[%dma_start3A_272] : memref<2048xf32, #tpu.memory_space<vmem>> -> memref<128xf32, #tpu.memory_space<vmem>>
      %dma_start3A_274 = arith.constant 256 : i32
      %dma_start3A_275 = tpu.memref_slice %arg7[%dma_start3A_274] : memref<2048xi32, #tpu.memory_space<vmem>> -> memref<128xi32, #tpu.memory_space<vmem>>
      %dma_start3A_276 = arith.constant 0 : i32
      %dma_start3A_277 = tpu.memref_slice %arg5[%dma_start3A_276] : memref<1048576xf32, #tpu.memory_space<hbm>> -> memref<1048576xf32, #tpu.memory_space<hbm>>
      tpu.enqueue_indirect_dma source(%dma_start3A_277 : memref<1048576xf32, #tpu.memory_space<hbm>>) target(%dma_start3A_273 : memref<128xf32, #tpu.memory_space<vmem>>) offsets(%dma_start3A_275 : memref<128xi32, #tpu.memory_space<vmem>>) semaphore(%arg13 : memref<!tpu.dma_semaphore, #tpu.memory_space<semaphore_mem>>)
      %dma_start3A_278 = arith.constant 384 : i32
      %dma_start3A_279 = tpu.memref_slice %arg8[%dma_start3A_278] : memref<2048xf32, #tpu.memory_space<vmem>> -> memref<128xf32, #tpu.memory_space<vmem>>
      %dma_start3A_280 = arith.constant 384 : i32
      %dma_start3A_281 = tpu.memref_slice %arg7[%dma_start3A_280] : memref<2048xi32, #tpu.memory_space<vmem>> -> memref<128xi32, #tpu.memory_space<vmem>>
      %dma_start3A_282 = arith.constant 0 : i32
      %dma_start3A_283 = tpu.memref_slice %arg5[%dma_start3A_282] : memref<1048576xf32, #tpu.memory_space<hbm>> -> memref<1048576xf32, #tpu.memory_space<hbm>>
      tpu.enqueue_indirect_dma source(%dma_start3A_283 : memref<1048576xf32, #tpu.memory_space<hbm>>) target(%dma_start3A_279 : memref<128xf32, #tpu.memory_space<vmem>>) offsets(%dma_start3A_281 : memref<128xi32, #tpu.memory_space<vmem>>) semaphore(%arg13 : memref<!tpu.dma_semaphore, #tpu.memory_space<semaphore_mem>>)
      %dma_start3A_284 = arith.constant 512 : i32
      %dma_start3A_285 = tpu.memref_slice %arg8[%dma_start3A_284] : memref<2048xf32, #tpu.memory_space<vmem>> -> memref<128xf32, #tpu.memory_space<vmem>>
      %dma_start3A_286 = arith.constant 512 : i32
      %dma_start3A_287 = tpu.memref_slice %arg7[%dma_start3A_286] : memref<2048xi32, #tpu.memory_space<vmem>> -> memref<128xi32, #tpu.memory_space<vmem>>
      %dma_start3A_288 = arith.constant 0 : i32
      %dma_start3A_289 = tpu.memref_slice %arg5[%dma_start3A_288] : memref<1048576xf32, #tpu.memory_space<hbm>> -> memref<1048576xf32, #tpu.memory_space<hbm>>
      tpu.enqueue_indirect_dma source(%dma_start3A_289 : memref<1048576xf32, #tpu.memory_space<hbm>>) target(%dma_start3A_285 : memref<128xf32, #tpu.memory_space<vmem>>) offsets(%dma_start3A_287 : memref<128xi32, #tpu.memory_space<vmem>>) semaphore(%arg13 : memref<!tpu.dma_semaphore, #tpu.memory_space<semaphore_mem>>)
      %dma_start3A_290 = arith.constant 640 : i32
      %dma_start3A_291 = tpu.memref_slice %arg8[%dma_start3A_290] : memref<2048xf32, #tpu.memory_space<vmem>> -> memref<128xf32, #tpu.memory_space<vmem>>
      %dma_start3A_292 = arith.constant 640 : i32
      %dma_start3A_293 = tpu.memref_slice %arg7[%dma_start3A_292] : memref<2048xi32, #tpu.memory_space<vmem>> -> memref<128xi32, #tpu.memory_space<vmem>>
      %dma_start3A_294 = arith.constant 0 : i32
      %dma_start3A_295 = tpu.memref_slice %arg5[%dma_start3A_294] : memref<1048576xf32, #tpu.memory_space<hbm>> -> memref<1048576xf32, #tpu.memory_space<hbm>>
      tpu.enqueue_indirect_dma source(%dma_start3A_295 : memref<1048576xf32, #tpu.memory_space<hbm>>) target(%dma_start3A_291 : memref<128xf32, #tpu.memory_space<vmem>>) offsets(%dma_start3A_293 : memref<128xi32, #tpu.memory_space<vmem>>) semaphore(%arg13 : memref<!tpu.dma_semaphore, #tpu.memory_space<semaphore_mem>>)
      %dma_start3A_296 = arith.constant 768 : i32
      %dma_start3A_297 = tpu.memref_slice %arg8[%dma_start3A_296] : memref<2048xf32, #tpu.memory_space<vmem>> -> memref<128xf32, #tpu.memory_space<vmem>>
      %dma_start3A_298 = arith.constant 768 : i32
      %dma_start3A_299 = tpu.memref_slice %arg7[%dma_start3A_298] : memref<2048xi32, #tpu.memory_space<vmem>> -> memref<128xi32, #tpu.memory_space<vmem>>
      %dma_start3A_300 = arith.constant 0 : i32
      %dma_start3A_301 = tpu.memref_slice %arg5[%dma_start3A_300] : memref<1048576xf32, #tpu.memory_space<hbm>> -> memref<1048576xf32, #tpu.memory_space<hbm>>
      tpu.enqueue_indirect_dma source(%dma_start3A_301 : memref<1048576xf32, #tpu.memory_space<hbm>>) target(%dma_start3A_297 : memref<128xf32, #tpu.memory_space<vmem>>) offsets(%dma_start3A_299 : memref<128xi32, #tpu.memory_space<vmem>>) semaphore(%arg13 : memref<!tpu.dma_semaphore, #tpu.memory_space<semaphore_mem>>)
      %dma_start3A_302 = arith.constant 896 : i32
      %dma_start3A_303 = tpu.memref_slice %arg8[%dma_start3A_302] : memref<2048xf32, #tpu.memory_space<vmem>> -> memref<128xf32, #tpu.memory_space<vmem>>
      %dma_start3A_304 = arith.constant 896 : i32
      %dma_start3A_305 = tpu.memref_slice %arg7[%dma_start3A_304] : memref<2048xi32, #tpu.memory_space<vmem>> -> memref<128xi32, #tpu.memory_space<vmem>>
      %dma_start3A_306 = arith.constant 0 : i32
      %dma_start3A_307 = tpu.memref_slice %arg5[%dma_start3A_306] : memref<1048576xf32, #tpu.memory_space<hbm>> -> memref<1048576xf32, #tpu.memory_space<hbm>>
      tpu.enqueue_indirect_dma source(%dma_start3A_307 : memref<1048576xf32, #tpu.memory_space<hbm>>) target(%dma_start3A_303 : memref<128xf32, #tpu.memory_space<vmem>>) offsets(%dma_start3A_305 : memref<128xi32, #tpu.memory_space<vmem>>) semaphore(%arg13 : memref<!tpu.dma_semaphore, #tpu.memory_space<semaphore_mem>>)
      %dma_start3A_308 = arith.constant 1024 : i32
      %dma_start3A_309 = tpu.memref_slice %arg8[%dma_start3A_308] : memref<2048xf32, #tpu.memory_space<vmem>> -> memref<128xf32, #tpu.memory_space<vmem>>
      %dma_start3A_310 = arith.constant 1024 : i32
      %dma_start3A_311 = tpu.memref_slice %arg7[%dma_start3A_310] : memref<2048xi32, #tpu.memory_space<vmem>> -> memref<128xi32, #tpu.memory_space<vmem>>
      %dma_start3A_312 = arith.constant 0 : i32
      %dma_start3A_313 = tpu.memref_slice %arg5[%dma_start3A_312] : memref<1048576xf32, #tpu.memory_space<hbm>> -> memref<1048576xf32, #tpu.memory_space<hbm>>
      tpu.enqueue_indirect_dma source(%dma_start3A_313 : memref<1048576xf32, #tpu.memory_space<hbm>>) target(%dma_start3A_309 : memref<128xf32, #tpu.memory_space<vmem>>) offsets(%dma_start3A_311 : memref<128xi32, #tpu.memory_space<vmem>>) semaphore(%arg13 : memref<!tpu.dma_semaphore, #tpu.memory_space<semaphore_mem>>)
      %dma_start3A_314 = arith.constant 1152 : i32
      %dma_start3A_315 = tpu.memref_slice %arg8[%dma_start3A_314] : memref<2048xf32, #tpu.memory_space<vmem>> -> memref<128xf32, #tpu.memory_space<vmem>>
      %dma_start3A_316 = arith.constant 1152 : i32
      %dma_start3A_317 = tpu.memref_slice %arg7[%dma_start3A_316] : memref<2048xi32, #tpu.memory_space<vmem>> -> memref<128xi32, #tpu.memory_space<vmem>>
      %dma_start3A_318 = arith.constant 0 : i32
      %dma_start3A_319 = tpu.memref_slice %arg5[%dma_start3A_318] : memref<1048576xf32, #tpu.memory_space<hbm>> -> memref<1048576xf32, #tpu.memory_space<hbm>>
      tpu.enqueue_indirect_dma source(%dma_start3A_319 : memref<1048576xf32, #tpu.memory_space<hbm>>) target(%dma_start3A_315 : memref<128xf32, #tpu.memory_space<vmem>>) offsets(%dma_start3A_317 : memref<128xi32, #tpu.memory_space<vmem>>) semaphore(%arg13 : memref<!tpu.dma_semaphore, #tpu.memory_space<semaphore_mem>>)
      %dma_start3A_320 = arith.constant 1280 : i32
      %dma_start3A_321 = tpu.memref_slice %arg8[%dma_start3A_320] : memref<2048xf32, #tpu.memory_space<vmem>> -> memref<128xf32, #tpu.memory_space<vmem>>
      %dma_start3A_322 = arith.constant 1280 : i32
      %dma_start3A_323 = tpu.memref_slice %arg7[%dma_start3A_322] : memref<2048xi32, #tpu.memory_space<vmem>> -> memref<128xi32, #tpu.memory_space<vmem>>
      %dma_start3A_324 = arith.constant 0 : i32
      %dma_start3A_325 = tpu.memref_slice %arg5[%dma_start3A_324] : memref<1048576xf32, #tpu.memory_space<hbm>> -> memref<1048576xf32, #tpu.memory_space<hbm>>
      tpu.enqueue_indirect_dma source(%dma_start3A_325 : memref<1048576xf32, #tpu.memory_space<hbm>>) target(%dma_start3A_321 : memref<128xf32, #tpu.memory_space<vmem>>) offsets(%dma_start3A_323 : memref<128xi32, #tpu.memory_space<vmem>>) semaphore(%arg13 : memref<!tpu.dma_semaphore, #tpu.memory_space<semaphore_mem>>)
      %dma_start3A_326 = arith.constant 1408 : i32
      %dma_start3A_327 = tpu.memref_slice %arg8[%dma_start3A_326] : memref<2048xf32, #tpu.memory_space<vmem>> -> memref<128xf32, #tpu.memory_space<vmem>>
      %dma_start3A_328 = arith.constant 1408 : i32
      %dma_start3A_329 = tpu.memref_slice %arg7[%dma_start3A_328] : memref<2048xi32, #tpu.memory_space<vmem>> -> memref<128xi32, #tpu.memory_space<vmem>>
      %dma_start3A_330 = arith.constant 0 : i32
      %dma_start3A_331 = tpu.memref_slice %arg5[%dma_start3A_330] : memref<1048576xf32, #tpu.memory_space<hbm>> -> memref<1048576xf32, #tpu.memory_space<hbm>>
      tpu.enqueue_indirect_dma source(%dma_start3A_331 : memref<1048576xf32, #tpu.memory_space<hbm>>) target(%dma_start3A_327 : memref<128xf32, #tpu.memory_space<vmem>>) offsets(%dma_start3A_329 : memref<128xi32, #tpu.memory_space<vmem>>) semaphore(%arg13 : memref<!tpu.dma_semaphore, #tpu.memory_space<semaphore_mem>>)
      %dma_start3A_332 = arith.constant 1536 : i32
      %dma_start3A_333 = tpu.memref_slice %arg8[%dma_start3A_332] : memref<2048xf32, #tpu.memory_space<vmem>> -> memref<128xf32, #tpu.memory_space<vmem>>
      %dma_start3A_334 = arith.constant 1536 : i32
      %dma_start3A_335 = tpu.memref_slice %arg7[%dma_start3A_334] : memref<2048xi32, #tpu.memory_space<vmem>> -> memref<128xi32, #tpu.memory_space<vmem>>
      %dma_start3A_336 = arith.constant 0 : i32
      %dma_start3A_337 = tpu.memref_slice %arg5[%dma_start3A_336] : memref<1048576xf32, #tpu.memory_space<hbm>> -> memref<1048576xf32, #tpu.memory_space<hbm>>
      tpu.enqueue_indirect_dma source(%dma_start3A_337 : memref<1048576xf32, #tpu.memory_space<hbm>>) target(%dma_start3A_333 : memref<128xf32, #tpu.memory_space<vmem>>) offsets(%dma_start3A_335 : memref<128xi32, #tpu.memory_space<vmem>>) semaphore(%arg13 : memref<!tpu.dma_semaphore, #tpu.memory_space<semaphore_mem>>)
      %dma_start3A_338 = arith.constant 1664 : i32
      %dma_start3A_339 = tpu.memref_slice %arg8[%dma_start3A_338] : memref<2048xf32, #tpu.memory_space<vmem>> -> memref<128xf32, #tpu.memory_space<vmem>>
      %dma_start3A_340 = arith.constant 1664 : i32
      %dma_start3A_341 = tpu.memref_slice %arg7[%dma_start3A_340] : memref<2048xi32, #tpu.memory_space<vmem>> -> memref<128xi32, #tpu.memory_space<vmem>>
      %dma_start3A_342 = arith.constant 0 : i32
      %dma_start3A_343 = tpu.memref_slice %arg5[%dma_start3A_342] : memref<1048576xf32, #tpu.memory_space<hbm>> -> memref<1048576xf32, #tpu.memory_space<hbm>>
      tpu.enqueue_indirect_dma source(%dma_start3A_343 : memref<1048576xf32, #tpu.memory_space<hbm>>) target(%dma_start3A_339 : memref<128xf32, #tpu.memory_space<vmem>>) offsets(%dma_start3A_341 : memref<128xi32, #tpu.memory_space<vmem>>) semaphore(%arg13 : memref<!tpu.dma_semaphore, #tpu.memory_space<semaphore_mem>>)
      %dma_start3A_344 = arith.constant 1792 : i32
      %dma_start3A_345 = tpu.memref_slice %arg8[%dma_start3A_344] : memref<2048xf32, #tpu.memory_space<vmem>> -> memref<128xf32, #tpu.memory_space<vmem>>
      %dma_start3A_346 = arith.constant 1792 : i32
      %dma_start3A_347 = tpu.memref_slice %arg7[%dma_start3A_346] : memref<2048xi32, #tpu.memory_space<vmem>> -> memref<128xi32, #tpu.memory_space<vmem>>
      %dma_start3A_348 = arith.constant 0 : i32
      %dma_start3A_349 = tpu.memref_slice %arg5[%dma_start3A_348] : memref<1048576xf32, #tpu.memory_space<hbm>> -> memref<1048576xf32, #tpu.memory_space<hbm>>
      tpu.enqueue_indirect_dma source(%dma_start3A_349 : memref<1048576xf32, #tpu.memory_space<hbm>>) target(%dma_start3A_345 : memref<128xf32, #tpu.memory_space<vmem>>) offsets(%dma_start3A_347 : memref<128xi32, #tpu.memory_space<vmem>>) semaphore(%arg13 : memref<!tpu.dma_semaphore, #tpu.memory_space<semaphore_mem>>)
      %dma_start3A_350 = arith.constant 1920 : i32
      %dma_start3A_351 = tpu.memref_slice %arg8[%dma_start3A_350] : memref<2048xf32, #tpu.memory_space<vmem>> -> memref<128xf32, #tpu.memory_space<vmem>>
      %dma_start3A_352 = arith.constant 1920 : i32
      %dma_start3A_353 = tpu.memref_slice %arg7[%dma_start3A_352] : memref<2048xi32, #tpu.memory_space<vmem>> -> memref<128xi32, #tpu.memory_space<vmem>>
      %dma_start3A_354 = arith.constant 0 : i32
      %dma_start3A_355 = tpu.memref_slice %arg5[%dma_start3A_354] : memref<1048576xf32, #tpu.memory_space<hbm>> -> memref<1048576xf32, #tpu.memory_space<hbm>>
      tpu.enqueue_indirect_dma source(%dma_start3A_355 : memref<1048576xf32, #tpu.memory_space<hbm>>) target(%dma_start3A_351 : memref<128xf32, #tpu.memory_space<vmem>>) offsets(%dma_start3A_353 : memref<128xi32, #tpu.memory_space<vmem>>) semaphore(%arg13 : memref<!tpu.dma_semaphore, #tpu.memory_space<semaphore_mem>>)
      %dma_wait3A_356 = arith.constant 0 : i32
      %dma_wait3A_357 = tpu.memref_slice %arg8[%dma_wait3A_356] : memref<2048xf32, #tpu.memory_space<vmem>> -> memref<128xf32, #tpu.memory_space<vmem>>
      %dma_wait3A_358 = arith.constant 0 : i32
      %dma_wait3A_359 = tpu.memref_slice %arg7[%dma_wait3A_358] : memref<2048xi32, #tpu.memory_space<vmem>> -> memref<128xi32, #tpu.memory_space<vmem>>
      %dma_wait3A_360 = arith.constant 0 : i32
      %dma_wait3A_361 = tpu.memref_slice %arg5[%dma_wait3A_360] : memref<1048576xf32, #tpu.memory_space<hbm>> -> memref<1048576xf32, #tpu.memory_space<hbm>>
      tpu.wait_indirect_dma semaphore(%arg13 : memref<!tpu.dma_semaphore, #tpu.memory_space<semaphore_mem>>) src(%dma_wait3A_361 : memref<1048576xf32, #tpu.memory_space<hbm>>) dst(%dma_wait3A_357 : memref<128xf32, #tpu.memory_space<vmem>>)
      %dma_wait3A_362 = arith.constant 128 : i32
      %dma_wait3A_363 = tpu.memref_slice %arg8[%dma_wait3A_362] : memref<2048xf32, #tpu.memory_space<vmem>> -> memref<128xf32, #tpu.memory_space<vmem>>
      %dma_wait3A_364 = arith.constant 128 : i32
      %dma_wait3A_365 = tpu.memref_slice %arg7[%dma_wait3A_364] : memref<2048xi32, #tpu.memory_space<vmem>> -> memref<128xi32, #tpu.memory_space<vmem>>
      %dma_wait3A_366 = arith.constant 0 : i32
      %dma_wait3A_367 = tpu.memref_slice %arg5[%dma_wait3A_366] : memref<1048576xf32, #tpu.memory_space<hbm>> -> memref<1048576xf32, #tpu.memory_space<hbm>>
      tpu.wait_indirect_dma semaphore(%arg13 : memref<!tpu.dma_semaphore, #tpu.memory_space<semaphore_mem>>) src(%dma_wait3A_367 : memref<1048576xf32, #tpu.memory_space<hbm>>) dst(%dma_wait3A_363 : memref<128xf32, #tpu.memory_space<vmem>>)
      %dma_wait3A_368 = arith.constant 256 : i32
      %dma_wait3A_369 = tpu.memref_slice %arg8[%dma_wait3A_368] : memref<2048xf32, #tpu.memory_space<vmem>> -> memref<128xf32, #tpu.memory_space<vmem>>
      %dma_wait3A_370 = arith.constant 256 : i32
      %dma_wait3A_371 = tpu.memref_slice %arg7[%dma_wait3A_370] : memref<2048xi32, #tpu.memory_space<vmem>> -> memref<128xi32, #tpu.memory_space<vmem>>
      %dma_wait3A_372 = arith.constant 0 : i32
      %dma_wait3A_373 = tpu.memref_slice %arg5[%dma_wait3A_372] : memref<1048576xf32, #tpu.memory_space<hbm>> -> memref<1048576xf32, #tpu.memory_space<hbm>>
      tpu.wait_indirect_dma semaphore(%arg13 : memref<!tpu.dma_semaphore, #tpu.memory_space<semaphore_mem>>) src(%dma_wait3A_373 : memref<1048576xf32, #tpu.memory_space<hbm>>) dst(%dma_wait3A_369 : memref<128xf32, #tpu.memory_space<vmem>>)
      %dma_wait3A_374 = arith.constant 384 : i32
      %dma_wait3A_375 = tpu.memref_slice %arg8[%dma_wait3A_374] : memref<2048xf32, #tpu.memory_space<vmem>> -> memref<128xf32, #tpu.memory_space<vmem>>
      %dma_wait3A_376 = arith.constant 384 : i32
      %dma_wait3A_377 = tpu.memref_slice %arg7[%dma_wait3A_376] : memref<2048xi32, #tpu.memory_space<vmem>> -> memref<128xi32, #tpu.memory_space<vmem>>
      %dma_wait3A_378 = arith.constant 0 : i32
      %dma_wait3A_379 = tpu.memref_slice %arg5[%dma_wait3A_378] : memref<1048576xf32, #tpu.memory_space<hbm>> -> memref<1048576xf32, #tpu.memory_space<hbm>>
      tpu.wait_indirect_dma semaphore(%arg13 : memref<!tpu.dma_semaphore, #tpu.memory_space<semaphore_mem>>) src(%dma_wait3A_379 : memref<1048576xf32, #tpu.memory_space<hbm>>) dst(%dma_wait3A_375 : memref<128xf32, #tpu.memory_space<vmem>>)
      %dma_wait3A_380 = arith.constant 512 : i32
      %dma_wait3A_381 = tpu.memref_slice %arg8[%dma_wait3A_380] : memref<2048xf32, #tpu.memory_space<vmem>> -> memref<128xf32, #tpu.memory_space<vmem>>
      %dma_wait3A_382 = arith.constant 512 : i32
      %dma_wait3A_383 = tpu.memref_slice %arg7[%dma_wait3A_382] : memref<2048xi32, #tpu.memory_space<vmem>> -> memref<128xi32, #tpu.memory_space<vmem>>
      %dma_wait3A_384 = arith.constant 0 : i32
      %dma_wait3A_385 = tpu.memref_slice %arg5[%dma_wait3A_384] : memref<1048576xf32, #tpu.memory_space<hbm>> -> memref<1048576xf32, #tpu.memory_space<hbm>>
      tpu.wait_indirect_dma semaphore(%arg13 : memref<!tpu.dma_semaphore, #tpu.memory_space<semaphore_mem>>) src(%dma_wait3A_385 : memref<1048576xf32, #tpu.memory_space<hbm>>) dst(%dma_wait3A_381 : memref<128xf32, #tpu.memory_space<vmem>>)
      %dma_wait3A_386 = arith.constant 640 : i32
      %dma_wait3A_387 = tpu.memref_slice %arg8[%dma_wait3A_386] : memref<2048xf32, #tpu.memory_space<vmem>> -> memref<128xf32, #tpu.memory_space<vmem>>
      %dma_wait3A_388 = arith.constant 640 : i32
      %dma_wait3A_389 = tpu.memref_slice %arg7[%dma_wait3A_388] : memref<2048xi32, #tpu.memory_space<vmem>> -> memref<128xi32, #tpu.memory_space<vmem>>
      %dma_wait3A_390 = arith.constant 0 : i32
      %dma_wait3A_391 = tpu.memref_slice %arg5[%dma_wait3A_390] : memref<1048576xf32, #tpu.memory_space<hbm>> -> memref<1048576xf32, #tpu.memory_space<hbm>>
      tpu.wait_indirect_dma semaphore(%arg13 : memref<!tpu.dma_semaphore, #tpu.memory_space<semaphore_mem>>) src(%dma_wait3A_391 : memref<1048576xf32, #tpu.memory_space<hbm>>) dst(%dma_wait3A_387 : memref<128xf32, #tpu.memory_space<vmem>>)
      %dma_wait3A_392 = arith.constant 768 : i32
      %dma_wait3A_393 = tpu.memref_slice %arg8[%dma_wait3A_392] : memref<2048xf32, #tpu.memory_space<vmem>> -> memref<128xf32, #tpu.memory_space<vmem>>
      %dma_wait3A_394 = arith.constant 768 : i32
      %dma_wait3A_395 = tpu.memref_slice %arg7[%dma_wait3A_394] : memref<2048xi32, #tpu.memory_space<vmem>> -> memref<128xi32, #tpu.memory_space<vmem>>
      %dma_wait3A_396 = arith.constant 0 : i32
      %dma_wait3A_397 = tpu.memref_slice %arg5[%dma_wait3A_396] : memref<1048576xf32, #tpu.memory_space<hbm>> -> memref<1048576xf32, #tpu.memory_space<hbm>>
      tpu.wait_indirect_dma semaphore(%arg13 : memref<!tpu.dma_semaphore, #tpu.memory_space<semaphore_mem>>) src(%dma_wait3A_397 : memref<1048576xf32, #tpu.memory_space<hbm>>) dst(%dma_wait3A_393 : memref<128xf32, #tpu.memory_space<vmem>>)
      %dma_wait3A_398 = arith.constant 896 : i32
      %dma_wait3A_399 = tpu.memref_slice %arg8[%dma_wait3A_398] : memref<2048xf32, #tpu.memory_space<vmem>> -> memref<128xf32, #tpu.memory_space<vmem>>
      %dma_wait3A_400 = arith.constant 896 : i32
      %dma_wait3A_401 = tpu.memref_slice %arg7[%dma_wait3A_400] : memref<2048xi32, #tpu.memory_space<vmem>> -> memref<128xi32, #tpu.memory_space<vmem>>
      %dma_wait3A_402 = arith.constant 0 : i32
      %dma_wait3A_403 = tpu.memref_slice %arg5[%dma_wait3A_402] : memref<1048576xf32, #tpu.memory_space<hbm>> -> memref<1048576xf32, #tpu.memory_space<hbm>>
      tpu.wait_indirect_dma semaphore(%arg13 : memref<!tpu.dma_semaphore, #tpu.memory_space<semaphore_mem>>) src(%dma_wait3A_403 : memref<1048576xf32, #tpu.memory_space<hbm>>) dst(%dma_wait3A_399 : memref<128xf32, #tpu.memory_space<vmem>>)
      %dma_wait3A_404 = arith.constant 1024 : i32
      %dma_wait3A_405 = tpu.memref_slice %arg8[%dma_wait3A_404] : memref<2048xf32, #tpu.memory_space<vmem>> -> memref<128xf32, #tpu.memory_space<vmem>>
      %dma_wait3A_406 = arith.constant 1024 : i32
      %dma_wait3A_407 = tpu.memref_slice %arg7[%dma_wait3A_406] : memref<2048xi32, #tpu.memory_space<vmem>> -> memref<128xi32, #tpu.memory_space<vmem>>
      %dma_wait3A_408 = arith.constant 0 : i32
      %dma_wait3A_409 = tpu.memref_slice %arg5[%dma_wait3A_408] : memref<1048576xf32, #tpu.memory_space<hbm>> -> memref<1048576xf32, #tpu.memory_space<hbm>>
      tpu.wait_indirect_dma semaphore(%arg13 : memref<!tpu.dma_semaphore, #tpu.memory_space<semaphore_mem>>) src(%dma_wait3A_409 : memref<1048576xf32, #tpu.memory_space<hbm>>) dst(%dma_wait3A_405 : memref<128xf32, #tpu.memory_space<vmem>>)
      %dma_wait3A_410 = arith.constant 1152 : i32
      %dma_wait3A_411 = tpu.memref_slice %arg8[%dma_wait3A_410] : memref<2048xf32, #tpu.memory_space<vmem>> -> memref<128xf32, #tpu.memory_space<vmem>>
      %dma_wait3A_412 = arith.constant 1152 : i32
      %dma_wait3A_413 = tpu.memref_slice %arg7[%dma_wait3A_412] : memref<2048xi32, #tpu.memory_space<vmem>> -> memref<128xi32, #tpu.memory_space<vmem>>
      %dma_wait3A_414 = arith.constant 0 : i32
      %dma_wait3A_415 = tpu.memref_slice %arg5[%dma_wait3A_414] : memref<1048576xf32, #tpu.memory_space<hbm>> -> memref<1048576xf32, #tpu.memory_space<hbm>>
      tpu.wait_indirect_dma semaphore(%arg13 : memref<!tpu.dma_semaphore, #tpu.memory_space<semaphore_mem>>) src(%dma_wait3A_415 : memref<1048576xf32, #tpu.memory_space<hbm>>) dst(%dma_wait3A_411 : memref<128xf32, #tpu.memory_space<vmem>>)
      %dma_wait3A_416 = arith.constant 1280 : i32
      %dma_wait3A_417 = tpu.memref_slice %arg8[%dma_wait3A_416] : memref<2048xf32, #tpu.memory_space<vmem>> -> memref<128xf32, #tpu.memory_space<vmem>>
      %dma_wait3A_418 = arith.constant 1280 : i32
      %dma_wait3A_419 = tpu.memref_slice %arg7[%dma_wait3A_418] : memref<2048xi32, #tpu.memory_space<vmem>> -> memref<128xi32, #tpu.memory_space<vmem>>
      %dma_wait3A_420 = arith.constant 0 : i32
      %dma_wait3A_421 = tpu.memref_slice %arg5[%dma_wait3A_420] : memref<1048576xf32, #tpu.memory_space<hbm>> -> memref<1048576xf32, #tpu.memory_space<hbm>>
      tpu.wait_indirect_dma semaphore(%arg13 : memref<!tpu.dma_semaphore, #tpu.memory_space<semaphore_mem>>) src(%dma_wait3A_421 : memref<1048576xf32, #tpu.memory_space<hbm>>) dst(%dma_wait3A_417 : memref<128xf32, #tpu.memory_space<vmem>>)
      %dma_wait3A_422 = arith.constant 1408 : i32
      %dma_wait3A_423 = tpu.memref_slice %arg8[%dma_wait3A_422] : memref<2048xf32, #tpu.memory_space<vmem>> -> memref<128xf32, #tpu.memory_space<vmem>>
      %dma_wait3A_424 = arith.constant 1408 : i32
      %dma_wait3A_425 = tpu.memref_slice %arg7[%dma_wait3A_424] : memref<2048xi32, #tpu.memory_space<vmem>> -> memref<128xi32, #tpu.memory_space<vmem>>
      %dma_wait3A_426 = arith.constant 0 : i32
      %dma_wait3A_427 = tpu.memref_slice %arg5[%dma_wait3A_426] : memref<1048576xf32, #tpu.memory_space<hbm>> -> memref<1048576xf32, #tpu.memory_space<hbm>>
      tpu.wait_indirect_dma semaphore(%arg13 : memref<!tpu.dma_semaphore, #tpu.memory_space<semaphore_mem>>) src(%dma_wait3A_427 : memref<1048576xf32, #tpu.memory_space<hbm>>) dst(%dma_wait3A_423 : memref<128xf32, #tpu.memory_space<vmem>>)
      %dma_wait3A_428 = arith.constant 1536 : i32
      %dma_wait3A_429 = tpu.memref_slice %arg8[%dma_wait3A_428] : memref<2048xf32, #tpu.memory_space<vmem>> -> memref<128xf32, #tpu.memory_space<vmem>>
      %dma_wait3A_430 = arith.constant 1536 : i32
      %dma_wait3A_431 = tpu.memref_slice %arg7[%dma_wait3A_430] : memref<2048xi32, #tpu.memory_space<vmem>> -> memref<128xi32, #tpu.memory_space<vmem>>
      %dma_wait3A_432 = arith.constant 0 : i32
      %dma_wait3A_433 = tpu.memref_slice %arg5[%dma_wait3A_432] : memref<1048576xf32, #tpu.memory_space<hbm>> -> memref<1048576xf32, #tpu.memory_space<hbm>>
      tpu.wait_indirect_dma semaphore(%arg13 : memref<!tpu.dma_semaphore, #tpu.memory_space<semaphore_mem>>) src(%dma_wait3A_433 : memref<1048576xf32, #tpu.memory_space<hbm>>) dst(%dma_wait3A_429 : memref<128xf32, #tpu.memory_space<vmem>>)
      %dma_wait3A_434 = arith.constant 1664 : i32
      %dma_wait3A_435 = tpu.memref_slice %arg8[%dma_wait3A_434] : memref<2048xf32, #tpu.memory_space<vmem>> -> memref<128xf32, #tpu.memory_space<vmem>>
      %dma_wait3A_436 = arith.constant 1664 : i32
      %dma_wait3A_437 = tpu.memref_slice %arg7[%dma_wait3A_436] : memref<2048xi32, #tpu.memory_space<vmem>> -> memref<128xi32, #tpu.memory_space<vmem>>
      %dma_wait3A_438 = arith.constant 0 : i32
      %dma_wait3A_439 = tpu.memref_slice %arg5[%dma_wait3A_438] : memref<1048576xf32, #tpu.memory_space<hbm>> -> memref<1048576xf32, #tpu.memory_space<hbm>>
      tpu.wait_indirect_dma semaphore(%arg13 : memref<!tpu.dma_semaphore, #tpu.memory_space<semaphore_mem>>) src(%dma_wait3A_439 : memref<1048576xf32, #tpu.memory_space<hbm>>) dst(%dma_wait3A_435 : memref<128xf32, #tpu.memory_space<vmem>>)
      %dma_wait3A_440 = arith.constant 1792 : i32
      %dma_wait3A_441 = tpu.memref_slice %arg8[%dma_wait3A_440] : memref<2048xf32, #tpu.memory_space<vmem>> -> memref<128xf32, #tpu.memory_space<vmem>>
      %dma_wait3A_442 = arith.constant 1792 : i32
      %dma_wait3A_443 = tpu.memref_slice %arg7[%dma_wait3A_442] : memref<2048xi32, #tpu.memory_space<vmem>> -> memref<128xi32, #tpu.memory_space<vmem>>
      %dma_wait3A_444 = arith.constant 0 : i32
      %dma_wait3A_445 = tpu.memref_slice %arg5[%dma_wait3A_444] : memref<1048576xf32, #tpu.memory_space<hbm>> -> memref<1048576xf32, #tpu.memory_space<hbm>>
      tpu.wait_indirect_dma semaphore(%arg13 : memref<!tpu.dma_semaphore, #tpu.memory_space<semaphore_mem>>) src(%dma_wait3A_445 : memref<1048576xf32, #tpu.memory_space<hbm>>) dst(%dma_wait3A_441 : memref<128xf32, #tpu.memory_space<vmem>>)
      %dma_wait3A_446 = arith.constant 1920 : i32
      %dma_wait3A_447 = tpu.memref_slice %arg8[%dma_wait3A_446] : memref<2048xf32, #tpu.memory_space<vmem>> -> memref<128xf32, #tpu.memory_space<vmem>>
      %dma_wait3A_448 = arith.constant 1920 : i32
      %dma_wait3A_449 = tpu.memref_slice %arg7[%dma_wait3A_448] : memref<2048xi32, #tpu.memory_space<vmem>> -> memref<128xi32, #tpu.memory_space<vmem>>
      %dma_wait3A_450 = arith.constant 0 : i32
      %dma_wait3A_451 = tpu.memref_slice %arg5[%dma_wait3A_450] : memref<1048576xf32, #tpu.memory_space<hbm>> -> memref<1048576xf32, #tpu.memory_space<hbm>>
      tpu.wait_indirect_dma semaphore(%arg13 : memref<!tpu.dma_semaphore, #tpu.memory_space<semaphore_mem>>) src(%dma_wait3A_451 : memref<1048576xf32, #tpu.memory_space<hbm>>) dst(%dma_wait3A_447 : memref<128xf32, #tpu.memory_space<vmem>>)
      %scan3A_452 = arith.constant 0 : i32
      %scan3A_453 = arith.constant 0 : i32
      %scan3A_454 = arith.constant 128 : i32
      %scan3A_455 = arith.addi %scan3A_453, %scan3A_454 : i32
      %scan3A_456 = arith.constant 1 : i32
      %scan3A_457 = scf.for %scan3A_464 = %scan3A_453 to %scan3A_455 step %scan3A_456 iter_args(%scan3A_465 = %scan3A_452) -> (i32)  : i32 {
        %lt3A_466 = arith.constant 512 : i32
        %lt3A_467 = arith.cmpi slt, %scan3A_465, %lt3A_466 : i32
        %convert_element_type3A_468 = arith.extui %lt3A_467 : i1 to i32
        %cond3A_469 = arith.constant 0 : i32
        %cond3A_470 = arith.cmpi ne, %convert_element_type3A_468, %cond3A_469 : i32
        %cond3A_471 = scf.if %cond3A_470 -> (i32) {
          %mul3A_472 = arith.constant 16 : i32
          %mul3A_473 = arith.muli %scan3A_464, %mul3A_472 : i32
          %get3A = arith.index_cast %mul3A_473 : i32 to index
          %get3A_474 = tpu.vector_load %arg8[%get3A] {strides = array<i32>} : memref<2048xf32, #tpu.memory_space<vmem>>, vector<16xf32>,
          %mul3A_475 = arith.constant 16 : i32
          %mul3A_476 = arith.muli %scan3A_464, %mul3A_475 : i32
          %get3A_477 = arith.index_cast %mul3A_476 : i32 to index
          %get3A_478 = tpu.vector_load %arg7[%get3A_477] {strides = array<i32>} : memref<2048xi32, #tpu.memory_space<vmem>>, vector<16xi32>,
          %le3A = arith.constant 5.000000e-01 : f32
          %le3A_479 = vector.broadcast %le3A : f32 to vector<16xf32>
          %le3A_480 = arith.cmpf ole, %get3A_474, %le3A_479 : vector<16xf32>
          %convert_element_type3A_481 = arith.extui %le3A_480 : vector<16xi1> to vector<16xi32>
          %broadcast_in_dim3A = arith.constant true
          %broadcast_in_dim3A_482 = vector.broadcast %broadcast_in_dim3A : i1 to vector<16xi1>
          %masked_cumsum3A = tpu.scan <sum>, %convert_element_type3A_481 masked %broadcast_in_dim3A_482 : vector<16xi32>, vector<16xi1> -> vector<16xi32>
          %add3A_483 = vector.broadcast %scan3A_465 : i32 to vector<16xi32>
          %add3A_484 = arith.addi %add3A_483, %masked_cumsum3A : vector<16xi32>
          %sub3A = arith.constant 1 : i32
          %sub3A_485 = vector.broadcast %sub3A : i32 to vector<16xi32>
          %sub3A_486 = arith.subi %add3A_484, %sub3A_485 : vector<16xi32>
          %lt3A_487 = arith.constant 512 : i32
          %lt3A_488 = vector.broadcast %lt3A_487 : i32 to vector<16xi32>
          %lt3A_489 = arith.cmpi slt, %sub3A_486, %lt3A_488 : vector<16xi32>
          %and3A = arith.andi %le3A_480, %lt3A_489 : vector<16xi1>
          %shift_right_arithmetic3A = arith.constant 18 : i32
          %shift_right_arithmetic3A_490 = vector.broadcast %shift_right_arithmetic3A : i32 to vector<16xi32>
          %shift_right_arithmetic3A_491 = arith.shrsi %get3A_478, %shift_right_arithmetic3A_490 : vector<16xi32>
          %mul3A_492 = arith.constant 25165824 : i32
          %mul3A_493 = vector.broadcast %mul3A_492 : i32 to vector<16xi32>
          %mul3A_494 = arith.muli %shift_right_arithmetic3A_491, %mul3A_493 : vector<16xi32>
          %and3A_495 = arith.constant 262143 : i32
          %and3A_496 = vector.broadcast %and3A_495 : i32 to vector<16xi32>
          %and3A_497 = arith.andi %get3A_478, %and3A_496 : vector<16xi32>
          %add3A_498 = arith.addi %mul3A_494, %and3A_497 : vector<16xi32>
          %add3A_499 = arith.constant 128 : i32
          %add3A_500 = vector.broadcast %add3A_499 : i32 to vector<16xi32>
          %add3A_501 = arith.addi %sub3A_486, %add3A_500 : vector<16xi32>
          tpu.vector_store_idx %arg9[%add3A_501], %add3A_498 masked %and3A : memref<640xi32, #tpu.memory_space<vmem>>[vector<16xi32>], vector<16xi32>, vector<16xi1>
          %reduce_sum3A = arith.constant true
          %reduce_sum3A_502 = vector.broadcast %reduce_sum3A : i1 to vector<16xi1>
          %reduce_sum3A_503 = tpu.scan <sum>, %convert_element_type3A_481 masked %reduce_sum3A_502 : vector<16xi32>, vector<16xi1> -> vector<16xi32>
          %reduce_sum3A_504 = vector.extract %reduce_sum3A_503[15] : i32 from vector<16xi32>
          %add3A_505 = arith.addi %scan3A_465, %reduce_sum3A_504 : i32
          scf.yield %add3A_505 : i32
        } else {
          scf.yield %scan3A_465 : i32
        }
        scf.yield %cond3A_471 : i32
      }
      %scan3A_458 = arith.constant 128 : i32
      %lt3A = arith.constant 512 : i32
      %lt3A_459 = arith.cmpi slt, %scan3A_457, %lt3A : i32
      %convert_element_type3A_460 = arith.extui %lt3A_459 : i1 to i32
      %cond3A_461 = arith.constant 0 : i32
      %cond3A_462 = arith.cmpi ne, %convert_element_type3A_460, %cond3A_461 : i32
      %cond3A_463 = scf.if %cond3A_462 -> (i32) {
        %scan3A_464 = arith.constant 1 : i32
        %scan3A_465 = arith.constant 511 : i32
        %scan3A_466 = arith.addi %scan3A_464, %scan3A_465 : i32
        %scan3A_467 = arith.constant 1 : i32
        %scan3A_468 = scf.for %scan3A_470 = %scan3A_464 to %scan3A_466 step %scan3A_467 iter_args(%scan3A_471 = %scan3A_457) -> (i32)  : i32 {
          %lt3A_472 = arith.constant 512 : i32
          %lt3A_473 = arith.cmpi slt, %scan3A_471, %lt3A_472 : i32
          %convert_element_type3A_474 = arith.extui %lt3A_473 : i1 to i32
          %cond3A_475 = arith.constant 0 : i32
          %cond3A_476 = arith.cmpi ne, %convert_element_type3A_474, %cond3A_475 : i32
          %cond3A_477 = scf.if %cond3A_476 -> (i32) {
            %mul3A_478 = arith.constant 2048 : i32
            %mul3A_479 = arith.muli %scan3A_470, %mul3A_478 : i32
            %multiple_of3A_480 = tpu.assume_multiple %mul3A_479, 2048 : i32
            "tpu.region"() ({
              %run_scoped3A = tpu.sem_alloc : memref<!tpu.dma_semaphore, #tpu.memory_space<semaphore_mem>>
              %dma_start3A_679 = tpu.memref_slice %arg4[%multiple_of3A_480] : memref<1048576xi32, #tpu.memory_space<hbm>> -> memref<2048xi32, #tpu.memory_space<hbm>>
              %dma_start3A_680 = tpu.memref_slice %arg4[%multiple_of3A_480] : memref<1048576xi32, #tpu.memory_space<hbm>> -> memref<2048xi32, #tpu.memory_space<hbm>>
              tpu.enqueue_dma source(%dma_start3A_680 : memref<2048xi32, #tpu.memory_space<hbm>>) target(%arg7 : memref<2048xi32, #tpu.memory_space<vmem>>) target_semaphore(%run_scoped3A : memref<!tpu.dma_semaphore, #tpu.memory_space<semaphore_mem>>)
              %dma_wait3A_681 = tpu.memref_slice %arg4[%multiple_of3A_480] : memref<1048576xi32, #tpu.memory_space<hbm>> -> memref<2048xi32, #tpu.memory_space<hbm>>
              %dma_wait3A_682 = tpu.memref_slice %arg4[%multiple_of3A_480] : memref<1048576xi32, #tpu.memory_space<hbm>> -> memref<2048xi32, #tpu.memory_space<hbm>>
              tpu.wait_dma2 semaphore(%run_scoped3A : memref<!tpu.dma_semaphore, #tpu.memory_space<semaphore_mem>>) src(%dma_wait3A_682 : memref<2048xi32, #tpu.memory_space<hbm>>) dst(%arg7 : memref<2048xi32, #tpu.memory_space<vmem>>)
              tpu.yield
            }) : () -> ()
            %dma_start3A_481 = arith.constant 0 : i32
            %dma_start3A_482 = tpu.memref_slice %arg8[%dma_start3A_481] : memref<2048xf32, #tpu.memory_space<vmem>> -> memref<128xf32, #tpu.memory_space<vmem>>
            %dma_start3A_483 = arith.constant 0 : i32
            %dma_start3A_484 = tpu.memref_slice %arg7[%dma_start3A_483] : memref<2048xi32, #tpu.memory_space<vmem>> -> memref<128xi32, #tpu.memory_space<vmem>>
            %dma_start3A_485 = arith.constant 0 : i32
            %dma_start3A_486 = tpu.memref_slice %arg5[%dma_start3A_485] : memref<1048576xf32, #tpu.memory_space<hbm>> -> memref<1048576xf32, #tpu.memory_space<hbm>>
            tpu.enqueue_indirect_dma source(%dma_start3A_486 : memref<1048576xf32, #tpu.memory_space<hbm>>) target(%dma_start3A_482 : memref<128xf32, #tpu.memory_space<vmem>>) offsets(%dma_start3A_484 : memref<128xi32, #tpu.memory_space<vmem>>) semaphore(%arg13 : memref<!tpu.dma_semaphore, #tpu.memory_space<semaphore_mem>>)
            %dma_start3A_487 = arith.constant 128 : i32
            %dma_start3A_488 = tpu.memref_slice %arg8[%dma_start3A_487] : memref<2048xf32, #tpu.memory_space<vmem>> -> memref<128xf32, #tpu.memory_space<vmem>>
            %dma_start3A_489 = arith.constant 128 : i32
            %dma_start3A_490 = tpu.memref_slice %arg7[%dma_start3A_489] : memref<2048xi32, #tpu.memory_space<vmem>> -> memref<128xi32, #tpu.memory_space<vmem>>
            %dma_start3A_491 = arith.constant 0 : i32
            %dma_start3A_492 = tpu.memref_slice %arg5[%dma_start3A_491] : memref<1048576xf32, #tpu.memory_space<hbm>> -> memref<1048576xf32, #tpu.memory_space<hbm>>
            tpu.enqueue_indirect_dma source(%dma_start3A_492 : memref<1048576xf32, #tpu.memory_space<hbm>>) target(%dma_start3A_488 : memref<128xf32, #tpu.memory_space<vmem>>) offsets(%dma_start3A_490 : memref<128xi32, #tpu.memory_space<vmem>>) semaphore(%arg13 : memref<!tpu.dma_semaphore, #tpu.memory_space<semaphore_mem>>)
            %dma_start3A_493 = arith.constant 256 : i32
            %dma_start3A_494 = tpu.memref_slice %arg8[%dma_start3A_493] : memref<2048xf32, #tpu.memory_space<vmem>> -> memref<128xf32, #tpu.memory_space<vmem>>
            %dma_start3A_495 = arith.constant 256 : i32
            %dma_start3A_496 = tpu.memref_slice %arg7[%dma_start3A_495] : memref<2048xi32, #tpu.memory_space<vmem>> -> memref<128xi32, #tpu.memory_space<vmem>>
            %dma_start3A_497 = arith.constant 0 : i32
            %dma_start3A_498 = tpu.memref_slice %arg5[%dma_start3A_497] : memref<1048576xf32, #tpu.memory_space<hbm>> -> memref<1048576xf32, #tpu.memory_space<hbm>>
            tpu.enqueue_indirect_dma source(%dma_start3A_498 : memref<1048576xf32, #tpu.memory_space<hbm>>) target(%dma_start3A_494 : memref<128xf32, #tpu.memory_space<vmem>>) offsets(%dma_start3A_496 : memref<128xi32, #tpu.memory_space<vmem>>) semaphore(%arg13 : memref<!tpu.dma_semaphore, #tpu.memory_space<semaphore_mem>>)
            %dma_start3A_499 = arith.constant 384 : i32
            %dma_start3A_500 = tpu.memref_slice %arg8[%dma_start3A_499] : memref<2048xf32, #tpu.memory_space<vmem>> -> memref<128xf32, #tpu.memory_space<vmem>>
            %dma_start3A_501 = arith.constant 384 : i32
            %dma_start3A_502 = tpu.memref_slice %arg7[%dma_start3A_501] : memref<2048xi32, #tpu.memory_space<vmem>> -> memref<128xi32, #tpu.memory_space<vmem>>
            %dma_start3A_503 = arith.constant 0 : i32
            %dma_start3A_504 = tpu.memref_slice %arg5[%dma_start3A_503] : memref<1048576xf32, #tpu.memory_space<hbm>> -> memref<1048576xf32, #tpu.memory_space<hbm>>
            tpu.enqueue_indirect_dma source(%dma_start3A_504 : memref<1048576xf32, #tpu.memory_space<hbm>>) target(%dma_start3A_500 : memref<128xf32, #tpu.memory_space<vmem>>) offsets(%dma_start3A_502 : memref<128xi32, #tpu.memory_space<vmem>>) semaphore(%arg13 : memref<!tpu.dma_semaphore, #tpu.memory_space<semaphore_mem>>)
            %dma_start3A_505 = arith.constant 512 : i32
            %dma_start3A_506 = tpu.memref_slice %arg8[%dma_start3A_505] : memref<2048xf32, #tpu.memory_space<vmem>> -> memref<128xf32, #tpu.memory_space<vmem>>
            %dma_start3A_507 = arith.constant 512 : i32
            %dma_start3A_508 = tpu.memref_slice %arg7[%dma_start3A_507] : memref<2048xi32, #tpu.memory_space<vmem>> -> memref<128xi32, #tpu.memory_space<vmem>>
            %dma_start3A_509 = arith.constant 0 : i32
            %dma_start3A_510 = tpu.memref_slice %arg5[%dma_start3A_509] : memref<1048576xf32, #tpu.memory_space<hbm>> -> memref<1048576xf32, #tpu.memory_space<hbm>>
            tpu.enqueue_indirect_dma source(%dma_start3A_510 : memref<1048576xf32, #tpu.memory_space<hbm>>) target(%dma_start3A_506 : memref<128xf32, #tpu.memory_space<vmem>>) offsets(%dma_start3A_508 : memref<128xi32, #tpu.memory_space<vmem>>) semaphore(%arg13 : memref<!tpu.dma_semaphore, #tpu.memory_space<semaphore_mem>>)
            %dma_start3A_511 = arith.constant 640 : i32
            %dma_start3A_512 = tpu.memref_slice %arg8[%dma_start3A_511] : memref<2048xf32, #tpu.memory_space<vmem>> -> memref<128xf32, #tpu.memory_space<vmem>>
            %dma_start3A_513 = arith.constant 640 : i32
            %dma_start3A_514 = tpu.memref_slice %arg7[%dma_start3A_513] : memref<2048xi32, #tpu.memory_space<vmem>> -> memref<128xi32, #tpu.memory_space<vmem>>
            %dma_start3A_515 = arith.constant 0 : i32
            %dma_start3A_516 = tpu.memref_slice %arg5[%dma_start3A_515] : memref<1048576xf32, #tpu.memory_space<hbm>> -> memref<1048576xf32, #tpu.memory_space<hbm>>
            tpu.enqueue_indirect_dma source(%dma_start3A_516 : memref<1048576xf32, #tpu.memory_space<hbm>>) target(%dma_start3A_512 : memref<128xf32, #tpu.memory_space<vmem>>) offsets(%dma_start3A_514 : memref<128xi32, #tpu.memory_space<vmem>>) semaphore(%arg13 : memref<!tpu.dma_semaphore, #tpu.memory_space<semaphore_mem>>)
            %dma_start3A_517 = arith.constant 768 : i32
            %dma_start3A_518 = tpu.memref_slice %arg8[%dma_start3A_517] : memref<2048xf32, #tpu.memory_space<vmem>> -> memref<128xf32, #tpu.memory_space<vmem>>
            %dma_start3A_519 = arith.constant 768 : i32
            %dma_start3A_520 = tpu.memref_slice %arg7[%dma_start3A_519] : memref<2048xi32, #tpu.memory_space<vmem>> -> memref<128xi32, #tpu.memory_space<vmem>>
            %dma_start3A_521 = arith.constant 0 : i32
            %dma_start3A_522 = tpu.memref_slice %arg5[%dma_start3A_521] : memref<1048576xf32, #tpu.memory_space<hbm>> -> memref<1048576xf32, #tpu.memory_space<hbm>>
            tpu.enqueue_indirect_dma source(%dma_start3A_522 : memref<1048576xf32, #tpu.memory_space<hbm>>) target(%dma_start3A_518 : memref<128xf32, #tpu.memory_space<vmem>>) offsets(%dma_start3A_520 : memref<128xi32, #tpu.memory_space<vmem>>) semaphore(%arg13 : memref<!tpu.dma_semaphore, #tpu.memory_space<semaphore_mem>>)
            %dma_start3A_523 = arith.constant 896 : i32
            %dma_start3A_524 = tpu.memref_slice %arg8[%dma_start3A_523] : memref<2048xf32, #tpu.memory_space<vmem>> -> memref<128xf32, #tpu.memory_space<vmem>>
            %dma_start3A_525 = arith.constant 896 : i32
            %dma_start3A_526 = tpu.memref_slice %arg7[%dma_start3A_525] : memref<2048xi32, #tpu.memory_space<vmem>> -> memref<128xi32, #tpu.memory_space<vmem>>
            %dma_start3A_527 = arith.constant 0 : i32
            %dma_start3A_528 = tpu.memref_slice %arg5[%dma_start3A_527] : memref<1048576xf32, #tpu.memory_space<hbm>> -> memref<1048576xf32, #tpu.memory_space<hbm>>
            tpu.enqueue_indirect_dma source(%dma_start3A_528 : memref<1048576xf32, #tpu.memory_space<hbm>>) target(%dma_start3A_524 : memref<128xf32, #tpu.memory_space<vmem>>) offsets(%dma_start3A_526 : memref<128xi32, #tpu.memory_space<vmem>>) semaphore(%arg13 : memref<!tpu.dma_semaphore, #tpu.memory_space<semaphore_mem>>)
            %dma_start3A_529 = arith.constant 1024 : i32
            %dma_start3A_530 = tpu.memref_slice %arg8[%dma_start3A_529] : memref<2048xf32, #tpu.memory_space<vmem>> -> memref<128xf32, #tpu.memory_space<vmem>>
            %dma_start3A_531 = arith.constant 1024 : i32
            %dma_start3A_532 = tpu.memref_slice %arg7[%dma_start3A_531] : memref<2048xi32, #tpu.memory_space<vmem>> -> memref<128xi32, #tpu.memory_space<vmem>>
            %dma_start3A_533 = arith.constant 0 : i32
            %dma_start3A_534 = tpu.memref_slice %arg5[%dma_start3A_533] : memref<1048576xf32, #tpu.memory_space<hbm>> -> memref<1048576xf32, #tpu.memory_space<hbm>>
            tpu.enqueue_indirect_dma source(%dma_start3A_534 : memref<1048576xf32, #tpu.memory_space<hbm>>) target(%dma_start3A_530 : memref<128xf32, #tpu.memory_space<vmem>>) offsets(%dma_start3A_532 : memref<128xi32, #tpu.memory_space<vmem>>) semaphore(%arg13 : memref<!tpu.dma_semaphore, #tpu.memory_space<semaphore_mem>>)
            %dma_start3A_535 = arith.constant 1152 : i32
            %dma_start3A_536 = tpu.memref_slice %arg8[%dma_start3A_535] : memref<2048xf32, #tpu.memory_space<vmem>> -> memref<128xf32, #tpu.memory_space<vmem>>
            %dma_start3A_537 = arith.constant 1152 : i32
            %dma_start3A_538 = tpu.memref_slice %arg7[%dma_start3A_537] : memref<2048xi32, #tpu.memory_space<vmem>> -> memref<128xi32, #tpu.memory_space<vmem>>
            %dma_start3A_539 = arith.constant 0 : i32
            %dma_start3A_540 = tpu.memref_slice %arg5[%dma_start3A_539] : memref<1048576xf32, #tpu.memory_space<hbm>> -> memref<1048576xf32, #tpu.memory_space<hbm>>
            tpu.enqueue_indirect_dma source(%dma_start3A_540 : memref<1048576xf32, #tpu.memory_space<hbm>>) target(%dma_start3A_536 : memref<128xf32, #tpu.memory_space<vmem>>) offsets(%dma_start3A_538 : memref<128xi32, #tpu.memory_space<vmem>>) semaphore(%arg13 : memref<!tpu.dma_semaphore, #tpu.memory_space<semaphore_mem>>)
            %dma_start3A_541 = arith.constant 1280 : i32
            %dma_start3A_542 = tpu.memref_slice %arg8[%dma_start3A_541] : memref<2048xf32, #tpu.memory_space<vmem>> -> memref<128xf32, #tpu.memory_space<vmem>>
            %dma_start3A_543 = arith.constant 1280 : i32
            %dma_start3A_544 = tpu.memref_slice %arg7[%dma_start3A_543] : memref<2048xi32, #tpu.memory_space<vmem>> -> memref<128xi32, #tpu.memory_space<vmem>>
            %dma_start3A_545 = arith.constant 0 : i32
            %dma_start3A_546 = tpu.memref_slice %arg5[%dma_start3A_545] : memref<1048576xf32, #tpu.memory_space<hbm>> -> memref<1048576xf32, #tpu.memory_space<hbm>>
            tpu.enqueue_indirect_dma source(%dma_start3A_546 : memref<1048576xf32, #tpu.memory_space<hbm>>) target(%dma_start3A_542 : memref<128xf32, #tpu.memory_space<vmem>>) offsets(%dma_start3A_544 : memref<128xi32, #tpu.memory_space<vmem>>) semaphore(%arg13 : memref<!tpu.dma_semaphore, #tpu.memory_space<semaphore_mem>>)
            %dma_start3A_547 = arith.constant 1408 : i32
            %dma_start3A_548 = tpu.memref_slice %arg8[%dma_start3A_547] : memref<2048xf32, #tpu.memory_space<vmem>> -> memref<128xf32, #tpu.memory_space<vmem>>
            %dma_start3A_549 = arith.constant 1408 : i32
            %dma_start3A_550 = tpu.memref_slice %arg7[%dma_start3A_549] : memref<2048xi32, #tpu.memory_space<vmem>> -> memref<128xi32, #tpu.memory_space<vmem>>
            %dma_start3A_551 = arith.constant 0 : i32
            %dma_start3A_552 = tpu.memref_slice %arg5[%dma_start3A_551] : memref<1048576xf32, #tpu.memory_space<hbm>> -> memref<1048576xf32, #tpu.memory_space<hbm>>
            tpu.enqueue_indirect_dma source(%dma_start3A_552 : memref<1048576xf32, #tpu.memory_space<hbm>>) target(%dma_start3A_548 : memref<128xf32, #tpu.memory_space<vmem>>) offsets(%dma_start3A_550 : memref<128xi32, #tpu.memory_space<vmem>>) semaphore(%arg13 : memref<!tpu.dma_semaphore, #tpu.memory_space<semaphore_mem>>)
            %dma_start3A_553 = arith.constant 1536 : i32
            %dma_start3A_554 = tpu.memref_slice %arg8[%dma_start3A_553] : memref<2048xf32, #tpu.memory_space<vmem>> -> memref<128xf32, #tpu.memory_space<vmem>>
            %dma_start3A_555 = arith.constant 1536 : i32
            %dma_start3A_556 = tpu.memref_slice %arg7[%dma_start3A_555] : memref<2048xi32, #tpu.memory_space<vmem>> -> memref<128xi32, #tpu.memory_space<vmem>>
            %dma_start3A_557 = arith.constant 0 : i32
            %dma_start3A_558 = tpu.memref_slice %arg5[%dma_start3A_557] : memref<1048576xf32, #tpu.memory_space<hbm>> -> memref<1048576xf32, #tpu.memory_space<hbm>>
            tpu.enqueue_indirect_dma source(%dma_start3A_558 : memref<1048576xf32, #tpu.memory_space<hbm>>) target(%dma_start3A_554 : memref<128xf32, #tpu.memory_space<vmem>>) offsets(%dma_start3A_556 : memref<128xi32, #tpu.memory_space<vmem>>) semaphore(%arg13 : memref<!tpu.dma_semaphore, #tpu.memory_space<semaphore_mem>>)
            %dma_start3A_559 = arith.constant 1664 : i32
            %dma_start3A_560 = tpu.memref_slice %arg8[%dma_start3A_559] : memref<2048xf32, #tpu.memory_space<vmem>> -> memref<128xf32, #tpu.memory_space<vmem>>
            %dma_start3A_561 = arith.constant 1664 : i32
            %dma_start3A_562 = tpu.memref_slice %arg7[%dma_start3A_561] : memref<2048xi32, #tpu.memory_space<vmem>> -> memref<128xi32, #tpu.memory_space<vmem>>
            %dma_start3A_563 = arith.constant 0 : i32
            %dma_start3A_564 = tpu.memref_slice %arg5[%dma_start3A_563] : memref<1048576xf32, #tpu.memory_space<hbm>> -> memref<1048576xf32, #tpu.memory_space<hbm>>
            tpu.enqueue_indirect_dma source(%dma_start3A_564 : memref<1048576xf32, #tpu.memory_space<hbm>>) target(%dma_start3A_560 : memref<128xf32, #tpu.memory_space<vmem>>) offsets(%dma_start3A_562 : memref<128xi32, #tpu.memory_space<vmem>>) semaphore(%arg13 : memref<!tpu.dma_semaphore, #tpu.memory_space<semaphore_mem>>)
            %dma_start3A_565 = arith.constant 1792 : i32
            %dma_start3A_566 = tpu.memref_slice %arg8[%dma_start3A_565] : memref<2048xf32, #tpu.memory_space<vmem>> -> memref<128xf32, #tpu.memory_space<vmem>>
            %dma_start3A_567 = arith.constant 1792 : i32
            %dma_start3A_568 = tpu.memref_slice %arg7[%dma_start3A_567] : memref<2048xi32, #tpu.memory_space<vmem>> -> memref<128xi32, #tpu.memory_space<vmem>>
            %dma_start3A_569 = arith.constant 0 : i32
            %dma_start3A_570 = tpu.memref_slice %arg5[%dma_start3A_569] : memref<1048576xf32, #tpu.memory_space<hbm>> -> memref<1048576xf32, #tpu.memory_space<hbm>>
            tpu.enqueue_indirect_dma source(%dma_start3A_570 : memref<1048576xf32, #tpu.memory_space<hbm>>) target(%dma_start3A_566 : memref<128xf32, #tpu.memory_space<vmem>>) offsets(%dma_start3A_568 : memref<128xi32, #tpu.memory_space<vmem>>) semaphore(%arg13 : memref<!tpu.dma_semaphore, #tpu.memory_space<semaphore_mem>>)
            %dma_start3A_571 = arith.constant 1920 : i32
            %dma_start3A_572 = tpu.memref_slice %arg8[%dma_start3A_571] : memref<2048xf32, #tpu.memory_space<vmem>> -> memref<128xf32, #tpu.memory_space<vmem>>
            %dma_start3A_573 = arith.constant 1920 : i32
            %dma_start3A_574 = tpu.memref_slice %arg7[%dma_start3A_573] : memref<2048xi32, #tpu.memory_space<vmem>> -> memref<128xi32, #tpu.memory_space<vmem>>
            %dma_start3A_575 = arith.constant 0 : i32
            %dma_start3A_576 = tpu.memref_slice %arg5[%dma_start3A_575] : memref<1048576xf32, #tpu.memory_space<hbm>> -> memref<1048576xf32, #tpu.memory_space<hbm>>
            tpu.enqueue_indirect_dma source(%dma_start3A_576 : memref<1048576xf32, #tpu.memory_space<hbm>>) target(%dma_start3A_572 : memref<128xf32, #tpu.memory_space<vmem>>) offsets(%dma_start3A_574 : memref<128xi32, #tpu.memory_space<vmem>>) semaphore(%arg13 : memref<!tpu.dma_semaphore, #tpu.memory_space<semaphore_mem>>)
            %dma_wait3A_577 = arith.constant 0 : i32
            %dma_wait3A_578 = tpu.memref_slice %arg8[%dma_wait3A_577] : memref<2048xf32, #tpu.memory_space<vmem>> -> memref<128xf32, #tpu.memory_space<vmem>>
            %dma_wait3A_579 = arith.constant 0 : i32
            %dma_wait3A_580 = tpu.memref_slice %arg7[%dma_wait3A_579] : memref<2048xi32, #tpu.memory_space<vmem>> -> memref<128xi32, #tpu.memory_space<vmem>>
            %dma_wait3A_581 = arith.constant 0 : i32
            %dma_wait3A_582 = tpu.memref_slice %arg5[%dma_wait3A_581] : memref<1048576xf32, #tpu.memory_space<hbm>> -> memref<1048576xf32, #tpu.memory_space<hbm>>
            tpu.wait_indirect_dma semaphore(%arg13 : memref<!tpu.dma_semaphore, #tpu.memory_space<semaphore_mem>>) src(%dma_wait3A_582 : memref<1048576xf32, #tpu.memory_space<hbm>>) dst(%dma_wait3A_578 : memref<128xf32, #tpu.memory_space<vmem>>)
            %dma_wait3A_583 = arith.constant 128 : i32
            %dma_wait3A_584 = tpu.memref_slice %arg8[%dma_wait3A_583] : memref<2048xf32, #tpu.memory_space<vmem>> -> memref<128xf32, #tpu.memory_space<vmem>>
            %dma_wait3A_585 = arith.constant 128 : i32
            %dma_wait3A_586 = tpu.memref_slice %arg7[%dma_wait3A_585] : memref<2048xi32, #tpu.memory_space<vmem>> -> memref<128xi32, #tpu.memory_space<vmem>>
            %dma_wait3A_587 = arith.constant 0 : i32
            %dma_wait3A_588 = tpu.memref_slice %arg5[%dma_wait3A_587] : memref<1048576xf32, #tpu.memory_space<hbm>> -> memref<1048576xf32, #tpu.memory_space<hbm>>
            tpu.wait_indirect_dma semaphore(%arg13 : memref<!tpu.dma_semaphore, #tpu.memory_space<semaphore_mem>>) src(%dma_wait3A_588 : memref<1048576xf32, #tpu.memory_space<hbm>>) dst(%dma_wait3A_584 : memref<128xf32, #tpu.memory_space<vmem>>)
            %dma_wait3A_589 = arith.constant 256 : i32
            %dma_wait3A_590 = tpu.memref_slice %arg8[%dma_wait3A_589] : memref<2048xf32, #tpu.memory_space<vmem>> -> memref<128xf32, #tpu.memory_space<vmem>>
            %dma_wait3A_591 = arith.constant 256 : i32
            %dma_wait3A_592 = tpu.memref_slice %arg7[%dma_wait3A_591] : memref<2048xi32, #tpu.memory_space<vmem>> -> memref<128xi32, #tpu.memory_space<vmem>>
            %dma_wait3A_593 = arith.constant 0 : i32
            %dma_wait3A_594 = tpu.memref_slice %arg5[%dma_wait3A_593] : memref<1048576xf32, #tpu.memory_space<hbm>> -> memref<1048576xf32, #tpu.memory_space<hbm>>
            tpu.wait_indirect_dma semaphore(%arg13 : memref<!tpu.dma_semaphore, #tpu.memory_space<semaphore_mem>>) src(%dma_wait3A_594 : memref<1048576xf32, #tpu.memory_space<hbm>>) dst(%dma_wait3A_590 : memref<128xf32, #tpu.memory_space<vmem>>)
            %dma_wait3A_595 = arith.constant 384 : i32
            %dma_wait3A_596 = tpu.memref_slice %arg8[%dma_wait3A_595] : memref<2048xf32, #tpu.memory_space<vmem>> -> memref<128xf32, #tpu.memory_space<vmem>>
            %dma_wait3A_597 = arith.constant 384 : i32
            %dma_wait3A_598 = tpu.memref_slice %arg7[%dma_wait3A_597] : memref<2048xi32, #tpu.memory_space<vmem>> -> memref<128xi32, #tpu.memory_space<vmem>>
            %dma_wait3A_599 = arith.constant 0 : i32
            %dma_wait3A_600 = tpu.memref_slice %arg5[%dma_wait3A_599] : memref<1048576xf32, #tpu.memory_space<hbm>> -> memref<1048576xf32, #tpu.memory_space<hbm>>
            tpu.wait_indirect_dma semaphore(%arg13 : memref<!tpu.dma_semaphore, #tpu.memory_space<semaphore_mem>>) src(%dma_wait3A_600 : memref<1048576xf32, #tpu.memory_space<hbm>>) dst(%dma_wait3A_596 : memref<128xf32, #tpu.memory_space<vmem>>)
            %dma_wait3A_601 = arith.constant 512 : i32
            %dma_wait3A_602 = tpu.memref_slice %arg8[%dma_wait3A_601] : memref<2048xf32, #tpu.memory_space<vmem>> -> memref<128xf32, #tpu.memory_space<vmem>>
            %dma_wait3A_603 = arith.constant 512 : i32
            %dma_wait3A_604 = tpu.memref_slice %arg7[%dma_wait3A_603] : memref<2048xi32, #tpu.memory_space<vmem>> -> memref<128xi32, #tpu.memory_space<vmem>>
            %dma_wait3A_605 = arith.constant 0 : i32
            %dma_wait3A_606 = tpu.memref_slice %arg5[%dma_wait3A_605] : memref<1048576xf32, #tpu.memory_space<hbm>> -> memref<1048576xf32, #tpu.memory_space<hbm>>
            tpu.wait_indirect_dma semaphore(%arg13 : memref<!tpu.dma_semaphore, #tpu.memory_space<semaphore_mem>>) src(%dma_wait3A_606 : memref<1048576xf32, #tpu.memory_space<hbm>>) dst(%dma_wait3A_602 : memref<128xf32, #tpu.memory_space<vmem>>)
            %dma_wait3A_607 = arith.constant 640 : i32
            %dma_wait3A_608 = tpu.memref_slice %arg8[%dma_wait3A_607] : memref<2048xf32, #tpu.memory_space<vmem>> -> memref<128xf32, #tpu.memory_space<vmem>>
            %dma_wait3A_609 = arith.constant 640 : i32
            %dma_wait3A_610 = tpu.memref_slice %arg7[%dma_wait3A_609] : memref<2048xi32, #tpu.memory_space<vmem>> -> memref<128xi32, #tpu.memory_space<vmem>>
            %dma_wait3A_611 = arith.constant 0 : i32
            %dma_wait3A_612 = tpu.memref_slice %arg5[%dma_wait3A_611] : memref<1048576xf32, #tpu.memory_space<hbm>> -> memref<1048576xf32, #tpu.memory_space<hbm>>
            tpu.wait_indirect_dma semaphore(%arg13 : memref<!tpu.dma_semaphore, #tpu.memory_space<semaphore_mem>>) src(%dma_wait3A_612 : memref<1048576xf32, #tpu.memory_space<hbm>>) dst(%dma_wait3A_608 : memref<128xf32, #tpu.memory_space<vmem>>)
            %dma_wait3A_613 = arith.constant 768 : i32
            %dma_wait3A_614 = tpu.memref_slice %arg8[%dma_wait3A_613] : memref<2048xf32, #tpu.memory_space<vmem>> -> memref<128xf32, #tpu.memory_space<vmem>>
            %dma_wait3A_615 = arith.constant 768 : i32
            %dma_wait3A_616 = tpu.memref_slice %arg7[%dma_wait3A_615] : memref<2048xi32, #tpu.memory_space<vmem>> -> memref<128xi32, #tpu.memory_space<vmem>>
            %dma_wait3A_617 = arith.constant 0 : i32
            %dma_wait3A_618 = tpu.memref_slice %arg5[%dma_wait3A_617] : memref<1048576xf32, #tpu.memory_space<hbm>> -> memref<1048576xf32, #tpu.memory_space<hbm>>
            tpu.wait_indirect_dma semaphore(%arg13 : memref<!tpu.dma_semaphore, #tpu.memory_space<semaphore_mem>>) src(%dma_wait3A_618 : memref<1048576xf32, #tpu.memory_space<hbm>>) dst(%dma_wait3A_614 : memref<128xf32, #tpu.memory_space<vmem>>)
            %dma_wait3A_619 = arith.constant 896 : i32
            %dma_wait3A_620 = tpu.memref_slice %arg8[%dma_wait3A_619] : memref<2048xf32, #tpu.memory_space<vmem>> -> memref<128xf32, #tpu.memory_space<vmem>>
            %dma_wait3A_621 = arith.constant 896 : i32
            %dma_wait3A_622 = tpu.memref_slice %arg7[%dma_wait3A_621] : memref<2048xi32, #tpu.memory_space<vmem>> -> memref<128xi32, #tpu.memory_space<vmem>>
            %dma_wait3A_623 = arith.constant 0 : i32
            %dma_wait3A_624 = tpu.memref_slice %arg5[%dma_wait3A_623] : memref<1048576xf32, #tpu.memory_space<hbm>> -> memref<1048576xf32, #tpu.memory_space<hbm>>
            tpu.wait_indirect_dma semaphore(%arg13 : memref<!tpu.dma_semaphore, #tpu.memory_space<semaphore_mem>>) src(%dma_wait3A_624 : memref<1048576xf32, #tpu.memory_space<hbm>>) dst(%dma_wait3A_620 : memref<128xf32, #tpu.memory_space<vmem>>)
            %dma_wait3A_625 = arith.constant 1024 : i32
            %dma_wait3A_626 = tpu.memref_slice %arg8[%dma_wait3A_625] : memref<2048xf32, #tpu.memory_space<vmem>> -> memref<128xf32, #tpu.memory_space<vmem>>
            %dma_wait3A_627 = arith.constant 1024 : i32
            %dma_wait3A_628 = tpu.memref_slice %arg7[%dma_wait3A_627] : memref<2048xi32, #tpu.memory_space<vmem>> -> memref<128xi32, #tpu.memory_space<vmem>>
            %dma_wait3A_629 = arith.constant 0 : i32
            %dma_wait3A_630 = tpu.memref_slice %arg5[%dma_wait3A_629] : memref<1048576xf32, #tpu.memory_space<hbm>> -> memref<1048576xf32, #tpu.memory_space<hbm>>
            tpu.wait_indirect_dma semaphore(%arg13 : memref<!tpu.dma_semaphore, #tpu.memory_space<semaphore_mem>>) src(%dma_wait3A_630 : memref<1048576xf32, #tpu.memory_space<hbm>>) dst(%dma_wait3A_626 : memref<128xf32, #tpu.memory_space<vmem>>)
            %dma_wait3A_631 = arith.constant 1152 : i32
            %dma_wait3A_632 = tpu.memref_slice %arg8[%dma_wait3A_631] : memref<2048xf32, #tpu.memory_space<vmem>> -> memref<128xf32, #tpu.memory_space<vmem>>
            %dma_wait3A_633 = arith.constant 1152 : i32
            %dma_wait3A_634 = tpu.memref_slice %arg7[%dma_wait3A_633] : memref<2048xi32, #tpu.memory_space<vmem>> -> memref<128xi32, #tpu.memory_space<vmem>>
            %dma_wait3A_635 = arith.constant 0 : i32
            %dma_wait3A_636 = tpu.memref_slice %arg5[%dma_wait3A_635] : memref<1048576xf32, #tpu.memory_space<hbm>> -> memref<1048576xf32, #tpu.memory_space<hbm>>
            tpu.wait_indirect_dma semaphore(%arg13 : memref<!tpu.dma_semaphore, #tpu.memory_space<semaphore_mem>>) src(%dma_wait3A_636 : memref<1048576xf32, #tpu.memory_space<hbm>>) dst(%dma_wait3A_632 : memref<128xf32, #tpu.memory_space<vmem>>)
            %dma_wait3A_637 = arith.constant 1280 : i32
            %dma_wait3A_638 = tpu.memref_slice %arg8[%dma_wait3A_637] : memref<2048xf32, #tpu.memory_space<vmem>> -> memref<128xf32, #tpu.memory_space<vmem>>
            %dma_wait3A_639 = arith.constant 1280 : i32
            %dma_wait3A_640 = tpu.memref_slice %arg7[%dma_wait3A_639] : memref<2048xi32, #tpu.memory_space<vmem>> -> memref<128xi32, #tpu.memory_space<vmem>>
            %dma_wait3A_641 = arith.constant 0 : i32
            %dma_wait3A_642 = tpu.memref_slice %arg5[%dma_wait3A_641] : memref<1048576xf32, #tpu.memory_space<hbm>> -> memref<1048576xf32, #tpu.memory_space<hbm>>
            tpu.wait_indirect_dma semaphore(%arg13 : memref<!tpu.dma_semaphore, #tpu.memory_space<semaphore_mem>>) src(%dma_wait3A_642 : memref<1048576xf32, #tpu.memory_space<hbm>>) dst(%dma_wait3A_638 : memref<128xf32, #tpu.memory_space<vmem>>)
            %dma_wait3A_643 = arith.constant 1408 : i32
            %dma_wait3A_644 = tpu.memref_slice %arg8[%dma_wait3A_643] : memref<2048xf32, #tpu.memory_space<vmem>> -> memref<128xf32, #tpu.memory_space<vmem>>
            %dma_wait3A_645 = arith.constant 1408 : i32
            %dma_wait3A_646 = tpu.memref_slice %arg7[%dma_wait3A_645] : memref<2048xi32, #tpu.memory_space<vmem>> -> memref<128xi32, #tpu.memory_space<vmem>>
            %dma_wait3A_647 = arith.constant 0 : i32
            %dma_wait3A_648 = tpu.memref_slice %arg5[%dma_wait3A_647] : memref<1048576xf32, #tpu.memory_space<hbm>> -> memref<1048576xf32, #tpu.memory_space<hbm>>
            tpu.wait_indirect_dma semaphore(%arg13 : memref<!tpu.dma_semaphore, #tpu.memory_space<semaphore_mem>>) src(%dma_wait3A_648 : memref<1048576xf32, #tpu.memory_space<hbm>>) dst(%dma_wait3A_644 : memref<128xf32, #tpu.memory_space<vmem>>)
            %dma_wait3A_649 = arith.constant 1536 : i32
            %dma_wait3A_650 = tpu.memref_slice %arg8[%dma_wait3A_649] : memref<2048xf32, #tpu.memory_space<vmem>> -> memref<128xf32, #tpu.memory_space<vmem>>
            %dma_wait3A_651 = arith.constant 1536 : i32
            %dma_wait3A_652 = tpu.memref_slice %arg7[%dma_wait3A_651] : memref<2048xi32, #tpu.memory_space<vmem>> -> memref<128xi32, #tpu.memory_space<vmem>>
            %dma_wait3A_653 = arith.constant 0 : i32
            %dma_wait3A_654 = tpu.memref_slice %arg5[%dma_wait3A_653] : memref<1048576xf32, #tpu.memory_space<hbm>> -> memref<1048576xf32, #tpu.memory_space<hbm>>
            tpu.wait_indirect_dma semaphore(%arg13 : memref<!tpu.dma_semaphore, #tpu.memory_space<semaphore_mem>>) src(%dma_wait3A_654 : memref<1048576xf32, #tpu.memory_space<hbm>>) dst(%dma_wait3A_650 : memref<128xf32, #tpu.memory_space<vmem>>)
            %dma_wait3A_655 = arith.constant 1664 : i32
            %dma_wait3A_656 = tpu.memref_slice %arg8[%dma_wait3A_655] : memref<2048xf32, #tpu.memory_space<vmem>> -> memref<128xf32, #tpu.memory_space<vmem>>
            %dma_wait3A_657 = arith.constant 1664 : i32
            %dma_wait3A_658 = tpu.memref_slice %arg7[%dma_wait3A_657] : memref<2048xi32, #tpu.memory_space<vmem>> -> memref<128xi32, #tpu.memory_space<vmem>>
            %dma_wait3A_659 = arith.constant 0 : i32
            %dma_wait3A_660 = tpu.memref_slice %arg5[%dma_wait3A_659] : memref<1048576xf32, #tpu.memory_space<hbm>> -> memref<1048576xf32, #tpu.memory_space<hbm>>
            tpu.wait_indirect_dma semaphore(%arg13 : memref<!tpu.dma_semaphore, #tpu.memory_space<semaphore_mem>>) src(%dma_wait3A_660 : memref<1048576xf32, #tpu.memory_space<hbm>>) dst(%dma_wait3A_656 : memref<128xf32, #tpu.memory_space<vmem>>)
            %dma_wait3A_661 = arith.constant 1792 : i32
            %dma_wait3A_662 = tpu.memref_slice %arg8[%dma_wait3A_661] : memref<2048xf32, #tpu.memory_space<vmem>> -> memref<128xf32, #tpu.memory_space<vmem>>
            %dma_wait3A_663 = arith.constant 1792 : i32
            %dma_wait3A_664 = tpu.memref_slice %arg7[%dma_wait3A_663] : memref<2048xi32, #tpu.memory_space<vmem>> -> memref<128xi32, #tpu.memory_space<vmem>>
            %dma_wait3A_665 = arith.constant 0 : i32
            %dma_wait3A_666 = tpu.memref_slice %arg5[%dma_wait3A_665] : memref<1048576xf32, #tpu.memory_space<hbm>> -> memref<1048576xf32, #tpu.memory_space<hbm>>
            tpu.wait_indirect_dma semaphore(%arg13 : memref<!tpu.dma_semaphore, #tpu.memory_space<semaphore_mem>>) src(%dma_wait3A_666 : memref<1048576xf32, #tpu.memory_space<hbm>>) dst(%dma_wait3A_662 : memref<128xf32, #tpu.memory_space<vmem>>)
            %dma_wait3A_667 = arith.constant 1920 : i32
            %dma_wait3A_668 = tpu.memref_slice %arg8[%dma_wait3A_667] : memref<2048xf32, #tpu.memory_space<vmem>> -> memref<128xf32, #tpu.memory_space<vmem>>
            %dma_wait3A_669 = arith.constant 1920 : i32
            %dma_wait3A_670 = tpu.memref_slice %arg7[%dma_wait3A_669] : memref<2048xi32, #tpu.memory_space<vmem>> -> memref<128xi32, #tpu.memory_space<vmem>>
            %dma_wait3A_671 = arith.constant 0 : i32
            %dma_wait3A_672 = tpu.memref_slice %arg5[%dma_wait3A_671] : memref<1048576xf32, #tpu.memory_space<hbm>> -> memref<1048576xf32, #tpu.memory_space<hbm>>
            tpu.wait_indirect_dma semaphore(%arg13 : memref<!tpu.dma_semaphore, #tpu.memory_space<semaphore_mem>>) src(%dma_wait3A_672 : memref<1048576xf32, #tpu.memory_space<hbm>>) dst(%dma_wait3A_668 : memref<128xf32, #tpu.memory_space<vmem>>)
            %scan3A_673 = arith.constant 0 : i32
            %scan3A_674 = arith.constant 128 : i32
            %scan3A_675 = arith.addi %scan3A_673, %scan3A_674 : i32
            %scan3A_676 = arith.constant 1 : i32
            %scan3A_677 = scf.for %scan3A_679 = %scan3A_673 to %scan3A_675 step %scan3A_676 iter_args(%scan3A_680 = %scan3A_471) -> (i32)  : i32 {
              %lt3A_681 = arith.constant 512 : i32
              %lt3A_682 = arith.cmpi slt, %scan3A_680, %lt3A_681 : i32
              %convert_element_type3A_683 = arith.extui %lt3A_682 : i1 to i32
              %cond3A_684 = arith.constant 0 : i32
              %cond3A_685 = arith.cmpi ne, %convert_element_type3A_683, %cond3A_684 : i32
              %cond3A_686 = scf.if %cond3A_685 -> (i32) {
                %mul3A_687 = arith.constant 16 : i32
                %mul3A_688 = arith.muli %scan3A_679, %mul3A_687 : i32
                %get3A = arith.index_cast %mul3A_688 : i32 to index
                %get3A_689 = tpu.vector_load %arg8[%get3A] {strides = array<i32>} : memref<2048xf32, #tpu.memory_space<vmem>>, vector<16xf32>,
                %mul3A_690 = arith.constant 16 : i32
                %mul3A_691 = arith.muli %scan3A_679, %mul3A_690 : i32
                %get3A_692 = arith.index_cast %mul3A_691 : i32 to index
                %get3A_693 = tpu.vector_load %arg7[%get3A_692] {strides = array<i32>} : memref<2048xi32, #tpu.memory_space<vmem>>, vector<16xi32>,
                %le3A = arith.constant 5.000000e-01 : f32
                %le3A_694 = vector.broadcast %le3A : f32 to vector<16xf32>
                %le3A_695 = arith.cmpf ole, %get3A_689, %le3A_694 : vector<16xf32>
                %convert_element_type3A_696 = arith.extui %le3A_695 : vector<16xi1> to vector<16xi32>
                %broadcast_in_dim3A = arith.constant true
                %broadcast_in_dim3A_697 = vector.broadcast %broadcast_in_dim3A : i1 to vector<16xi1>
                %masked_cumsum3A = tpu.scan <sum>, %convert_element_type3A_696 masked %broadcast_in_dim3A_697 : vector<16xi32>, vector<16xi1> -> vector<16xi32>
                %add3A_698 = vector.broadcast %scan3A_680 : i32 to vector<16xi32>
                %add3A_699 = arith.addi %add3A_698, %masked_cumsum3A : vector<16xi32>
                %sub3A = arith.constant 1 : i32
                %sub3A_700 = vector.broadcast %sub3A : i32 to vector<16xi32>
                %sub3A_701 = arith.subi %add3A_699, %sub3A_700 : vector<16xi32>
                %lt3A_702 = arith.constant 512 : i32
                %lt3A_703 = vector.broadcast %lt3A_702 : i32 to vector<16xi32>
                %lt3A_704 = arith.cmpi slt, %sub3A_701, %lt3A_703 : vector<16xi32>
                %and3A = arith.andi %le3A_695, %lt3A_704 : vector<16xi1>
                %shift_right_arithmetic3A = arith.constant 18 : i32
                %shift_right_arithmetic3A_705 = vector.broadcast %shift_right_arithmetic3A : i32 to vector<16xi32>
                %shift_right_arithmetic3A_706 = arith.shrsi %get3A_693, %shift_right_arithmetic3A_705 : vector<16xi32>
                %mul3A_707 = arith.constant 25165824 : i32
                %mul3A_708 = vector.broadcast %mul3A_707 : i32 to vector<16xi32>
                %mul3A_709 = arith.muli %shift_right_arithmetic3A_706, %mul3A_708 : vector<16xi32>
                %and3A_710 = arith.constant 262143 : i32
                %and3A_711 = vector.broadcast %and3A_710 : i32 to vector<16xi32>
                %and3A_712 = arith.andi %get3A_693, %and3A_711 : vector<16xi32>
                %add3A_713 = arith.addi %mul3A_709, %and3A_712 : vector<16xi32>
                %add3A_714 = arith.constant 128 : i32
                %add3A_715 = vector.broadcast %add3A_714 : i32 to vector<16xi32>
                %add3A_716 = arith.addi %sub3A_701, %add3A_715 : vector<16xi32>
                tpu.vector_store_idx %arg9[%add3A_716], %add3A_713 masked %and3A : memref<640xi32, #tpu.memory_space<vmem>>[vector<16xi32>], vector<16xi32>, vector<16xi1>
                %reduce_sum3A = arith.constant true
                %reduce_sum3A_717 = vector.broadcast %reduce_sum3A : i1 to vector<16xi1>
                %reduce_sum3A_718 = tpu.scan <sum>, %convert_element_type3A_696 masked %reduce_sum3A_717 : vector<16xi32>, vector<16xi1> -> vector<16xi32>
                %reduce_sum3A_719 = vector.extract %reduce_sum3A_718[15] : i32 from vector<16xi32>
                %add3A_720 = arith.addi %scan3A_680, %reduce_sum3A_719 : i32
                scf.yield %add3A_720 : i32
              } else {
                scf.yield %scan3A_680 : i32
              }
              scf.yield %cond3A_686 : i32
            }
            %scan3A_678 = arith.constant 128 : i32
            scf.yield %scan3A_677 : i32
          } else {
            scf.yield %scan3A_471 : i32
          }
          scf.yield %cond3A_477 : i32
        }
        %scan3A_469 = arith.constant 511 : i32
        scf.yield %scan3A_468 : i32
      } else {
        scf.yield %scan3A_457 : i32
      }
      "tpu.region"() ({
        %run_scoped3A = tpu.sem_alloc : memref<!tpu.dma_semaphore, #tpu.memory_space<semaphore_mem>>
        %dma_start3A_464 = arith.constant 128 : i32
        %dma_start3A_465 = tpu.memref_slice %arg9[%dma_start3A_464] : memref<640xi32, #tpu.memory_space<vmem>> -> memref<512xi32, #tpu.memory_space<vmem>>
        %dma_start3A_466 = arith.constant 128 : i32
        %dma_start3A_467 = tpu.memref_slice %arg12[%dma_start3A_466] : memref<640xi32, #tpu.memory_space<vmem_shared>> -> memref<512xi32, #tpu.memory_space<vmem_shared>>
        %dma_start3A_468 = arith.constant 128 : i32
        %dma_start3A_469 = tpu.memref_slice %arg12[%dma_start3A_468] : memref<640xi32, #tpu.memory_space<vmem_shared>> -> memref<512xi32, #tpu.memory_space<vmem_shared>>
        %dma_start3A_470 = arith.constant 128 : i32
        %dma_start3A_471 = tpu.memref_slice %arg9[%dma_start3A_470] : memref<640xi32, #tpu.memory_space<vmem>> -> memref<512xi32, #tpu.memory_space<vmem>>
        tpu.enqueue_dma source(%dma_start3A_471 : memref<512xi32, #tpu.memory_space<vmem>>) target(%dma_start3A_469 : memref<512xi32, #tpu.memory_space<vmem_shared>>) target_semaphore(%run_scoped3A : memref<!tpu.dma_semaphore, #tpu.memory_space<semaphore_mem>>)
        %dma_wait3A_472 = arith.constant 128 : i32
        %dma_wait3A_473 = tpu.memref_slice %arg9[%dma_wait3A_472] : memref<640xi32, #tpu.memory_space<vmem>> -> memref<512xi32, #tpu.memory_space<vmem>>
        %dma_wait3A_474 = arith.constant 128 : i32
        %dma_wait3A_475 = tpu.memref_slice %arg12[%dma_wait3A_474] : memref<640xi32, #tpu.memory_space<vmem_shared>> -> memref<512xi32, #tpu.memory_space<vmem_shared>>
        %dma_wait3A_476 = arith.constant 128 : i32
        %dma_wait3A_477 = tpu.memref_slice %arg12[%dma_wait3A_476] : memref<640xi32, #tpu.memory_space<vmem_shared>> -> memref<512xi32, #tpu.memory_space<vmem_shared>>
        %dma_wait3A_478 = arith.constant 128 : i32
        %dma_wait3A_479 = tpu.memref_slice %arg9[%dma_wait3A_478] : memref<640xi32, #tpu.memory_space<vmem>> -> memref<512xi32, #tpu.memory_space<vmem>>
        tpu.wait_dma2 semaphore(%run_scoped3A : memref<!tpu.dma_semaphore, #tpu.memory_space<semaphore_mem>>) src(%dma_wait3A_479 : memref<512xi32, #tpu.memory_space<vmem>>) dst(%dma_wait3A_477 : memref<512xi32, #tpu.memory_space<vmem_shared>>)
        tpu.yield
      }) : () -> ()
    } else {
    }
    %barrier3A = arith.constant 0 : index
    tpu.barrier barrier_id(%barrier3A)
    "tpu.region"() ({
      %run_scoped3A = tpu.sem_alloc : memref<!tpu.dma_semaphore, #tpu.memory_space<semaphore_mem>>
      tpu.enqueue_dma source(%arg12 : memref<640xi32, #tpu.memory_space<vmem_shared>>) target(%arg9 : memref<640xi32, #tpu.memory_space<vmem>>) target_semaphore(%run_scoped3A : memref<!tpu.dma_semaphore, #tpu.memory_space<semaphore_mem>>)
      tpu.wait_dma2 semaphore(%run_scoped3A : memref<!tpu.dma_semaphore, #tpu.memory_space<semaphore_mem>>) src(%arg12 : memref<640xi32, #tpu.memory_space<vmem_shared>>) dst(%arg9 : memref<640xi32, #tpu.memory_space<vmem>>)
      tpu.yield
    }) : () -> ()
    %mul3A_8 = arith.constant 20 : i32
    %mul3A_9 = arith.muli %add3A, %mul3A_8 : i32
    %iota3A = tpu.iota {dimensions = array<i32: 0>} : vector<16xi32>
    %mul3A_10 = arith.constant 262144 : i32
    %mul3A_11 = vector.broadcast %mul3A_10 : i32 to vector<16xi32>
    %mul3A_12 = arith.muli %iota3A, %mul3A_11 : vector<16xi32>
    %scan3A = arith.constant 0 : i32
    %scan3A_13 = arith.constant 0 : i32
    %scan3A_14 = arith.constant 20 : i32
    %scan3A_15 = arith.addi %scan3A_13, %scan3A_14 : i32
    %scan3A_16 = arith.constant 1 : i32
    scf.for %scan3A_258 = %scan3A_13 to %scan3A_15 step %scan3A_16  : i32 {
      %broadcast_in_dim3A = arith.constant 0 : i32
      %broadcast_in_dim3A_259 = vector.broadcast %broadcast_in_dim3A : i32 to vector<16xi32>
      %add3A_260 = arith.addi %mul3A_9, %scan3A_258 : i32
      %add3A_261 = vector.broadcast %add3A_260 : i32 to vector<16xi32>
      %add3A_262 = arith.addi %broadcast_in_dim3A_259, %add3A_261 : vector<16xi32>
      %gather3A = tpu.vector_load_idx %arg9[%add3A_262] : memref<640xi32, #tpu.memory_space<vmem>>[vector<16xi32>], vector<16xi32>,
      %add3A_263 = arith.constant 0 : i32
      %add3A_264 = vector.broadcast %add3A_263 : i32 to vector<16xi32>
      %add3A_265 = arith.addi %gather3A, %add3A_264 : vector<16xi32>
      %add3A_266 = arith.addi %add3A_265, %mul3A_12 : vector<16xi32>
      %mul3A_267 = arith.constant 96 : i32
      %mul3A_268 = arith.muli %scan3A_258, %mul3A_267 : i32
      %add3A_269 = arith.constant 0 : i32
      %add3A_270 = arith.addi %mul3A_268, %add3A_269 : i32
      %swap3A = arith.index_cast %add3A_270 : i32 to index
      %swap3A_271 = tpu.vector_load %arg10[%swap3A] {strides = array<i32>} : memref<1920xi32, #tpu.memory_space<vmem>>, vector<16xi32>,
      tpu.vector_store %arg10[%swap3A], %add3A_266 {strides = array<i32>} : memref<1920xi32, #tpu.memory_space<vmem>>, vector<16xi32>,
      %add3A_272 = arith.constant 4194304 : i32
      %add3A_273 = vector.broadcast %add3A_272 : i32 to vector<16xi32>
      %add3A_274 = arith.addi %gather3A, %add3A_273 : vector<16xi32>
      %add3A_275 = arith.addi %add3A_274, %mul3A_12 : vector<16xi32>
      %mul3A_276 = arith.constant 96 : i32
      %mul3A_277 = arith.muli %scan3A_258, %mul3A_276 : i32
      %add3A_278 = arith.constant 16 : i32
      %add3A_279 = arith.addi %mul3A_277, %add3A_278 : i32
      %swap3A_280 = arith.index_cast %add3A_279 : i32 to index
      %swap3A_281 = tpu.vector_load %arg10[%swap3A_280] {strides = array<i32>} : memref<1920xi32, #tpu.memory_space<vmem>>, vector<16xi32>,
      tpu.vector_store %arg10[%swap3A_280], %add3A_275 {strides = array<i32>} : memref<1920xi32, #tpu.memory_space<vmem>>, vector<16xi32>,
      %add3A_282 = arith.constant 8388608 : i32
      %add3A_283 = vector.broadcast %add3A_282 : i32 to vector<16xi32>
      %add3A_284 = arith.addi %gather3A, %add3A_283 : vector<16xi32>
      %add3A_285 = arith.addi %add3A_284, %mul3A_12 : vector<16xi32>
      %mul3A_286 = arith.constant 96 : i32
      %mul3A_287 = arith.muli %scan3A_258, %mul3A_286 : i32
      %add3A_288 = arith.constant 32 : i32
      %add3A_289 = arith.addi %mul3A_287, %add3A_288 : i32
      %swap3A_290 = arith.index_cast %add3A_289 : i32 to index
      %swap3A_291 = tpu.vector_load %arg10[%swap3A_290] {strides = array<i32>} : memref<1920xi32, #tpu.memory_space<vmem>>, vector<16xi32>,
      tpu.vector_store %arg10[%swap3A_290], %add3A_285 {strides = array<i32>} : memref<1920xi32, #tpu.memory_space<vmem>>, vector<16xi32>,
      %add3A_292 = arith.constant 12582912 : i32
      %add3A_293 = vector.broadcast %add3A_292 : i32 to vector<16xi32>
      %add3A_294 = arith.addi %gather3A, %add3A_293 : vector<16xi32>
      %add3A_295 = arith.addi %add3A_294, %mul3A_12 : vector<16xi32>
      %mul3A_296 = arith.constant 96 : i32
      %mul3A_297 = arith.muli %scan3A_258, %mul3A_296 : i32
      %add3A_298 = arith.constant 48 : i32
      %add3A_299 = arith.addi %mul3A_297, %add3A_298 : i32
      %swap3A_300 = arith.index_cast %add3A_299 : i32 to index
      %swap3A_301 = tpu.vector_load %arg10[%swap3A_300] {strides = array<i32>} : memref<1920xi32, #tpu.memory_space<vmem>>, vector<16xi32>,
      tpu.vector_store %arg10[%swap3A_300], %add3A_295 {strides = array<i32>} : memref<1920xi32, #tpu.memory_space<vmem>>, vector<16xi32>,
      %add3A_302 = arith.constant 16777216 : i32
      %add3A_303 = vector.broadcast %add3A_302 : i32 to vector<16xi32>
      %add3A_304 = arith.addi %gather3A, %add3A_303 : vector<16xi32>
      %add3A_305 = arith.addi %add3A_304, %mul3A_12 : vector<16xi32>
      %mul3A_306 = arith.constant 96 : i32
      %mul3A_307 = arith.muli %scan3A_258, %mul3A_306 : i32
      %add3A_308 = arith.constant 64 : i32
      %add3A_309 = arith.addi %mul3A_307, %add3A_308 : i32
      %swap3A_310 = arith.index_cast %add3A_309 : i32 to index
      %swap3A_311 = tpu.vector_load %arg10[%swap3A_310] {strides = array<i32>} : memref<1920xi32, #tpu.memory_space<vmem>>, vector<16xi32>,
      tpu.vector_store %arg10[%swap3A_310], %add3A_305 {strides = array<i32>} : memref<1920xi32, #tpu.memory_space<vmem>>, vector<16xi32>,
      %add3A_312 = arith.constant 20971520 : i32
      %add3A_313 = vector.broadcast %add3A_312 : i32 to vector<16xi32>
      %add3A_314 = arith.addi %gather3A, %add3A_313 : vector<16xi32>
      %add3A_315 = arith.addi %add3A_314, %mul3A_12 : vector<16xi32>
      %mul3A_316 = arith.constant 96 : i32
      %mul3A_317 = arith.muli %scan3A_258, %mul3A_316 : i32
      %add3A_318 = arith.constant 80 : i32
      %add3A_319 = arith.addi %mul3A_317, %add3A_318 : i32
      %swap3A_320 = arith.index_cast %add3A_319 : i32 to index
      %swap3A_321 = tpu.vector_load %arg10[%swap3A_320] {strides = array<i32>} : memref<1920xi32, #tpu.memory_space<vmem>>, vector<16xi32>,
      tpu.vector_store %arg10[%swap3A_320], %add3A_315 {strides = array<i32>} : memref<1920xi32, #tpu.memory_space<vmem>>, vector<16xi32>,
    }
    %scan3A_17 = arith.constant 20 : i32
    %dma_start3A = arith.constant 0 : i32
    %dma_start3A_18 = tpu.memref_slice %arg11[%dma_start3A] : memref<2560xf32, #tpu.memory_space<vmem>> -> memref<96xf32, #tpu.memory_space<vmem>>
    %dma_start3A_19 = arith.constant 0 : i32
    %dma_start3A_20 = tpu.memref_slice %arg10[%dma_start3A_19] : memref<1920xi32, #tpu.memory_space<vmem>> -> memref<96xi32, #tpu.memory_space<vmem>>
    %dma_start3A_21 = arith.constant 0 : i32
    %dma_start3A_22 = tpu.memref_slice %arg2[%dma_start3A_21] : memref<100663296xf32, #tpu.memory_space<hbm>> -> memref<100663296xf32, #tpu.memory_space<hbm>>
    tpu.enqueue_indirect_dma source(%dma_start3A_22 : memref<100663296xf32, #tpu.memory_space<hbm>>) target(%dma_start3A_18 : memref<96xf32, #tpu.memory_space<vmem>>) offsets(%dma_start3A_20 : memref<96xi32, #tpu.memory_space<vmem>>) semaphore(%arg13 : memref<!tpu.dma_semaphore, #tpu.memory_space<semaphore_mem>>)
    %dma_start3A_23 = arith.constant 128 : i32
    %dma_start3A_24 = tpu.memref_slice %arg11[%dma_start3A_23] : memref<2560xf32, #tpu.memory_space<vmem>> -> memref<96xf32, #tpu.memory_space<vmem>>
    %dma_start3A_25 = arith.constant 96 : i32
    %dma_start3A_26 = tpu.memref_slice %arg10[%dma_start3A_25] : memref<1920xi32, #tpu.memory_space<vmem>> -> memref<96xi32, #tpu.memory_space<vmem>>
    %dma_start3A_27 = arith.constant 0 : i32
    %dma_start3A_28 = tpu.memref_slice %arg2[%dma_start3A_27] : memref<100663296xf32, #tpu.memory_space<hbm>> -> memref<100663296xf32, #tpu.memory_space<hbm>>
    tpu.enqueue_indirect_dma source(%dma_start3A_28 : memref<100663296xf32, #tpu.memory_space<hbm>>) target(%dma_start3A_24 : memref<96xf32, #tpu.memory_space<vmem>>) offsets(%dma_start3A_26 : memref<96xi32, #tpu.memory_space<vmem>>) semaphore(%arg13 : memref<!tpu.dma_semaphore, #tpu.memory_space<semaphore_mem>>)
    %dma_start3A_29 = arith.constant 256 : i32
    %dma_start3A_30 = tpu.memref_slice %arg11[%dma_start3A_29] : memref<2560xf32, #tpu.memory_space<vmem>> -> memref<96xf32, #tpu.memory_space<vmem>>
    %dma_start3A_31 = arith.constant 192 : i32
    %dma_start3A_32 = tpu.memref_slice %arg10[%dma_start3A_31] : memref<1920xi32, #tpu.memory_space<vmem>> -> memref<96xi32, #tpu.memory_space<vmem>>
    %dma_start3A_33 = arith.constant 0 : i32
    %dma_start3A_34 = tpu.memref_slice %arg2[%dma_start3A_33] : memref<100663296xf32, #tpu.memory_space<hbm>> -> memref<100663296xf32, #tpu.memory_space<hbm>>
    tpu.enqueue_indirect_dma source(%dma_start3A_34 : memref<100663296xf32, #tpu.memory_space<hbm>>) target(%dma_start3A_30 : memref<96xf32, #tpu.memory_space<vmem>>) offsets(%dma_start3A_32 : memref<96xi32, #tpu.memory_space<vmem>>) semaphore(%arg13 : memref<!tpu.dma_semaphore, #tpu.memory_space<semaphore_mem>>)
    %dma_start3A_35 = arith.constant 384 : i32
    %dma_start3A_36 = tpu.memref_slice %arg11[%dma_start3A_35] : memref<2560xf32, #tpu.memory_space<vmem>> -> memref<96xf32, #tpu.memory_space<vmem>>
    %dma_start3A_37 = arith.constant 288 : i32
    %dma_start3A_38 = tpu.memref_slice %arg10[%dma_start3A_37] : memref<1920xi32, #tpu.memory_space<vmem>> -> memref<96xi32, #tpu.memory_space<vmem>>
    %dma_start3A_39 = arith.constant 0 : i32
    %dma_start3A_40 = tpu.memref_slice %arg2[%dma_start3A_39] : memref<100663296xf32, #tpu.memory_space<hbm>> -> memref<100663296xf32, #tpu.memory_space<hbm>>
    tpu.enqueue_indirect_dma source(%dma_start3A_40 : memref<100663296xf32, #tpu.memory_space<hbm>>) target(%dma_start3A_36 : memref<96xf32, #tpu.memory_space<vmem>>) offsets(%dma_start3A_38 : memref<96xi32, #tpu.memory_space<vmem>>) semaphore(%arg13 : memref<!tpu.dma_semaphore, #tpu.memory_space<semaphore_mem>>)
    %dma_start3A_41 = arith.constant 512 : i32
    %dma_start3A_42 = tpu.memref_slice %arg11[%dma_start3A_41] : memref<2560xf32, #tpu.memory_space<vmem>> -> memref<96xf32, #tpu.memory_space<vmem>>
    %dma_start3A_43 = arith.constant 384 : i32
    %dma_start3A_44 = tpu.memref_slice %arg10[%dma_start3A_43] : memref<1920xi32, #tpu.memory_space<vmem>> -> memref<96xi32, #tpu.memory_space<vmem>>
    %dma_start3A_45 = arith.constant 0 : i32
    %dma_start3A_46 = tpu.memref_slice %arg2[%dma_start3A_45] : memref<100663296xf32, #tpu.memory_space<hbm>> -> memref<100663296xf32, #tpu.memory_space<hbm>>
    tpu.enqueue_indirect_dma source(%dma_start3A_46 : memref<100663296xf32, #tpu.memory_space<hbm>>) target(%dma_start3A_42 : memref<96xf32, #tpu.memory_space<vmem>>) offsets(%dma_start3A_44 : memref<96xi32, #tpu.memory_space<vmem>>) semaphore(%arg13 : memref<!tpu.dma_semaphore, #tpu.memory_space<semaphore_mem>>)
    %dma_start3A_47 = arith.constant 640 : i32
    %dma_start3A_48 = tpu.memref_slice %arg11[%dma_start3A_47] : memref<2560xf32, #tpu.memory_space<vmem>> -> memref<96xf32, #tpu.memory_space<vmem>>
    %dma_start3A_49 = arith.constant 480 : i32
    %dma_start3A_50 = tpu.memref_slice %arg10[%dma_start3A_49] : memref<1920xi32, #tpu.memory_space<vmem>> -> memref<96xi32, #tpu.memory_space<vmem>>
    %dma_start3A_51 = arith.constant 0 : i32
    %dma_start3A_52 = tpu.memref_slice %arg2[%dma_start3A_51] : memref<100663296xf32, #tpu.memory_space<hbm>> -> memref<100663296xf32, #tpu.memory_space<hbm>>
    tpu.enqueue_indirect_dma source(%dma_start3A_52 : memref<100663296xf32, #tpu.memory_space<hbm>>) target(%dma_start3A_48 : memref<96xf32, #tpu.memory_space<vmem>>) offsets(%dma_start3A_50 : memref<96xi32, #tpu.memory_space<vmem>>) semaphore(%arg13 : memref<!tpu.dma_semaphore, #tpu.memory_space<semaphore_mem>>)
    %dma_start3A_53 = arith.constant 768 : i32
    %dma_start3A_54 = tpu.memref_slice %arg11[%dma_start3A_53] : memref<2560xf32, #tpu.memory_space<vmem>> -> memref<96xf32, #tpu.memory_space<vmem>>
    %dma_start3A_55 = arith.constant 576 : i32
    %dma_start3A_56 = tpu.memref_slice %arg10[%dma_start3A_55] : memref<1920xi32, #tpu.memory_space<vmem>> -> memref<96xi32, #tpu.memory_space<vmem>>
    %dma_start3A_57 = arith.constant 0 : i32
    %dma_start3A_58 = tpu.memref_slice %arg2[%dma_start3A_57] : memref<100663296xf32, #tpu.memory_space<hbm>> -> memref<100663296xf32, #tpu.memory_space<hbm>>
    tpu.enqueue_indirect_dma source(%dma_start3A_58 : memref<100663296xf32, #tpu.memory_space<hbm>>) target(%dma_start3A_54 : memref<96xf32, #tpu.memory_space<vmem>>) offsets(%dma_start3A_56 : memref<96xi32, #tpu.memory_space<vmem>>) semaphore(%arg13 : memref<!tpu.dma_semaphore, #tpu.memory_space<semaphore_mem>>)
    %dma_start3A_59 = arith.constant 896 : i32
    %dma_start3A_60 = tpu.memref_slice %arg11[%dma_start3A_59] : memref<2560xf32, #tpu.memory_space<vmem>> -> memref<96xf32, #tpu.memory_space<vmem>>
    %dma_start3A_61 = arith.constant 672 : i32
    %dma_start3A_62 = tpu.memref_slice %arg10[%dma_start3A_61] : memref<1920xi32, #tpu.memory_space<vmem>> -> memref<96xi32, #tpu.memory_space<vmem>>
    %dma_start3A_63 = arith.constant 0 : i32
    %dma_start3A_64 = tpu.memref_slice %arg2[%dma_start3A_63] : memref<100663296xf32, #tpu.memory_space<hbm>> -> memref<100663296xf32, #tpu.memory_space<hbm>>
    tpu.enqueue_indirect_dma source(%dma_start3A_64 : memref<100663296xf32, #tpu.memory_space<hbm>>) target(%dma_start3A_60 : memref<96xf32, #tpu.memory_space<vmem>>) offsets(%dma_start3A_62 : memref<96xi32, #tpu.memory_space<vmem>>) semaphore(%arg13 : memref<!tpu.dma_semaphore, #tpu.memory_space<semaphore_mem>>)
    %dma_start3A_65 = arith.constant 1024 : i32
    %dma_start3A_66 = tpu.memref_slice %arg11[%dma_start3A_65] : memref<2560xf32, #tpu.memory_space<vmem>> -> memref<96xf32, #tpu.memory_space<vmem>>
    %dma_start3A_67 = arith.constant 768 : i32
    %dma_start3A_68 = tpu.memref_slice %arg10[%dma_start3A_67] : memref<1920xi32, #tpu.memory_space<vmem>> -> memref<96xi32, #tpu.memory_space<vmem>>
    %dma_start3A_69 = arith.constant 0 : i32
    %dma_start3A_70 = tpu.memref_slice %arg2[%dma_start3A_69] : memref<100663296xf32, #tpu.memory_space<hbm>> -> memref<100663296xf32, #tpu.memory_space<hbm>>
    tpu.enqueue_indirect_dma source(%dma_start3A_70 : memref<100663296xf32, #tpu.memory_space<hbm>>) target(%dma_start3A_66 : memref<96xf32, #tpu.memory_space<vmem>>) offsets(%dma_start3A_68 : memref<96xi32, #tpu.memory_space<vmem>>) semaphore(%arg13 : memref<!tpu.dma_semaphore, #tpu.memory_space<semaphore_mem>>)
    %dma_start3A_71 = arith.constant 1152 : i32
    %dma_start3A_72 = tpu.memref_slice %arg11[%dma_start3A_71] : memref<2560xf32, #tpu.memory_space<vmem>> -> memref<96xf32, #tpu.memory_space<vmem>>
    %dma_start3A_73 = arith.constant 864 : i32
    %dma_start3A_74 = tpu.memref_slice %arg10[%dma_start3A_73] : memref<1920xi32, #tpu.memory_space<vmem>> -> memref<96xi32, #tpu.memory_space<vmem>>
    %dma_start3A_75 = arith.constant 0 : i32
    %dma_start3A_76 = tpu.memref_slice %arg2[%dma_start3A_75] : memref<100663296xf32, #tpu.memory_space<hbm>> -> memref<100663296xf32, #tpu.memory_space<hbm>>
    tpu.enqueue_indirect_dma source(%dma_start3A_76 : memref<100663296xf32, #tpu.memory_space<hbm>>) target(%dma_start3A_72 : memref<96xf32, #tpu.memory_space<vmem>>) offsets(%dma_start3A_74 : memref<96xi32, #tpu.memory_space<vmem>>) semaphore(%arg13 : memref<!tpu.dma_semaphore, #tpu.memory_space<semaphore_mem>>)
    %dma_start3A_77 = arith.constant 1280 : i32
    %dma_start3A_78 = tpu.memref_slice %arg11[%dma_start3A_77] : memref<2560xf32, #tpu.memory_space<vmem>> -> memref<96xf32, #tpu.memory_space<vmem>>
    %dma_start3A_79 = arith.constant 960 : i32
    %dma_start3A_80 = tpu.memref_slice %arg10[%dma_start3A_79] : memref<1920xi32, #tpu.memory_space<vmem>> -> memref<96xi32, #tpu.memory_space<vmem>>
    %dma_start3A_81 = arith.constant 0 : i32
    %dma_start3A_82 = tpu.memref_slice %arg2[%dma_start3A_81] : memref<100663296xf32, #tpu.memory_space<hbm>> -> memref<100663296xf32, #tpu.memory_space<hbm>>
    tpu.enqueue_indirect_dma source(%dma_start3A_82 : memref<100663296xf32, #tpu.memory_space<hbm>>) target(%dma_start3A_78 : memref<96xf32, #tpu.memory_space<vmem>>) offsets(%dma_start3A_80 : memref<96xi32, #tpu.memory_space<vmem>>) semaphore(%arg13 : memref<!tpu.dma_semaphore, #tpu.memory_space<semaphore_mem>>)
    %dma_start3A_83 = arith.constant 1408 : i32
    %dma_start3A_84 = tpu.memref_slice %arg11[%dma_start3A_83] : memref<2560xf32, #tpu.memory_space<vmem>> -> memref<96xf32, #tpu.memory_space<vmem>>
    %dma_start3A_85 = arith.constant 1056 : i32
    %dma_start3A_86 = tpu.memref_slice %arg10[%dma_start3A_85] : memref<1920xi32, #tpu.memory_space<vmem>> -> memref<96xi32, #tpu.memory_space<vmem>>
    %dma_start3A_87 = arith.constant 0 : i32
    %dma_start3A_88 = tpu.memref_slice %arg2[%dma_start3A_87] : memref<100663296xf32, #tpu.memory_space<hbm>> -> memref<100663296xf32, #tpu.memory_space<hbm>>
    tpu.enqueue_indirect_dma source(%dma_start3A_88 : memref<100663296xf32, #tpu.memory_space<hbm>>) target(%dma_start3A_84 : memref<96xf32, #tpu.memory_space<vmem>>) offsets(%dma_start3A_86 : memref<96xi32, #tpu.memory_space<vmem>>) semaphore(%arg13 : memref<!tpu.dma_semaphore, #tpu.memory_space<semaphore_mem>>)
    %dma_start3A_89 = arith.constant 1536 : i32
    %dma_start3A_90 = tpu.memref_slice %arg11[%dma_start3A_89] : memref<2560xf32, #tpu.memory_space<vmem>> -> memref<96xf32, #tpu.memory_space<vmem>>
    %dma_start3A_91 = arith.constant 1152 : i32
    %dma_start3A_92 = tpu.memref_slice %arg10[%dma_start3A_91] : memref<1920xi32, #tpu.memory_space<vmem>> -> memref<96xi32, #tpu.memory_space<vmem>>
    %dma_start3A_93 = arith.constant 0 : i32
    %dma_start3A_94 = tpu.memref_slice %arg2[%dma_start3A_93] : memref<100663296xf32, #tpu.memory_space<hbm>> -> memref<100663296xf32, #tpu.memory_space<hbm>>
    tpu.enqueue_indirect_dma source(%dma_start3A_94 : memref<100663296xf32, #tpu.memory_space<hbm>>) target(%dma_start3A_90 : memref<96xf32, #tpu.memory_space<vmem>>) offsets(%dma_start3A_92 : memref<96xi32, #tpu.memory_space<vmem>>) semaphore(%arg13 : memref<!tpu.dma_semaphore, #tpu.memory_space<semaphore_mem>>)
    %dma_start3A_95 = arith.constant 1664 : i32
    %dma_start3A_96 = tpu.memref_slice %arg11[%dma_start3A_95] : memref<2560xf32, #tpu.memory_space<vmem>> -> memref<96xf32, #tpu.memory_space<vmem>>
    %dma_start3A_97 = arith.constant 1248 : i32
    %dma_start3A_98 = tpu.memref_slice %arg10[%dma_start3A_97] : memref<1920xi32, #tpu.memory_space<vmem>> -> memref<96xi32, #tpu.memory_space<vmem>>
    %dma_start3A_99 = arith.constant 0 : i32
    %dma_start3A_100 = tpu.memref_slice %arg2[%dma_start3A_99] : memref<100663296xf32, #tpu.memory_space<hbm>> -> memref<100663296xf32, #tpu.memory_space<hbm>>
    tpu.enqueue_indirect_dma source(%dma_start3A_100 : memref<100663296xf32, #tpu.memory_space<hbm>>) target(%dma_start3A_96 : memref<96xf32, #tpu.memory_space<vmem>>) offsets(%dma_start3A_98 : memref<96xi32, #tpu.memory_space<vmem>>) semaphore(%arg13 : memref<!tpu.dma_semaphore, #tpu.memory_space<semaphore_mem>>)
    %dma_start3A_101 = arith.constant 1792 : i32
    %dma_start3A_102 = tpu.memref_slice %arg11[%dma_start3A_101] : memref<2560xf32, #tpu.memory_space<vmem>> -> memref<96xf32, #tpu.memory_space<vmem>>
    %dma_start3A_103 = arith.constant 1344 : i32
    %dma_start3A_104 = tpu.memref_slice %arg10[%dma_start3A_103] : memref<1920xi32, #tpu.memory_space<vmem>> -> memref<96xi32, #tpu.memory_space<vmem>>
    %dma_start3A_105 = arith.constant 0 : i32
    %dma_start3A_106 = tpu.memref_slice %arg2[%dma_start3A_105] : memref<100663296xf32, #tpu.memory_space<hbm>> -> memref<100663296xf32, #tpu.memory_space<hbm>>
    tpu.enqueue_indirect_dma source(%dma_start3A_106 : memref<100663296xf32, #tpu.memory_space<hbm>>) target(%dma_start3A_102 : memref<96xf32, #tpu.memory_space<vmem>>) offsets(%dma_start3A_104 : memref<96xi32, #tpu.memory_space<vmem>>) semaphore(%arg13 : memref<!tpu.dma_semaphore, #tpu.memory_space<semaphore_mem>>)
    %dma_start3A_107 = arith.constant 1920 : i32
    %dma_start3A_108 = tpu.memref_slice %arg11[%dma_start3A_107] : memref<2560xf32, #tpu.memory_space<vmem>> -> memref<96xf32, #tpu.memory_space<vmem>>
    %dma_start3A_109 = arith.constant 1440 : i32
    %dma_start3A_110 = tpu.memref_slice %arg10[%dma_start3A_109] : memref<1920xi32, #tpu.memory_space<vmem>> -> memref<96xi32, #tpu.memory_space<vmem>>
    %dma_start3A_111 = arith.constant 0 : i32
    %dma_start3A_112 = tpu.memref_slice %arg2[%dma_start3A_111] : memref<100663296xf32, #tpu.memory_space<hbm>> -> memref<100663296xf32, #tpu.memory_space<hbm>>
    tpu.enqueue_indirect_dma source(%dma_start3A_112 : memref<100663296xf32, #tpu.memory_space<hbm>>) target(%dma_start3A_108 : memref<96xf32, #tpu.memory_space<vmem>>) offsets(%dma_start3A_110 : memref<96xi32, #tpu.memory_space<vmem>>) semaphore(%arg13 : memref<!tpu.dma_semaphore, #tpu.memory_space<semaphore_mem>>)
    %dma_start3A_113 = arith.constant 2048 : i32
    %dma_start3A_114 = tpu.memref_slice %arg11[%dma_start3A_113] : memref<2560xf32, #tpu.memory_space<vmem>> -> memref<96xf32, #tpu.memory_space<vmem>>
    %dma_start3A_115 = arith.constant 1536 : i32
    %dma_start3A_116 = tpu.memref_slice %arg10[%dma_start3A_115] : memref<1920xi32, #tpu.memory_space<vmem>> -> memref<96xi32, #tpu.memory_space<vmem>>
    %dma_start3A_117 = arith.constant 0 : i32
    %dma_start3A_118 = tpu.memref_slice %arg2[%dma_start3A_117] : memref<100663296xf32, #tpu.memory_space<hbm>> -> memref<100663296xf32, #tpu.memory_space<hbm>>
    tpu.enqueue_indirect_dma source(%dma_start3A_118 : memref<100663296xf32, #tpu.memory_space<hbm>>) target(%dma_start3A_114 : memref<96xf32, #tpu.memory_space<vmem>>) offsets(%dma_start3A_116 : memref<96xi32, #tpu.memory_space<vmem>>) semaphore(%arg13 : memref<!tpu.dma_semaphore, #tpu.memory_space<semaphore_mem>>)
    %dma_start3A_119 = arith.constant 2176 : i32
    %dma_start3A_120 = tpu.memref_slice %arg11[%dma_start3A_119] : memref<2560xf32, #tpu.memory_space<vmem>> -> memref<96xf32, #tpu.memory_space<vmem>>
    %dma_start3A_121 = arith.constant 1632 : i32
    %dma_start3A_122 = tpu.memref_slice %arg10[%dma_start3A_121] : memref<1920xi32, #tpu.memory_space<vmem>> -> memref<96xi32, #tpu.memory_space<vmem>>
    %dma_start3A_123 = arith.constant 0 : i32
    %dma_start3A_124 = tpu.memref_slice %arg2[%dma_start3A_123] : memref<100663296xf32, #tpu.memory_space<hbm>> -> memref<100663296xf32, #tpu.memory_space<hbm>>
    tpu.enqueue_indirect_dma source(%dma_start3A_124 : memref<100663296xf32, #tpu.memory_space<hbm>>) target(%dma_start3A_120 : memref<96xf32, #tpu.memory_space<vmem>>) offsets(%dma_start3A_122 : memref<96xi32, #tpu.memory_space<vmem>>) semaphore(%arg13 : memref<!tpu.dma_semaphore, #tpu.memory_space<semaphore_mem>>)
    %dma_start3A_125 = arith.constant 2304 : i32
    %dma_start3A_126 = tpu.memref_slice %arg11[%dma_start3A_125] : memref<2560xf32, #tpu.memory_space<vmem>> -> memref<96xf32, #tpu.memory_space<vmem>>
    %dma_start3A_127 = arith.constant 1728 : i32
    %dma_start3A_128 = tpu.memref_slice %arg10[%dma_start3A_127] : memref<1920xi32, #tpu.memory_space<vmem>> -> memref<96xi32, #tpu.memory_space<vmem>>
    %dma_start3A_129 = arith.constant 0 : i32
    %dma_start3A_130 = tpu.memref_slice %arg2[%dma_start3A_129] : memref<100663296xf32, #tpu.memory_space<hbm>> -> memref<100663296xf32, #tpu.memory_space<hbm>>
    tpu.enqueue_indirect_dma source(%dma_start3A_130 : memref<100663296xf32, #tpu.memory_space<hbm>>) target(%dma_start3A_126 : memref<96xf32, #tpu.memory_space<vmem>>) offsets(%dma_start3A_128 : memref<96xi32, #tpu.memory_space<vmem>>) semaphore(%arg13 : memref<!tpu.dma_semaphore, #tpu.memory_space<semaphore_mem>>)
    %dma_start3A_131 = arith.constant 2432 : i32
    %dma_start3A_132 = tpu.memref_slice %arg11[%dma_start3A_131] : memref<2560xf32, #tpu.memory_space<vmem>> -> memref<96xf32, #tpu.memory_space<vmem>>
    %dma_start3A_133 = arith.constant 1824 : i32
    %dma_start3A_134 = tpu.memref_slice %arg10[%dma_start3A_133] : memref<1920xi32, #tpu.memory_space<vmem>> -> memref<96xi32, #tpu.memory_space<vmem>>
    %dma_start3A_135 = arith.constant 0 : i32
    %dma_start3A_136 = tpu.memref_slice %arg2[%dma_start3A_135] : memref<100663296xf32, #tpu.memory_space<hbm>> -> memref<100663296xf32, #tpu.memory_space<hbm>>
    tpu.enqueue_indirect_dma source(%dma_start3A_136 : memref<100663296xf32, #tpu.memory_space<hbm>>) target(%dma_start3A_132 : memref<96xf32, #tpu.memory_space<vmem>>) offsets(%dma_start3A_134 : memref<96xi32, #tpu.memory_space<vmem>>) semaphore(%arg13 : memref<!tpu.dma_semaphore, #tpu.memory_space<semaphore_mem>>)
    %dma_wait3A = arith.constant 0 : i32
    %dma_wait3A_137 = tpu.memref_slice %arg11[%dma_wait3A] : memref<2560xf32, #tpu.memory_space<vmem>> -> memref<96xf32, #tpu.memory_space<vmem>>
    %dma_wait3A_138 = arith.constant 0 : i32
    %dma_wait3A_139 = tpu.memref_slice %arg10[%dma_wait3A_138] : memref<1920xi32, #tpu.memory_space<vmem>> -> memref<96xi32, #tpu.memory_space<vmem>>
    %dma_wait3A_140 = arith.constant 0 : i32
    %dma_wait3A_141 = tpu.memref_slice %arg2[%dma_wait3A_140] : memref<100663296xf32, #tpu.memory_space<hbm>> -> memref<100663296xf32, #tpu.memory_space<hbm>>
    tpu.wait_indirect_dma semaphore(%arg13 : memref<!tpu.dma_semaphore, #tpu.memory_space<semaphore_mem>>) src(%dma_wait3A_141 : memref<100663296xf32, #tpu.memory_space<hbm>>) dst(%dma_wait3A_137 : memref<96xf32, #tpu.memory_space<vmem>>)
    %dma_wait3A_142 = arith.constant 128 : i32
    %dma_wait3A_143 = tpu.memref_slice %arg11[%dma_wait3A_142] : memref<2560xf32, #tpu.memory_space<vmem>> -> memref<96xf32, #tpu.memory_space<vmem>>
    %dma_wait3A_144 = arith.constant 96 : i32
    %dma_wait3A_145 = tpu.memref_slice %arg10[%dma_wait3A_144] : memref<1920xi32, #tpu.memory_space<vmem>> -> memref<96xi32, #tpu.memory_space<vmem>>
    %dma_wait3A_146 = arith.constant 0 : i32
    %dma_wait3A_147 = tpu.memref_slice %arg2[%dma_wait3A_146] : memref<100663296xf32, #tpu.memory_space<hbm>> -> memref<100663296xf32, #tpu.memory_space<hbm>>
    tpu.wait_indirect_dma semaphore(%arg13 : memref<!tpu.dma_semaphore, #tpu.memory_space<semaphore_mem>>) src(%dma_wait3A_147 : memref<100663296xf32, #tpu.memory_space<hbm>>) dst(%dma_wait3A_143 : memref<96xf32, #tpu.memory_space<vmem>>)
    %dma_wait3A_148 = arith.constant 256 : i32
    %dma_wait3A_149 = tpu.memref_slice %arg11[%dma_wait3A_148] : memref<2560xf32, #tpu.memory_space<vmem>> -> memref<96xf32, #tpu.memory_space<vmem>>
    %dma_wait3A_150 = arith.constant 192 : i32
    %dma_wait3A_151 = tpu.memref_slice %arg10[%dma_wait3A_150] : memref<1920xi32, #tpu.memory_space<vmem>> -> memref<96xi32, #tpu.memory_space<vmem>>
    %dma_wait3A_152 = arith.constant 0 : i32
    %dma_wait3A_153 = tpu.memref_slice %arg2[%dma_wait3A_152] : memref<100663296xf32, #tpu.memory_space<hbm>> -> memref<100663296xf32, #tpu.memory_space<hbm>>
    tpu.wait_indirect_dma semaphore(%arg13 : memref<!tpu.dma_semaphore, #tpu.memory_space<semaphore_mem>>) src(%dma_wait3A_153 : memref<100663296xf32, #tpu.memory_space<hbm>>) dst(%dma_wait3A_149 : memref<96xf32, #tpu.memory_space<vmem>>)
    %dma_wait3A_154 = arith.constant 384 : i32
    %dma_wait3A_155 = tpu.memref_slice %arg11[%dma_wait3A_154] : memref<2560xf32, #tpu.memory_space<vmem>> -> memref<96xf32, #tpu.memory_space<vmem>>
    %dma_wait3A_156 = arith.constant 288 : i32
    %dma_wait3A_157 = tpu.memref_slice %arg10[%dma_wait3A_156] : memref<1920xi32, #tpu.memory_space<vmem>> -> memref<96xi32, #tpu.memory_space<vmem>>
    %dma_wait3A_158 = arith.constant 0 : i32
    %dma_wait3A_159 = tpu.memref_slice %arg2[%dma_wait3A_158] : memref<100663296xf32, #tpu.memory_space<hbm>> -> memref<100663296xf32, #tpu.memory_space<hbm>>
    tpu.wait_indirect_dma semaphore(%arg13 : memref<!tpu.dma_semaphore, #tpu.memory_space<semaphore_mem>>) src(%dma_wait3A_159 : memref<100663296xf32, #tpu.memory_space<hbm>>) dst(%dma_wait3A_155 : memref<96xf32, #tpu.memory_space<vmem>>)
    %dma_wait3A_160 = arith.constant 512 : i32
    %dma_wait3A_161 = tpu.memref_slice %arg11[%dma_wait3A_160] : memref<2560xf32, #tpu.memory_space<vmem>> -> memref<96xf32, #tpu.memory_space<vmem>>
    %dma_wait3A_162 = arith.constant 384 : i32
    %dma_wait3A_163 = tpu.memref_slice %arg10[%dma_wait3A_162] : memref<1920xi32, #tpu.memory_space<vmem>> -> memref<96xi32, #tpu.memory_space<vmem>>
    %dma_wait3A_164 = arith.constant 0 : i32
    %dma_wait3A_165 = tpu.memref_slice %arg2[%dma_wait3A_164] : memref<100663296xf32, #tpu.memory_space<hbm>> -> memref<100663296xf32, #tpu.memory_space<hbm>>
    tpu.wait_indirect_dma semaphore(%arg13 : memref<!tpu.dma_semaphore, #tpu.memory_space<semaphore_mem>>) src(%dma_wait3A_165 : memref<100663296xf32, #tpu.memory_space<hbm>>) dst(%dma_wait3A_161 : memref<96xf32, #tpu.memory_space<vmem>>)
    %dma_wait3A_166 = arith.constant 640 : i32
    %dma_wait3A_167 = tpu.memref_slice %arg11[%dma_wait3A_166] : memref<2560xf32, #tpu.memory_space<vmem>> -> memref<96xf32, #tpu.memory_space<vmem>>
    %dma_wait3A_168 = arith.constant 480 : i32
    %dma_wait3A_169 = tpu.memref_slice %arg10[%dma_wait3A_168] : memref<1920xi32, #tpu.memory_space<vmem>> -> memref<96xi32, #tpu.memory_space<vmem>>
    %dma_wait3A_170 = arith.constant 0 : i32
    %dma_wait3A_171 = tpu.memref_slice %arg2[%dma_wait3A_170] : memref<100663296xf32, #tpu.memory_space<hbm>> -> memref<100663296xf32, #tpu.memory_space<hbm>>
    tpu.wait_indirect_dma semaphore(%arg13 : memref<!tpu.dma_semaphore, #tpu.memory_space<semaphore_mem>>) src(%dma_wait3A_171 : memref<100663296xf32, #tpu.memory_space<hbm>>) dst(%dma_wait3A_167 : memref<96xf32, #tpu.memory_space<vmem>>)
    %dma_wait3A_172 = arith.constant 768 : i32
    %dma_wait3A_173 = tpu.memref_slice %arg11[%dma_wait3A_172] : memref<2560xf32, #tpu.memory_space<vmem>> -> memref<96xf32, #tpu.memory_space<vmem>>
    %dma_wait3A_174 = arith.constant 576 : i32
    %dma_wait3A_175 = tpu.memref_slice %arg10[%dma_wait3A_174] : memref<1920xi32, #tpu.memory_space<vmem>> -> memref<96xi32, #tpu.memory_space<vmem>>
    %dma_wait3A_176 = arith.constant 0 : i32
    %dma_wait3A_177 = tpu.memref_slice %arg2[%dma_wait3A_176] : memref<100663296xf32, #tpu.memory_space<hbm>> -> memref<100663296xf32, #tpu.memory_space<hbm>>
    tpu.wait_indirect_dma semaphore(%arg13 : memref<!tpu.dma_semaphore, #tpu.memory_space<semaphore_mem>>) src(%dma_wait3A_177 : memref<100663296xf32, #tpu.memory_space<hbm>>) dst(%dma_wait3A_173 : memref<96xf32, #tpu.memory_space<vmem>>)
    %dma_wait3A_178 = arith.constant 896 : i32
    %dma_wait3A_179 = tpu.memref_slice %arg11[%dma_wait3A_178] : memref<2560xf32, #tpu.memory_space<vmem>> -> memref<96xf32, #tpu.memory_space<vmem>>
    %dma_wait3A_180 = arith.constant 672 : i32
    %dma_wait3A_181 = tpu.memref_slice %arg10[%dma_wait3A_180] : memref<1920xi32, #tpu.memory_space<vmem>> -> memref<96xi32, #tpu.memory_space<vmem>>
    %dma_wait3A_182 = arith.constant 0 : i32
    %dma_wait3A_183 = tpu.memref_slice %arg2[%dma_wait3A_182] : memref<100663296xf32, #tpu.memory_space<hbm>> -> memref<100663296xf32, #tpu.memory_space<hbm>>
    tpu.wait_indirect_dma semaphore(%arg13 : memref<!tpu.dma_semaphore, #tpu.memory_space<semaphore_mem>>) src(%dma_wait3A_183 : memref<100663296xf32, #tpu.memory_space<hbm>>) dst(%dma_wait3A_179 : memref<96xf32, #tpu.memory_space<vmem>>)
    %dma_wait3A_184 = arith.constant 1024 : i32
    %dma_wait3A_185 = tpu.memref_slice %arg11[%dma_wait3A_184] : memref<2560xf32, #tpu.memory_space<vmem>> -> memref<96xf32, #tpu.memory_space<vmem>>
    %dma_wait3A_186 = arith.constant 768 : i32
    %dma_wait3A_187 = tpu.memref_slice %arg10[%dma_wait3A_186] : memref<1920xi32, #tpu.memory_space<vmem>> -> memref<96xi32, #tpu.memory_space<vmem>>
    %dma_wait3A_188 = arith.constant 0 : i32
    %dma_wait3A_189 = tpu.memref_slice %arg2[%dma_wait3A_188] : memref<100663296xf32, #tpu.memory_space<hbm>> -> memref<100663296xf32, #tpu.memory_space<hbm>>
    tpu.wait_indirect_dma semaphore(%arg13 : memref<!tpu.dma_semaphore, #tpu.memory_space<semaphore_mem>>) src(%dma_wait3A_189 : memref<100663296xf32, #tpu.memory_space<hbm>>) dst(%dma_wait3A_185 : memref<96xf32, #tpu.memory_space<vmem>>)
    %dma_wait3A_190 = arith.constant 1152 : i32
    %dma_wait3A_191 = tpu.memref_slice %arg11[%dma_wait3A_190] : memref<2560xf32, #tpu.memory_space<vmem>> -> memref<96xf32, #tpu.memory_space<vmem>>
    %dma_wait3A_192 = arith.constant 864 : i32
    %dma_wait3A_193 = tpu.memref_slice %arg10[%dma_wait3A_192] : memref<1920xi32, #tpu.memory_space<vmem>> -> memref<96xi32, #tpu.memory_space<vmem>>
    %dma_wait3A_194 = arith.constant 0 : i32
    %dma_wait3A_195 = tpu.memref_slice %arg2[%dma_wait3A_194] : memref<100663296xf32, #tpu.memory_space<hbm>> -> memref<100663296xf32, #tpu.memory_space<hbm>>
    tpu.wait_indirect_dma semaphore(%arg13 : memref<!tpu.dma_semaphore, #tpu.memory_space<semaphore_mem>>) src(%dma_wait3A_195 : memref<100663296xf32, #tpu.memory_space<hbm>>) dst(%dma_wait3A_191 : memref<96xf32, #tpu.memory_space<vmem>>)
    %dma_wait3A_196 = arith.constant 1280 : i32
    %dma_wait3A_197 = tpu.memref_slice %arg11[%dma_wait3A_196] : memref<2560xf32, #tpu.memory_space<vmem>> -> memref<96xf32, #tpu.memory_space<vmem>>
    %dma_wait3A_198 = arith.constant 960 : i32
    %dma_wait3A_199 = tpu.memref_slice %arg10[%dma_wait3A_198] : memref<1920xi32, #tpu.memory_space<vmem>> -> memref<96xi32, #tpu.memory_space<vmem>>
    %dma_wait3A_200 = arith.constant 0 : i32
    %dma_wait3A_201 = tpu.memref_slice %arg2[%dma_wait3A_200] : memref<100663296xf32, #tpu.memory_space<hbm>> -> memref<100663296xf32, #tpu.memory_space<hbm>>
    tpu.wait_indirect_dma semaphore(%arg13 : memref<!tpu.dma_semaphore, #tpu.memory_space<semaphore_mem>>) src(%dma_wait3A_201 : memref<100663296xf32, #tpu.memory_space<hbm>>) dst(%dma_wait3A_197 : memref<96xf32, #tpu.memory_space<vmem>>)
    %dma_wait3A_202 = arith.constant 1408 : i32
    %dma_wait3A_203 = tpu.memref_slice %arg11[%dma_wait3A_202] : memref<2560xf32, #tpu.memory_space<vmem>> -> memref<96xf32, #tpu.memory_space<vmem>>
    %dma_wait3A_204 = arith.constant 1056 : i32
    %dma_wait3A_205 = tpu.memref_slice %arg10[%dma_wait3A_204] : memref<1920xi32, #tpu.memory_space<vmem>> -> memref<96xi32, #tpu.memory_space<vmem>>
    %dma_wait3A_206 = arith.constant 0 : i32
    %dma_wait3A_207 = tpu.memref_slice %arg2[%dma_wait3A_206] : memref<100663296xf32, #tpu.memory_space<hbm>> -> memref<100663296xf32, #tpu.memory_space<hbm>>
    tpu.wait_indirect_dma semaphore(%arg13 : memref<!tpu.dma_semaphore, #tpu.memory_space<semaphore_mem>>) src(%dma_wait3A_207 : memref<100663296xf32, #tpu.memory_space<hbm>>) dst(%dma_wait3A_203 : memref<96xf32, #tpu.memory_space<vmem>>)
    %dma_wait3A_208 = arith.constant 1536 : i32
    %dma_wait3A_209 = tpu.memref_slice %arg11[%dma_wait3A_208] : memref<2560xf32, #tpu.memory_space<vmem>> -> memref<96xf32, #tpu.memory_space<vmem>>
    %dma_wait3A_210 = arith.constant 1152 : i32
    %dma_wait3A_211 = tpu.memref_slice %arg10[%dma_wait3A_210] : memref<1920xi32, #tpu.memory_space<vmem>> -> memref<96xi32, #tpu.memory_space<vmem>>
    %dma_wait3A_212 = arith.constant 0 : i32
    %dma_wait3A_213 = tpu.memref_slice %arg2[%dma_wait3A_212] : memref<100663296xf32, #tpu.memory_space<hbm>> -> memref<100663296xf32, #tpu.memory_space<hbm>>
    tpu.wait_indirect_dma semaphore(%arg13 : memref<!tpu.dma_semaphore, #tpu.memory_space<semaphore_mem>>) src(%dma_wait3A_213 : memref<100663296xf32, #tpu.memory_space<hbm>>) dst(%dma_wait3A_209 : memref<96xf32, #tpu.memory_space<vmem>>)
    %dma_wait3A_214 = arith.constant 1664 : i32
    %dma_wait3A_215 = tpu.memref_slice %arg11[%dma_wait3A_214] : memref<2560xf32, #tpu.memory_space<vmem>> -> memref<96xf32, #tpu.memory_space<vmem>>
    %dma_wait3A_216 = arith.constant 1248 : i32
    %dma_wait3A_217 = tpu.memref_slice %arg10[%dma_wait3A_216] : memref<1920xi32, #tpu.memory_space<vmem>> -> memref<96xi32, #tpu.memory_space<vmem>>
    %dma_wait3A_218 = arith.constant 0 : i32
    %dma_wait3A_219 = tpu.memref_slice %arg2[%dma_wait3A_218] : memref<100663296xf32, #tpu.memory_space<hbm>> -> memref<100663296xf32, #tpu.memory_space<hbm>>
    tpu.wait_indirect_dma semaphore(%arg13 : memref<!tpu.dma_semaphore, #tpu.memory_space<semaphore_mem>>) src(%dma_wait3A_219 : memref<100663296xf32, #tpu.memory_space<hbm>>) dst(%dma_wait3A_215 : memref<96xf32, #tpu.memory_space<vmem>>)
    %dma_wait3A_220 = arith.constant 1792 : i32
    %dma_wait3A_221 = tpu.memref_slice %arg11[%dma_wait3A_220] : memref<2560xf32, #tpu.memory_space<vmem>> -> memref<96xf32, #tpu.memory_space<vmem>>
    %dma_wait3A_222 = arith.constant 1344 : i32
    %dma_wait3A_223 = tpu.memref_slice %arg10[%dma_wait3A_222] : memref<1920xi32, #tpu.memory_space<vmem>> -> memref<96xi32, #tpu.memory_space<vmem>>
    %dma_wait3A_224 = arith.constant 0 : i32
    %dma_wait3A_225 = tpu.memref_slice %arg2[%dma_wait3A_224] : memref<100663296xf32, #tpu.memory_space<hbm>> -> memref<100663296xf32, #tpu.memory_space<hbm>>
    tpu.wait_indirect_dma semaphore(%arg13 : memref<!tpu.dma_semaphore, #tpu.memory_space<semaphore_mem>>) src(%dma_wait3A_225 : memref<100663296xf32, #tpu.memory_space<hbm>>) dst(%dma_wait3A_221 : memref<96xf32, #tpu.memory_space<vmem>>)
    %dma_wait3A_226 = arith.constant 1920 : i32
    %dma_wait3A_227 = tpu.memref_slice %arg11[%dma_wait3A_226] : memref<2560xf32, #tpu.memory_space<vmem>> -> memref<96xf32, #tpu.memory_space<vmem>>
    %dma_wait3A_228 = arith.constant 1440 : i32
    %dma_wait3A_229 = tpu.memref_slice %arg10[%dma_wait3A_228] : memref<1920xi32, #tpu.memory_space<vmem>> -> memref<96xi32, #tpu.memory_space<vmem>>
    %dma_wait3A_230 = arith.constant 0 : i32
    %dma_wait3A_231 = tpu.memref_slice %arg2[%dma_wait3A_230] : memref<100663296xf32, #tpu.memory_space<hbm>> -> memref<100663296xf32, #tpu.memory_space<hbm>>
    tpu.wait_indirect_dma semaphore(%arg13 : memref<!tpu.dma_semaphore, #tpu.memory_space<semaphore_mem>>) src(%dma_wait3A_231 : memref<100663296xf32, #tpu.memory_space<hbm>>) dst(%dma_wait3A_227 : memref<96xf32, #tpu.memory_space<vmem>>)
    %dma_wait3A_232 = arith.constant 2048 : i32
    %dma_wait3A_233 = tpu.memref_slice %arg11[%dma_wait3A_232] : memref<2560xf32, #tpu.memory_space<vmem>> -> memref<96xf32, #tpu.memory_space<vmem>>
    %dma_wait3A_234 = arith.constant 1536 : i32
    %dma_wait3A_235 = tpu.memref_slice %arg10[%dma_wait3A_234] : memref<1920xi32, #tpu.memory_space<vmem>> -> memref<96xi32, #tpu.memory_space<vmem>>
    %dma_wait3A_236 = arith.constant 0 : i32
    %dma_wait3A_237 = tpu.memref_slice %arg2[%dma_wait3A_236] : memref<100663296xf32, #tpu.memory_space<hbm>> -> memref<100663296xf32, #tpu.memory_space<hbm>>
    tpu.wait_indirect_dma semaphore(%arg13 : memref<!tpu.dma_semaphore, #tpu.memory_space<semaphore_mem>>) src(%dma_wait3A_237 : memref<100663296xf32, #tpu.memory_space<hbm>>) dst(%dma_wait3A_233 : memref<96xf32, #tpu.memory_space<vmem>>)
    %dma_wait3A_238 = arith.constant 2176 : i32
    %dma_wait3A_239 = tpu.memref_slice %arg11[%dma_wait3A_238] : memref<2560xf32, #tpu.memory_space<vmem>> -> memref<96xf32, #tpu.memory_space<vmem>>
    %dma_wait3A_240 = arith.constant 1632 : i32
    %dma_wait3A_241 = tpu.memref_slice %arg10[%dma_wait3A_240] : memref<1920xi32, #tpu.memory_space<vmem>> -> memref<96xi32, #tpu.memory_space<vmem>>
    %dma_wait3A_242 = arith.constant 0 : i32
    %dma_wait3A_243 = tpu.memref_slice %arg2[%dma_wait3A_242] : memref<100663296xf32, #tpu.memory_space<hbm>> -> memref<100663296xf32, #tpu.memory_space<hbm>>
    tpu.wait_indirect_dma semaphore(%arg13 : memref<!tpu.dma_semaphore, #tpu.memory_space<semaphore_mem>>) src(%dma_wait3A_243 : memref<100663296xf32, #tpu.memory_space<hbm>>) dst(%dma_wait3A_239 : memref<96xf32, #tpu.memory_space<vmem>>)
    %dma_wait3A_244 = arith.constant 2304 : i32
    %dma_wait3A_245 = tpu.memref_slice %arg11[%dma_wait3A_244] : memref<2560xf32, #tpu.memory_space<vmem>> -> memref<96xf32, #tpu.memory_space<vmem>>
    %dma_wait3A_246 = arith.constant 1728 : i32
    %dma_wait3A_247 = tpu.memref_slice %arg10[%dma_wait3A_246] : memref<1920xi32, #tpu.memory_space<vmem>> -> memref<96xi32, #tpu.memory_space<vmem>>
    %dma_wait3A_248 = arith.constant 0 : i32
    %dma_wait3A_249 = tpu.memref_slice %arg2[%dma_wait3A_248] : memref<100663296xf32, #tpu.memory_space<hbm>> -> memref<100663296xf32, #tpu.memory_space<hbm>>
    tpu.wait_indirect_dma semaphore(%arg13 : memref<!tpu.dma_semaphore, #tpu.memory_space<semaphore_mem>>) src(%dma_wait3A_249 : memref<100663296xf32, #tpu.memory_space<hbm>>) dst(%dma_wait3A_245 : memref<96xf32, #tpu.memory_space<vmem>>)
    %dma_wait3A_250 = arith.constant 2432 : i32
    %dma_wait3A_251 = tpu.memref_slice %arg11[%dma_wait3A_250] : memref<2560xf32, #tpu.memory_space<vmem>> -> memref<96xf32, #tpu.memory_space<vmem>>
    %dma_wait3A_252 = arith.constant 1824 : i32
    %dma_wait3A_253 = tpu.memref_slice %arg10[%dma_wait3A_252] : memref<1920xi32, #tpu.memory_space<vmem>> -> memref<96xi32, #tpu.memory_space<vmem>>
    %dma_wait3A_254 = arith.constant 0 : i32
    %dma_wait3A_255 = tpu.memref_slice %arg2[%dma_wait3A_254] : memref<100663296xf32, #tpu.memory_space<hbm>> -> memref<100663296xf32, #tpu.memory_space<hbm>>
    tpu.wait_indirect_dma semaphore(%arg13 : memref<!tpu.dma_semaphore, #tpu.memory_space<semaphore_mem>>) src(%dma_wait3A_255 : memref<100663296xf32, #tpu.memory_space<hbm>>) dst(%dma_wait3A_251 : memref<96xf32, #tpu.memory_space<vmem>>)
    %mul3A_256 = arith.constant 2560 : i32
    %mul3A_257 = arith.muli %add3A, %mul3A_256 : i32
    %multiple_of3A = tpu.assume_multiple %mul3A_257, 2560 : i32
    "tpu.region"() ({
      %run_scoped3A = tpu.sem_alloc : memref<!tpu.dma_semaphore, #tpu.memory_space<semaphore_mem>>
      %dma_start3A_258 = tpu.memref_slice %arg6[%multiple_of3A] : memref<81920xf32, #tpu.memory_space<hbm>> -> memref<2560xf32, #tpu.memory_space<hbm>>
      %dma_start3A_259 = tpu.memref_slice %arg6[%multiple_of3A] : memref<81920xf32, #tpu.memory_space<hbm>> -> memref<2560xf32, #tpu.memory_space<hbm>>
      tpu.enqueue_dma source(%arg11 : memref<2560xf32, #tpu.memory_space<vmem>>) target(%dma_start3A_259 : memref<2560xf32, #tpu.memory_space<hbm>>) target_semaphore(%run_scoped3A : memref<!tpu.dma_semaphore, #tpu.memory_space<semaphore_mem>>)
      %dma_wait3A_260 = tpu.memref_slice %arg6[%multiple_of3A] : memref<81920xf32, #tpu.memory_space<hbm>> -> memref<2560xf32, #tpu.memory_space<hbm>>
      %dma_wait3A_261 = tpu.memref_slice %arg6[%multiple_of3A] : memref<81920xf32, #tpu.memory_space<hbm>> -> memref<2560xf32, #tpu.memory_space<hbm>>
      tpu.wait_dma2 semaphore(%run_scoped3A : memref<!tpu.dma_semaphore, #tpu.memory_space<semaphore_mem>>) src(%arg11 : memref<2560xf32, #tpu.memory_space<vmem>>) dst(%dma_wait3A_261 : memref<2560xf32, #tpu.memory_space<hbm>>)
      tpu.yield
    }) : () -> ()
    return
  }
}

module attributes {stable_mosaic.version = 14 : i64} {
  func.func @_loss_body(%arg0: memref<640x128xf32, #tpu.memory_space<vmem>>, %arg1: memref<1x1xf32, #tpu.memory_space<smem>>) attributes {dimension_semantics = [], scalar_prefetch = 0 : i64, scratch_operands = 0 : i64, tpu.core_type = #tpu.core_type<tc>} {
    %get3A = arith.constant 0 : index
    %get3A_0 = arith.constant 0 : index
    %get3A_1 = vector.load %arg0[%get3A, %get3A_0] : memref<640x128xf32, #tpu.memory_space<vmem>>, vector<128x96xf32>
    %get3A_2 = arith.constant 128 : index
    %get3A_3 = arith.constant 0 : index
    %get3A_4 = vector.load %arg0[%get3A_2, %get3A_3] : memref<640x128xf32, #tpu.memory_space<vmem>>, vector<512x96xf32>
    %mul3A = arith.mulf %get3A_1, %get3A_1 : vector<128x96xf32>
    %reduce_sum3A = arith.constant dense<0.000000e+00> : vector<128xf32>
    %reduce_sum3A_5 = vector.multi_reduction <add>, %mul3A, %reduce_sum3A [1] : vector<128x96xf32> to vector<128xf32>
    %broadcast_in_dim3A = vector.shape_cast %reduce_sum3A_5 : vector<128xf32> to vector<128x1xf32>
    %sqrt3A = math.sqrt %broadcast_in_dim3A : vector<128x1xf32>
    %max3A = arith.constant 9.99999997E-7 : f32
    %max3A_6 = vector.broadcast %max3A : f32 to vector<128x1xf32>
    %max3A_7 = arith.maximumf %sqrt3A, %max3A_6 : vector<128x1xf32>
    %div3A = vector.broadcast %max3A_7 : vector<128x1xf32> to vector<128x96xf32>
    %div3A_8 = arith.divf %get3A_1, %div3A : vector<128x96xf32>
    %mul3A_9 = arith.mulf %get3A_4, %get3A_4 : vector<512x96xf32>
    %reduce_sum3A_10 = arith.constant dense<0.000000e+00> : vector<512xf32>
    %reduce_sum3A_11 = vector.multi_reduction <add>, %mul3A_9, %reduce_sum3A_10 [1] : vector<512x96xf32> to vector<512xf32>
    %broadcast_in_dim3A_12 = vector.shape_cast %reduce_sum3A_11 : vector<512xf32> to vector<512x1xf32>
    %sqrt3A_13 = math.sqrt %broadcast_in_dim3A_12 : vector<512x1xf32>
    %max3A_14 = arith.constant 9.99999997E-7 : f32
    %max3A_15 = vector.broadcast %max3A_14 : f32 to vector<512x1xf32>
    %max3A_16 = arith.maximumf %sqrt3A_13, %max3A_15 : vector<512x1xf32>
    %div3A_17 = vector.broadcast %max3A_16 : vector<512x1xf32> to vector<512x96xf32>
    %div3A_18 = arith.divf %get3A_4, %div3A_17 : vector<512x96xf32>
    %dot_general3A = arith.constant dense<0.000000e+00> : vector<128x128xf32>
    %dot_general3A_19 = tpu.matmul %div3A_8, %div3A_8, %dot_general3A {dimension_numbers = #tpu.dot_dimension_numbers<[1], [1], [0], [0], [0, 0, 1, 0], [], []>, transpose_lhs_hint = false} : vector<128x96xf32>, vector<128x96xf32>, vector<128x128xf32> -> vector<128x128xf32>
    %dot_general3A_20 = arith.constant dense<0.000000e+00> : vector<128x512xf32>
    %dot_general3A_21 = tpu.matmul %div3A_8, %div3A_18, %dot_general3A_20 {dimension_numbers = #tpu.dot_dimension_numbers<[1], [1], [0], [0], [0, 0, 1, 0], [], []>, transpose_lhs_hint = false} : vector<128x96xf32>, vector<512x96xf32>, vector<128x512xf32> -> vector<128x512xf32>
    %div3A_22 = arith.constant 1.000000e-01 : f32
    %div3A_23 = vector.broadcast %div3A_22 : f32 to vector<128x128xf32>
    %div3A_24 = arith.divf %dot_general3A_19, %div3A_23 : vector<128x128xf32>
    %exp3A = math.exp %div3A_24 : vector<128x128xf32>
    %reduce_sum3A_25 = arith.constant dense<0.000000e+00> : vector<128xf32>
    %reduce_sum3A_26 = vector.multi_reduction <add>, %exp3A, %reduce_sum3A_25 [1] : vector<128x128xf32> to vector<128xf32>
    %sub3A = arith.constant 2.71828175 : f32
    %sub3A_27 = vector.broadcast %sub3A : f32 to vector<128xf32>
    %sub3A_28 = arith.subf %reduce_sum3A_26, %sub3A_27 : vector<128xf32>
    %div3A_29 = arith.constant 1.000000e-01 : f32
    %div3A_30 = vector.broadcast %div3A_29 : f32 to vector<128x512xf32>
    %div3A_31 = arith.divf %dot_general3A_21, %div3A_30 : vector<128x512xf32>
    %exp3A_32 = math.exp %div3A_31 : vector<128x512xf32>
    %reduce_sum3A_33 = arith.constant dense<0.000000e+00> : vector<128xf32>
    %reduce_sum3A_34 = vector.multi_reduction <add>, %exp3A_32, %reduce_sum3A_33 [1] : vector<128x512xf32> to vector<128xf32>
    %add3A = arith.addf %sub3A_28, %reduce_sum3A_34 : vector<128xf32>
    %div3A_35 = arith.divf %sub3A_28, %add3A : vector<128xf32>
    %log3A = math.log %div3A_35 : vector<128xf32>
    %reduce_sum3A_36 = vector.shape_cast %log3A : vector<128xf32> to vector<1x128xf32>
    %reduce_sum3A_37 = arith.constant dense<0.000000e+00> : vector<1xf32>
    %reduce_sum3A_38 = vector.multi_reduction <add>, %reduce_sum3A_36, %reduce_sum3A_37 [1] : vector<1x128xf32> to vector<1xf32>
    %reduce_sum3A_39 = vector.shape_cast %reduce_sum3A_38 : vector<1xf32> to vector<1x1xf32>
    %reduce_sum3A_40 = vector.extract %reduce_sum3A_39[0, 0] : f32 from vector<1x1xf32>
    %div3A_41 = arith.constant 1.280000e+02 : f32
    %div3A_42 = arith.divf %reduce_sum3A_40, %div3A_41 : f32
    %neg3A = arith.constant 0.000000e+00 : f32
    %neg3A_43 = arith.subf %neg3A, %div3A_42 : f32
    %swap3A = arith.constant 0 : index
    %swap3A_44 = arith.constant 0 : index
    %swap3A_45 = memref.load %arg1[%swap3A, %swap3A_44] : memref<1x1xf32, #tpu.memory_space<smem>>
    memref.store %neg3A_43, %arg1[%swap3A, %swap3A_44] : memref<1x1xf32, #tpu.memory_space<smem>>
    return
  }
}

</mosaic_0001>

<sc_bundles>
// kernel: kernel.4.cloned.1.call-start
scs
__scs_entry_jumppad:
0x0: {  	(pc) =	sbr.rel $0x88, $3  }
0x1: {  	(tag) =	ssettag $0x0;
	lr =	simm.s32 $0x1  }
0x2: {  	[smem:$0x3F9F] =	sst lr;
	_ =	strace $0xD0000000  }
0x3: {  	_ = 	snop  }
0x4: {  	_ = 	snop  }
0x5: {  	_ = 	snop  }
0x6: {  	_ = 	snop  }
0x7: {  	_ = 	snop  }
__scs_overlays_trampoline_lowered:
0x8: {  	[smem:$0x3FAE] =	sst s0  }
0x9: {  	[smem:$0x3FAF] =	sst s1  }
0xa: {  	[smem:$0x3FB0] =	sst s2  }
0xb: {  	[smem:$0x3FB1] =	sst s3  }
0xc: {  	[smem:$0x3FB2] =	sst s4  }
0xd: {  	[smem:$0x3FB3] =	sst s5  }
0xe: {  	[smem:$0x3FB4] =	sst s6  }
0xf: {  	[smem:$0x3FB5] =	sst s7  }
0x10: {  	[smem:$0x3FB6] =	sst s8  }
0x11: {  	[smem:$0x3FB7] =	sst s9;
	s0 =	simm.s32 @!p0 $0x0  }
0x12: {  	s1 =	sld [smem:$0x3F9D];
	s0 =	simm.s32 @p0 $0x1  }
0x13: {  	[smem:$0x3FB8] =	sst s0;
	s0 =	simm.s32 @!p1 $0x0  }
0x14: {  	s2 =	sld [smem:$0x3F9C];
	s0 =	simm.s32 @p1 $0x1  }
0x15: {  	[smem:$0x3FB9] =	sst s0;
	s0 =	simm.s32 @!p2 $0x0  }
0x16: {  	s3 =	sld [smem:$0x3FDB];
	s0 =	simm.s32 @p2 $0x1  }
0x17: {  	s4 =	simm.s32 $0x1BF5;
	[smem:$0x3FBB] =	sst s0  }
0x18: {  	s0 =	sld [smem:$0x3F9E];
	_ =	swait.ge [sflag:s4], $0x0  }
0x19: {  	s7 =	sld [smem:$0x3F9F]  }
0x1a: {  	s8 =	sadd.s32 $0xFFFFE003, lr  }
0x1b: {  	s9 =	sadd.s32 $0xFFFFFEF7, lr;
	s5 =	simm.s32 $0xFFFFFFFF;
	p2 =	slt.u32 s8, $0xFFFFF086  }
0x1c: {  	p1 =	slt.u32 s9, $0xF7A;
	s5 =	simm.s32 @!p2 $0x0  }
0x1d: {  	s5 =	simm.s32 @p1 $0x1;
	p0 =	seq.s32 s7, s2  }
0x1e: {  	s7 =	smul.u32 @!p0 $0xF7A, s2;
	p2 =	seq.s32 @!p0 s5, $0x0  }
0x1f: {  	s9 =	smul.u32 $0xF7A, s1;
	s8 =	simm.s32 @!p0 $0x1BF5;
	p2 =	por !p2, p0  }
0x20: {  	[sflag:s8] =	ssyncset.s32 @!p0 $0xFFFFF086;
	s6 =	sadd.s32 @!p0 s3, s7;
	s7 =	simm.s32 @!p0 $0x108  }
0x21: {  	s3 =	sadd.s32 s3, s9;
	s6 =	sadd.s32 @!p0 $0x88, s6;
	s7 =	simm.s32 @p2 $0x1082  }
0x22: {  	[simem:s7], [sflag:s8] =	dma.local @!p0 [hbm:s6], $0xF7A  }
0x23: {  	s9 =	sor.u32 $0xD0000000, s2;
	s6 =	simm.s32 $0x108;
	_ =	swait.ge @!p0 [sflag:s8], $0x0  }
0x24: {  	s3 =	sadd.s32 $0x88, s3;
	s6 =	simm.s32 @!p1 $0x1082;
	[sflag:s4] =	ssyncset.s32 $0xFFFFF086  }
0x25: {  	[simem:s6], [sflag:s4] =	dma.local [hbm:s3], $0xF7A  }
0x26: {  	[smem:$0x3F9F] =	sst s1;
	(tag) =	ssettag s2;
	_ =	strace s9  }
0x27: {  	s1 =	sld [smem:$0x3FAF]  }
0x28: {  	s2 =	sld [smem:$0x3FB0]  }
0x29: {  	s4 =	sld [smem:$0x3FB2]  }
0x2a: {  	p0 =	seq.s32 s5, $0x0;
	s5 =	sld [smem:$0x3FB3]  }
0x2b: {  	s6 =	sld [smem:$0x3FB4]  }
0x2c: {  	s7 =	sld [smem:$0x3FB5]  }
0x2d: {  	s3 =	simm.s32 $0x108;
	s8 =	sld [smem:$0x3FB6]  }
0x2e: {  	s3 =	simm.s32 @!p0 $0x1082;
	s9 =	sld [smem:$0x3FB7]  }
0x2f: {  	lr =	sadd.s32 s0, s3;
	s0 =	sld [smem:$0x3FAE]  }
0x30: {  	s3 =	sld [smem:$0x3FB1]  }
0x31: {  	[smem:$0x3FBA] =	sst s10  }
0x32: {  	s10 =	sld [smem:$0x3FB8];
	_ =	sdelay $0x3  }
0x33: {  	p0 =	seq.s32 s10, $0x1;
	s10 =	sld [smem:$0x3FBA];
	_ =	sdelay $0x3  }
0x34: {  	[smem:$0x3FBA] =	sst s10  }
0x35: {  	s10 =	sld [smem:$0x3FB9];
	_ =	sdelay $0x3  }
0x36: {  	p1 =	seq.s32 s10, $0x1;
	s10 =	sld [smem:$0x3FBA];
	_ =	sdelay $0x3  }
0x37: {  	[smem:$0x3FBA] =	sst s10  }
0x38: {  	s10 =	sld [smem:$0x3FBB]  }
0x39: {  	_ = 	snop;
	(pc) =	sbr.ind lr, $3  }
0x3a: {  	_ = 	snop  }
0x3b: {  	_ = 	snop  }
0x3c: {  	p2 =	seq.s32 s10, $0x1;
	s10 =	sld [smem:$0x3FBA]  }
0x3d: {  	_ =	shalt  }
0x3e: {  	_ =	shalt  }
0x3f: {  	_ =	shalt  }
0x40: {  	_ =	shalt  }
0x41: {  	_ =	shalt  }
0x42: {  	_ =	shalt  }
0x43: {  	_ =	shalt  }
0x44: {  	_ =	shalt  }
0x45: {  	_ =	shalt  }
0x46: {  	_ =	shalt  }
0x47: {  	_ =	shalt  }
0x48: {  	_ =	shalt  }
0x49: {  	_ =	shalt  }
0x4a: {  	_ =	shalt  }
0x4b: {  	_ =	shalt  }
0x4c: {  	_ =	shalt  }
0x4d: {  	_ =	shalt  }
0x4e: {  	_ =	shalt  }
0x4f: {  	_ =	shalt  }
0x50: {  	_ =	shalt  }
0x51: {  	_ =	shalt  }
0x52: {  	_ =	shalt  }
0x53: {  	_ =	shalt  }
0x54: {  	_ =	shalt  }
0x55: {  	_ =	shalt  }
0x56: {  	_ =	shalt  }
0x57: {  	_ =	shalt  }
0x58: {  	_ =	shalt  }
0x59: {  	_ =	shalt  }
0x5a: {  	_ =	shalt  }
0x5b: {  	_ =	shalt  }
0x5c: {  	_ =	shalt  }
0x5d: {  	_ =	shalt  }
0x5e: {  	_ =	shalt  }
0x5f: {  	_ =	shalt  }
0x60: {  	_ =	shalt  }
0x61: {  	_ =	shalt  }
0x62: {  	_ =	shalt  }
0x63: {  	_ =	shalt  }
0x64: {  	_ =	shalt  }
0x65: {  	_ =	shalt  }
0x66: {  	_ =	shalt  }
0x67: {  	_ =	shalt  }
0x68: {  	_ =	shalt  }
0x69: {  	_ =	shalt  }
0x6a: {  	_ =	shalt  }
0x6b: {  	_ =	shalt  }
0x6c: {  	_ =	shalt  }
0x6d: {  	_ =	shalt  }
0x6e: {  	_ =	shalt  }
0x6f: {  	_ =	shalt  }
0x70: {  	_ =	shalt  }
0x71: {  	_ =	shalt  }
0x72: {  	_ =	shalt  }
0x73: {  	_ =	shalt  }
0x74: {  	_ =	shalt  }
0x75: {  	_ =	shalt  }
0x76: {  	_ =	shalt  }
0x77: {  	_ =	shalt  }
0x78: {  	_ =	shalt  }
0x79: {  	_ =	shalt  }
0x7a: {  	_ =	shalt  }
0x7b: {  	_ =	shalt  }
0x7c: {  	_ =	shalt  }
0x7d: {  	_ =	shalt  }
0x7e: {  	_ =	shalt  }
0x7f: {  	_ =	shalt  }
0x80: {  	_ =	shalt  }
0x81: {  	_ =	shalt  }
0x82: {  	_ =	shalt  }
0x83: {  	_ =	shalt  }
0x84: {  	_ =	shalt  }
0x85: {  	_ =	shalt  }
0x86: {  	_ =	shalt  }
0x87: {  	_ =	shalt  }
.Lfunc_end0:
.L_simem_size_0:
called_computation_lowered:
.L_overlay_start_0:
0x88: {  	s2 =	sld [smem:$0x3FD9]  }
0x89: {  	s3 =	sld [smem:$0x3FFE];
	_ =	sdelay $0x1  }
0x8a: {  	s1 =	srdreg.scid  }
0x8b: {  	s0 =	sand.u32 $0x1, s1  }
0x8c: {  	s17 =	sshll.u32 s0, $0xA;
	s2 =	sadd.s32 s3, s2  }
0x8d: {  	s2 =	sadd.s32 s2, s17  }
0x8e: {  	[smem:$0x3FC6] =	sst s2  }
0x8f: {  	_ = 	snop  }
0x90: {  	s2 =	sld [smem:$0x3FC9]  }
0x91: {  	s18 =	sld [smem:$0x3FC8];
	(tm) =	ssettm $0x1  }
0x92: {  	s4 =	sld [smem:$0x3FFB];
	_ =	sdelay $0x3  }
0x93: {  	_ =	strace s4  }
0x94: {  	s4 =	sld [smem:$0x3FFC];
	_ =	sdelay $0x3  }
0x95: {  	_ =	strace s4  }
0x96: {  	s4 =	sld [smem:$0x3FFD];
	_ =	sdelay $0x3  }
0x97: {  	_ =	strace s4  }
0x98: {  	_ =	strace $0x8FFFFFFF  }
0x99: {  	s19 =	sld [smem:$0x3FDB];
	_ =	sdelay $0x1  }
0x9a: {  	s5 =	simm.s32 $_scs_section_size  }
0x9b: {  	s6 =	simm.s32 $_size__tile_overlayer_lowered;
	s7 =	simm.s32 $_tile_overlayer_lowered  }
0x9c: {  	s22 =	simm.s32 $0x1BFF;
	s21 =	sshll.u32 s7, $0x1;
	s4 =	sadd.s32 s5, s19  }
0x9d: {  	s8 =	simm.s32 $0x0;
	s20 =	sshll.u32 s6, $0x1;
	s6 =	sadd.s32 s21, s4  }
0x9e: {  	[timem:s8], [sflag:s22] =	dma.local [hbm:s6], s20  }
0x9f: {  	_ =	swait.ge [sflag:s22], s20  }
0xa0: {  	s5 =	ssub.s32 $0x0, s20;
	[sflag:s22] =	ssyncset.done $0x0  }
0xa1: {  	[sflag:s22] =	ssyncadd.s32 s5;
	_ =	sdelay $0x1  }
0xa2: {  	s23 =	simm.s32 $0x1B8B  }
0xa3: {  	_ =	swait.ge [sflag:s23], $0x1  }
0xa4: {  	[sflag:s23] =	ssyncset.done $0x0  }
0xa5: {  	s25 =	simm.s32 $0x1B8E;
	s24 =	sld [smem:$0x3FFE];
	[sflag:s23] =	ssyncadd.s32 $0xFFFFFFFF  }
0xa6: {  	s26 =	simm.s32 $execute0_lowered;
	[smem:$0x3FD2] =	sst s25  }
0xa7: {  	s6 =	sshll.u32 s26, $0x1;
	_ =	strace $0x80000046;
	[dreg:$0x1] =	wrdreg $0xFFFFFFFF  }
0xa8: {  	s28 =	simm.s32 $_size_execute0_lowered;
	s4 =	sadd.s32 s4, s6;
	[dreg:$0x0] =	wrdreg $0x0  }
0xa9: {  	s6 =	sshll.u32 s28, $0x1;
	[dreg:$0x2] =	wrdreg s4  }
0xaa: {  	[dreg:$0x3] =	wrdreg s6  }
0xab: {  	[dreg:$0x4] =	wrdreg $0xC0  }
0xac: {  	_ =	task [dreg:s8], $0x5FFFF  }
0xad: {  	[dreg:$0x1] =	wrdreg $0xFFFFFFFF  }
0xae: {  	[dreg:$0x0] =	wrdreg $0x60  }
0xaf: {  	[dreg:$0x2] =	wrdreg s2  }
0xb0: {  	[dreg:$0x3] =	wrdreg s24  }
0xb1: {  	[dreg:$0x4] =	wrdreg s18  }
0xb2: {  	[dreg:$0x5] =	wrdreg $0x24000  }
0xb3: {  	[dreg:$0x6] =	wrdreg $0x9  }
0xb4: {  	_ =	task.clear_ibuf [dreg:s8], $0x7FFFF;
	_ =	strace $0x90000046  }
0xb5: {  	s29 =	simm.s32 $0x9;
	_ =	strace $0x80000048  }
0xb6: {  	_ =	swait.ge [sflag:s29], $0x1  }
0xb7: {  	[sflag:s29] =	ssyncadd.s32 $0xFFFFFFFF  }
0xb8: {  	_ =	strace $0x90000048  }
0xb9: {  	_ =	sfence  }
0xba: {  	s30 =	sld [smem:$0x0];
	_ =	sdelay $0x2  }
0xbb: {  	s31 =	sshll.u32 s1, $0xD;
	s1 =	sshrl.u32 s1, $0x2  }
0xbc: {  	s3 =	sand.u32 $0x4000, s31;
	s1 =	sadd.s32 s1, s30  }
0xbd: {  	s0 =	sor.u32 s3, s0;
	s1 =	sshll.u32 s1, $0x11  }
0xbe: {  	s0 =	sor.u32 s1, s0  }
0xbf: {  	s0 =	sadd.s32 $0x8F2B, s0  }
0xc0: {  	[sflag:s0] =	ssyncadd.remote.s32 $0x1  }
0xc1: {  	_ =	sfence.sel $0xFFFF  }
0xc2: {  	[dreg:$0x0] =	wrdreg $0xFFFFFFFF;
	(pc) =	sbr.abs _section_cstart, $3  }
0xc3: {  	[dreg:$0x1] =	wrdreg $0xFFFFFFFF  }
0xc4: {  	_ =	task.clear_ibuf [dreg:s8], $0x2FFFF;
	_ =	strace $0x9FFFFFFF  }
0xc5: {  	(tm) =	ssettm $0x7FFFFFFF  }
tec
execute0_lowered:
.L_overlay_start_1:
0x0: {  	(tag) =	ssettag $0x1  }
0x1: {  	s1 =	rddreg [dreg:$0x0]  }
0x2: {  	s0 =	rddreg [dreg:$0x1]  }
0x3: {  	s2 =	rddreg [dreg:$0x2]  }
0x4: {  	s8 =	rddreg [dreg:$0x3]  }
0x5: {  	s3 =	srdreg.scid;
	s4 =	stileid.u32;
	s6 =	simm.s32 $0x0  }
0x6: {  	s11 =	simm.s32 $0x2;
	s12 =	simm.s32 $0x80;
	s28 =	simm.s32 $0x400  }
0x7: {  	s29 =	simm.s32 $0xC00;
	s30 =	simm.s32 $0x480;
	s31 =	simm.s32 $0xC80  }
0x8: {  	s9 =	simm.s32 $0xE00;
	s13 =	simm.s32 $0x700;
	s14 =	simm.s32 $0xF00  }
0x9: {  	s15 =	simm.s32 $0x780;
	s16 =	simm.s32 $0xF80;
	s17 =	simm.s32 $0x1  }
0xa: {  	s18 =	simm.s32 $0x1000;
	s19 =	simm.s32 $0x60;
	s20 =	simm.s32 $0x0  }
0xb: {  	s3 =	sand.u32 $0x1, s3;
	s5 =	sshll.u32 s4, $0x1;
	[smem:$0x7FF] =	sst s6  }
0xc: {  	s21 =	sadd.s32 $0x20800, s0;
	s22 =	sadd.s32 $0x800, s0;
	s7 =	smul.u32 $0x28, s4  }
0xd: {  	s25 =	sadd.s32 $0x80, s8;
	p0 =	seq.s32 s4, $0x1;
	p1 =	sne.s32 s4, $0x0  }
0xe: {  	s4 =	simm.s32 $0x580;
	s5 =	sor.u32 s3, s5;
	_ =	strace $0x80000047  }
0xf: {  	[dreg:$0x5] =	wrdreg s21;
	s23 =	ssub.s32 $0x2, s3;
	s3 =	smul.u32 $0x14, s3  }
0x10: {  	s8 =	simm.s32 $0x600;
	[dreg:$0x6] =	wrdreg s22;
	s5 =	smul.u32 $0x140, s5  }
0x11: {  	v0 =	vlaneseq.u32;
	s6 =	simm.s32 $0xE80;
	[dreg:$0x7] =	wrdreg s25;
	s24 =	sshrl.u32 s23, $0x1  }
0x12: {  	v0 =	vmul.u32 $0x40000, v0;
	s10 =	sadd.s32 s3, s7;
	s7 =	simm.s32 $0xD00;
	s0 =	sadd.s32 s5, s0  }
0x13: {  	s3 =	simm.s32 $0xD80;
	s5 =	ssub.s32 s23, s24;
	s0 =	sadd.s32 $0x40800, s0  }
0x14: {  	v1 =	vor.u32 $0x400000, v0;
	v2 =	vor.u32 $0x800000, v0;
	s26 =	smax.u32 s5, $0x1;
	s5 =	simm.s32 $0x680;
	[dreg:$0x8] =	wrdreg s0  }
0x15: {  	v3 =	vor.u32 $0xC00000, v0;
	v4 =	vor.u32 $0x1000000, v0;
	v5 =	vor.u32 $0x1400000, v0;
	[dreg:$0x9] =	wrdreg s26;
	s26 =	simm.s32 $0xB80;
	s0 =	simm.s32 $0x500  }
.LBB2_1:
.Ltmp0:
0x16: {  	(pc) =	sbr.rel @p0 .LBB2_12-.Ltmp0, $1  }
0x17: {  	_ =	sdelay $0x3  }
.Ltmp1:
0x18: {  	(pc) =	sbr.rel @p1 .LBB2_21-.Ltmp1, $1  }
0x19: {  	_ =	sdelay $0x3  }
0x1a: {  	s21 =	simm.s32 $0x0;
	s22 =	rddreg [dreg:$0x5]  }
0x1b: {  	[tilespmem:s21], [sflag:$0x2] =	stream.linear.gather [hbm4b:s22+s21], $0x800, $0x38;
	[tilespmem:$0x2428] =	vst v63  }
0x1c: {  	_ =	swait.ge [sflag:s11], $0x800  }
0x1d: {  	[sflag:s11] =	ssyncset.done $0x0  }
0x1e: {  	s23 =	simm.s32 $0x800;
	[sflag:s11] =	ssyncadd.s32 $0xFFFFF800  }
0x1f: {  	[tilespmem:s23], [sflag:$0x1] =	stream.indirect.gather [hbm4b:s2+s12], $0x1, s21, s12, $0xb8;
	[tilespmem:$0x2428] =	vst v63  }
0x20: {  	s24 =	simm.s32 $0x880  }
0x21: {  	[tilespmem:s24], [sflag:$0x1] =	stream.indirect.gather [hbm4b:s2+s12], $0x1, s12, s12, $0xb8;
	[tilespmem:$0x2428] =	vst v63  }
0x22: {  	s25 =	simm.s32 $0x100;
	s23 =	simm.s32 $0x900  }
0x23: {  	[tilespmem:s23], [sflag:$0x1] =	stream.indirect.gather [hbm4b:s2+s12], $0x1, s25, s12, $0xb8;
	[tilespmem:$0x2428] =	vst v63  }
0x24: {  	s24 =	simm.s32 $0x180;
	s25 =	simm.s32 $0x980  }
0x25: {  	[tilespmem:s25], [sflag:$0x1] =	stream.indirect.gather [hbm4b:s2+s12], $0x1, s24, s12, $0xb8;
	[tilespmem:$0x2428] =	vst v63  }
0x26: {  	s24 =	simm.s32 $0x200;
	s25 =	simm.s32 $0xA00  }
0x27: {  	[tilespmem:s25], [sflag:$0x1] =	stream.indirect.gather [hbm4b:s2+s12], $0x1, s24, s12, $0xb8;
	[tilespmem:$0x2428] =	vst v63  }
0x28: {  	s24 =	simm.s32 $0x280;
	s25 =	simm.s32 $0xA80  }
0x29: {  	[tilespmem:s25], [sflag:$0x1] =	stream.indirect.gather [hbm4b:s2+s12], $0x1, s24, s12, $0xb8;
	[tilespmem:$0x2428] =	vst v63  }
0x2a: {  	s23 =	simm.s32 $0x300;
	s24 =	simm.s32 $0xB00  }
0x2b: {  	[tilespmem:s24], [sflag:$0x1] =	stream.indirect.gather [hbm4b:s2+s12], $0x1, s23, s12, $0xb8;
	[tilespmem:$0x2428] =	vst v63  }
0x2c: {  	s25 =	simm.s32 $0x380  }
0x2d: {  	[tilespmem:s26], [sflag:$0x1] =	stream.indirect.gather [hbm4b:s2+s12], $0x1, s25, s12, $0xb8;
	[tilespmem:$0x2428] =	vst v63  }
0x2e: {  	_ = 	snop  }
0x2f: {  	[tilespmem:s29], [sflag:$0x1] =	stream.indirect.gather [hbm4b:s2+s12], $0x1, s28, s12, $0xb8;
	[tilespmem:$0x2428] =	vst v63  }
0x30: {  	_ = 	snop  }
0x31: {  	[tilespmem:s31], [sflag:$0x1] =	stream.indirect.gather [hbm4b:s2+s12], $0x1, s30, s12, $0xb8;
	[tilespmem:$0x2428] =	vst v63  }
0x32: {  	_ = 	snop  }
0x33: {  	[tilespmem:s7], [sflag:$0x1] =	stream.indirect.gather [hbm4b:s2+s12], $0x1, s0, s12, $0xb8;
	[tilespmem:$0x2428] =	vst v63  }
0x34: {  	_ = 	snop  }
0x35: {  	[tilespmem:s3], [sflag:$0x1] =	stream.indirect.gather [hbm4b:s2+s12], $0x1, s4, s12, $0xb8;
	[tilespmem:$0x2428] =	vst v63  }
0x36: {  	_ = 	snop  }
0x37: {  	[tilespmem:s9], [sflag:$0x1] =	stream.indirect.gather [hbm4b:s2+s12], $0x1, s8, s12, $0xb8;
	[tilespmem:$0x2428] =	vst v63  }
0x38: {  	_ = 	snop  }
0x39: {  	[tilespmem:s6], [sflag:$0x1] =	stream.indirect.gather [hbm4b:s2+s12], $0x1, s5, s12, $0xb8;
	[tilespmem:$0x2428] =	vst v63  }
0x3a: {  	_ = 	snop  }
0x3b: {  	[tilespmem:s14], [sflag:$0x1] =	stream.indirect.gather [hbm4b:s2+s12], $0x1, s13, s12, $0xb8;
	[tilespmem:$0x2428] =	vst v63  }
0x3c: {  	_ = 	snop  }
0x3d: {  	[tilespmem:s16], [sflag:$0x1] =	stream.indirect.gather [hbm4b:s2+s12], $0x1, s15, s12, $0xb8;
	[tilespmem:$0x2428] =	vst v63  }
0x3e: {  	_ =	swait.ge [sflag:s17], $0x80  }
0x3f: {  	[sflag:s17] =	ssyncset.done $0x0  }
0x40: {  	[sflag:s17] =	ssyncadd.s32 $0xFFFFFF80  }
0x41: {  	_ =	swait.ge [sflag:s17], $0x80  }
0x42: {  	[sflag:s17] =	ssyncset.done $0x0  }
0x43: {  	[sflag:s17] =	ssyncadd.s32 $0xFFFFFF80  }
0x44: {  	_ =	swait.ge [sflag:s17], $0x80  }
0x45: {  	[sflag:s17] =	ssyncset.done $0x0  }
0x46: {  	[sflag:s17] =	ssyncadd.s32 $0xFFFFFF80  }
0x47: {  	_ =	swait.ge [sflag:s17], $0x80  }
0x48: {  	[sflag:s17] =	ssyncset.done $0x0  }
0x49: {  	[sflag:s17] =	ssyncadd.s32 $0xFFFFFF80  }
0x4a: {  	_ =	swait.ge [sflag:s17], $0x80  }
0x4b: {  	[sflag:s17] =	ssyncset.done $0x0  }
0x4c: {  	[sflag:s17] =	ssyncadd.s32 $0xFFFFFF80  }
0x4d: {  	_ =	swait.ge [sflag:s17], $0x80  }
0x4e: {  	[sflag:s17] =	ssyncset.done $0x0  }
0x4f: {  	[sflag:s17] =	ssyncadd.s32 $0xFFFFFF80  }
0x50: {  	_ =	swait.ge [sflag:s17], $0x80  }
0x51: {  	[sflag:s17] =	ssyncset.done $0x0  }
0x52: {  	[sflag:s17] =	ssyncadd.s32 $0xFFFFFF80  }
0x53: {  	_ =	swait.ge [sflag:s17], $0x80  }
0x54: {  	[sflag:s17] =	ssyncset.done $0x0  }
0x55: {  	[sflag:s17] =	ssyncadd.s32 $0xFFFFFF80  }
0x56: {  	_ =	swait.ge [sflag:s17], $0x80  }
0x57: {  	[sflag:s17] =	ssyncset.done $0x0  }
0x58: {  	[sflag:s17] =	ssyncadd.s32 $0xFFFFFF80  }
0x59: {  	_ =	swait.ge [sflag:s17], $0x80  }
0x5a: {  	[sflag:s17] =	ssyncset.done $0x0  }
0x5b: {  	[sflag:s17] =	ssyncadd.s32 $0xFFFFFF80  }
0x5c: {  	_ =	swait.ge [sflag:s17], $0x80  }
0x5d: {  	[sflag:s17] =	ssyncset.done $0x0  }
0x5e: {  	[sflag:s17] =	ssyncadd.s32 $0xFFFFFF80  }
0x5f: {  	_ =	swait.ge [sflag:s17], $0x80  }
0x60: {  	[sflag:s17] =	ssyncset.done $0x0  }
0x61: {  	[sflag:s17] =	ssyncadd.s32 $0xFFFFFF80  }
0x62: {  	_ =	swait.ge [sflag:s17], $0x80  }
0x63: {  	[sflag:s17] =	ssyncset.done $0x0  }
0x64: {  	[sflag:s17] =	ssyncadd.s32 $0xFFFFFF80  }
0x65: {  	_ =	swait.ge [sflag:s17], $0x80  }
0x66: {  	[sflag:s17] =	ssyncset.done $0x0  }
0x67: {  	[sflag:s17] =	ssyncadd.s32 $0xFFFFFF80  }
0x68: {  	_ =	swait.ge [sflag:s17], $0x80  }
0x69: {  	[sflag:s17] =	ssyncset.done $0x0  }
0x6a: {  	[sflag:s17] =	ssyncadd.s32 $0xFFFFFF80  }
0x6b: {  	_ =	swait.ge [sflag:s17], $0x80  }
0x6c: {  	p2 =	por $0x0, $0x0;
	[sflag:s17] =	ssyncset.done $0x0  }
0x6d: {  	s22 =	simm.s32 @!p2 $0x0;
	[sflag:s17] =	ssyncadd.s32 $0xFFFFFF80  }
0x6e: {  	v6 =	vld @!p2 [tilespmem:s22+$0x800];
	_ =	sdelay $0x4  }
0x6f: {  	vm0 =	vgt.f32 @!p2 v6, $5.000000000e-01;
	v6 =	vimm.s32 @!p2 $0x0  }
0x70: {  	v6 =	vsel @!p2 vm0, $0x1, v6  }
0x71: {  	(xrf0) =	vadd.scan.msk.s32 @!p2 $0xffff, v6;
	_ =	sdelay $0x5  }
0x72: {  	v6, _, _ =	vpop @!p2 (xrf0)  }
0x73: {  	(v2sf) =	vpush @!p2 v6, $0xF;
	_ =	sdelay $0x3  }
0x74: {  	v7 =	vmov @!p2 s21  }
0x75: {  	v7 =	vadd.s32 @!p2 $0xFFFFFFFF, v7  }
0x76: {  	v7 =	vbroadcast @!p2 v7, $0x0  }
0x77: {  	v8 =	vld @!p2 [tilespmem:s22+$0x0]  }
0x78: {  	v6 =	vadd.s32 @!p2 v6, v7  }
0x79: {  	vm1 =	vlt.s32 @!p2 v6, $0x80  }
0x7a: {  	vm0 =	vmand @!p2 vm0, vm1;
	_ =	sdelay $0x1  }
0x7b: {  	v7 =	vshrl.u32 @!p2 v8, $0x12  }
0x7c: {  	v7 =	vmul.u32 @!p2 $0x1800000, v7  }
0x7d: {  	v8 =	vand.u32 @!p2 $0x3FFFF, v8  }
0x7e: {  	s22 =	simm.s32 @!p2 $0x1000;
	v7 =	vor.u32 @!p2 v8, v7;
	s24 =	spop @!p2 (v2sf)  }
0x7f: {  	s23 =	simm.s32 $0x40;
	[tilespmem:v6+s22+$0x0] =	vst.idx.msk @!p2 vm0, v7;
	s22 =	sadd.s32 @!p2 $0x0, s24  }
.LBB2_4:
0x80: {  	s24 =	smov.u32 s21;
	s21 =	smov.u32 s22  }
0x81: {  	s22 =	smov.u32 s23;
	s23 =	sadd.s32 $0x40, s23;
	s21 =	smov.u32 @p2 s24  }
0x82: {  	p3 =	sne.s32 s23, $0x2000;
	p2 =	sgt.s32 s21, $0x7F  }
0x83: {  	s22 =	sshra.s32 @!p2 s22, $0x2;
	v6 =	vmov @!p2 s21  }
0x84: {  	v7 =	vld @!p2 [tilespmem:s22+$0x800];
	v6 =	vadd.s32 @!p2 $0xFFFFFFFF, v6  }
0x85: {  	v8 =	vld @!p2 [tilespmem:s22+$0x0];
	v6 =	vbroadcast @!p2 v6, $0x0;
	_ =	sdelay $0x3  }
0x86: {  	vm0 =	vgt.f32 @!p2 v7, $5.000000000e-01;
	v7 =	vimm.s32 @!p2 $0x0  }
0x87: {  	v7 =	vsel @!p2 vm0, $0x1, v7;
	v9 =	vshrl.u32 @!p2 v8, $0x12;
	v8 =	vand.u32 @!p2 $0x3FFFF, v8  }
0x88: {  	v9 =	vmul.u32 @!p2 $0x1800000, v9;
	(xrf0) =	vadd.scan.msk.s32 @!p2 $0xffff, v7;
	_ =	sdelay $0x1  }
0x89: {  	v7 =	vor.u32 @!p2 v8, v9;
	_ =	sdelay $0x3  }
0x8a: {  	v8, _, _ =	vpop @!p2 (xrf0)  }
0x8b: {  	v6 =	vadd.s32 @!p2 v8, v6;
	(v2sf) =	vpush @!p2 v8, $0xF  }
0x8c: {  	vm1 =	vlt.s32 @!p2 v6, $0x80  }
0x8d: {  	vm0 =	vmand @!p2 vm0, vm1;
	_ =	sdelay $0x4  }
0x8e: {  	s22 =	simm.s32 @!p2 $0x1000  }
0x8f: {  	[tilespmem:v6+s22+$0x0] =	vst.idx.msk @!p2 vm0, v7;
	_ =	sdelay $0x3  }
.Ltmp2:
0x90: {  	(pc) =	sbr.rel @p3 .LBB2_4-.Ltmp2, $3  }
0x91: {  	_ =	sdelay $0x1  }
0x92: {  	s22 =	spop @!p2 (v2sf)  }
0x93: {  	s22 =	sadd.s32 @!p2 s21, s22  }
0x94: {  	s22 =	smov.u32 @p2 s21  }
0x95: {  	p2 =	sgt.s32 s22, $0x7F  }
.Ltmp3:
0x96: {  	_ = 	snop;
	(pc) =	sbr.rel @!p2 .LBB2_6-.Ltmp3, $2  }
0x97: {  	_ =	sdelay $0x2  }
0x98: {  	s24 =	simm.s32 $0x1  }
.LBB2_11:
.Ltmp4:
0x99: {  	s21 =	rddreg [dreg:$0x3];
	(pc) =	sbr.rel .LBB2_21-.Ltmp4, $4  }
0x9a: {  	[spmem:s21] =	stream.linear.scatter [tilespmem:s18], [sflag:$0x2], $0x80, $0x38;
	[tilespmem:$0x2428] =	vst v63  }
0x9b: {  	_ =	swait.ge [sflag:s11], $0x80  }
0x9c: {  	[sflag:s11] =	ssyncset.done $0x0  }
0x9d: {  	[sflag:s11] =	ssyncadd.s32 $0xFFFFFF80  }
.LBB2_10:
0x9e: {  	s24 =	sadd.s32 $0x1, s24  }
0x9f: {  	p2 =	sne.s32 s24, $0x200  }
.Ltmp5:
0xa0: {  	_ = 	snop;
	(pc) =	sbr.rel @!p2 .LBB2_11-.Ltmp5, $1  }
0xa1: {  	_ =	sdelay $0x3  }
.LBB2_6:
0xa2: {  	p2 =	sgt.s32 s22, $0x7F  }
.Ltmp6:
0xa3: {  	_ = 	snop;
	(pc) =	sbr.rel @p2 .LBB2_10-.Ltmp6, $1  }
0xa4: {  	_ =	sdelay $0x3  }
0xa5: {  	s21 =	sshll.u32 s24, $0x8;
	s23 =	rddreg [dreg:$0x5]  }
0xa6: {  	s21 =	sadd.s32 s23, s21;
	s23 =	simm.s32 $0x0  }
0xa7: {  	[tilespmem:s23], [sflag:$0x2] =	stream.linear.gather [hbm4b:s21+s23], $0x800, $0x38;
	[tilespmem:$0x2428] =	vst v63  }
0xa8: {  	_ =	swait.ge [sflag:s11], $0x800  }
0xa9: {  	[sflag:s11] =	ssyncset.done $0x0  }
0xaa: {  	s25 =	simm.s32 $0x800;
	[sflag:s11] =	ssyncadd.s32 $0xFFFFF800  }
0xab: {  	[tilespmem:s25], [sflag:$0x1] =	stream.indirect.gather [hbm4b:s2+s12], $0x1, s23, s12, $0xb8;
	[tilespmem:$0x2428] =	vst v63  }
0xac: {  	s25 =	simm.s32 $0x880  }
0xad: {  	[tilespmem:s25], [sflag:$0x1] =	stream.indirect.gather [hbm4b:s2+s12], $0x1, s12, s12, $0xb8;
	[tilespmem:$0x2428] =	vst v63  }
0xae: {  	s23 =	simm.s32 $0x100;
	s25 =	simm.s32 $0x900  }
0xaf: {  	[tilespmem:s25], [sflag:$0x1] =	stream.indirect.gather [hbm4b:s2+s12], $0x1, s23, s12, $0xb8;
	[tilespmem:$0x2428] =	vst v63  }
0xb0: {  	s23 =	simm.s32 $0x180;
	s25 =	simm.s32 $0x980  }
0xb1: {  	[tilespmem:s25], [sflag:$0x1] =	stream.indirect.gather [hbm4b:s2+s12], $0x1, s23, s12, $0xb8;
	[tilespmem:$0x2428] =	vst v63  }
0xb2: {  	s23 =	simm.s32 $0x200;
	s25 =	simm.s32 $0xA00  }
0xb3: {  	[tilespmem:s25], [sflag:$0x1] =	stream.indirect.gather [hbm4b:s2+s12], $0x1, s23, s12, $0xb8;
	[tilespmem:$0x2428] =	vst v63  }
0xb4: {  	s23 =	simm.s32 $0x280;
	s25 =	simm.s32 $0xA80  }
0xb5: {  	[tilespmem:s25], [sflag:$0x1] =	stream.indirect.gather [hbm4b:s2+s12], $0x1, s23, s12, $0xb8;
	[tilespmem:$0x2428] =	vst v63  }
0xb6: {  	s23 =	simm.s32 $0x300;
	s25 =	simm.s32 $0xB00  }
0xb7: {  	[tilespmem:s25], [sflag:$0x1] =	stream.indirect.gather [hbm4b:s2+s12], $0x1, s23, s12, $0xb8;
	[tilespmem:$0x2428] =	vst v63  }
0xb8: {  	s25 =	simm.s32 $0x380  }
0xb9: {  	[tilespmem:s26], [sflag:$0x1] =	stream.indirect.gather [hbm4b:s2+s12], $0x1, s25, s12, $0xb8;
	[tilespmem:$0x2428] =	vst v63  }
0xba: {  	_ = 	snop  }
0xbb: {  	[tilespmem:s29], [sflag:$0x1] =	stream.indirect.gather [hbm4b:s2+s12], $0x1, s28, s12, $0xb8;
	[tilespmem:$0x2428] =	vst v63  }
0xbc: {  	_ = 	snop  }
0xbd: {  	[tilespmem:s31], [sflag:$0x1] =	stream.indirect.gather [hbm4b:s2+s12], $0x1, s30, s12, $0xb8;
	[tilespmem:$0x2428] =	vst v63  }
0xbe: {  	_ = 	snop  }
0xbf: {  	[tilespmem:s7], [sflag:$0x1] =	stream.indirect.gather [hbm4b:s2+s12], $0x1, s0, s12, $0xb8;
	[tilespmem:$0x2428] =	vst v63  }
0xc0: {  	_ = 	snop  }
0xc1: {  	[tilespmem:s3], [sflag:$0x1] =	stream.indirect.gather [hbm4b:s2+s12], $0x1, s4, s12, $0xb8;
	[tilespmem:$0x2428] =	vst v63  }
0xc2: {  	_ = 	snop  }
0xc3: {  	[tilespmem:s9], [sflag:$0x1] =	stream.indirect.gather [hbm4b:s2+s12], $0x1, s8, s12, $0xb8;
	[tilespmem:$0x2428] =	vst v63  }
0xc4: {  	_ = 	snop  }
0xc5: {  	[tilespmem:s6], [sflag:$0x1] =	stream.indirect.gather [hbm4b:s2+s12], $0x1, s5, s12, $0xb8;
	[tilespmem:$0x2428] =	vst v63  }
0xc6: {  	_ = 	snop  }
0xc7: {  	[tilespmem:s14], [sflag:$0x1] =	stream.indirect.gather [hbm4b:s2+s12], $0x1, s13, s12, $0xb8;
	[tilespmem:$0x2428] =	vst v63  }
0xc8: {  	_ = 	snop  }
0xc9: {  	[tilespmem:s16], [sflag:$0x1] =	stream.indirect.gather [hbm4b:s2+s12], $0x1, s15, s12, $0xb8;
	[tilespmem:$0x2428] =	vst v63  }
0xca: {  	_ =	swait.ge [sflag:s17], $0x80  }
0xcb: {  	[sflag:s17] =	ssyncset.done $0x0  }
0xcc: {  	[sflag:s17] =	ssyncadd.s32 $0xFFFFFF80  }
0xcd: {  	_ =	swait.ge [sflag:s17], $0x80  }
0xce: {  	[sflag:s17] =	ssyncset.done $0x0  }
0xcf: {  	[sflag:s17] =	ssyncadd.s32 $0xFFFFFF80  }
0xd0: {  	_ =	swait.ge [sflag:s17], $0x80  }
0xd1: {  	[sflag:s17] =	ssyncset.done $0x0  }
0xd2: {  	[sflag:s17] =	ssyncadd.s32 $0xFFFFFF80  }
0xd3: {  	_ =	swait.ge [sflag:s17], $0x80  }
0xd4: {  	[sflag:s17] =	ssyncset.done $0x0  }
0xd5: {  	[sflag:s17] =	ssyncadd.s32 $0xFFFFFF80  }
0xd6: {  	_ =	swait.ge [sflag:s17], $0x80  }
0xd7: {  	[sflag:s17] =	ssyncset.done $0x0  }
0xd8: {  	[sflag:s17] =	ssyncadd.s32 $0xFFFFFF80  }
0xd9: {  	_ =	swait.ge [sflag:s17], $0x80  }
0xda: {  	[sflag:s17] =	ssyncset.done $0x0  }
0xdb: {  	[sflag:s17] =	ssyncadd.s32 $0xFFFFFF80  }
0xdc: {  	_ =	swait.ge [sflag:s17], $0x80  }
0xdd: {  	[sflag:s17] =	ssyncset.done $0x0  }
0xde: {  	[sflag:s17] =	ssyncadd.s32 $0xFFFFFF80  }
0xdf: {  	_ =	swait.ge [sflag:s17], $0x80  }
0xe0: {  	[sflag:s17] =	ssyncset.done $0x0  }
0xe1: {  	[sflag:s17] =	ssyncadd.s32 $0xFFFFFF80  }
0xe2: {  	_ =	swait.ge [sflag:s17], $0x80  }
0xe3: {  	[sflag:s17] =	ssyncset.done $0x0  }
0xe4: {  	[sflag:s17] =	ssyncadd.s32 $0xFFFFFF80  }
0xe5: {  	_ =	swait.ge [sflag:s17], $0x80  }
0xe6: {  	[sflag:s17] =	ssyncset.done $0x0  }
0xe7: {  	[sflag:s17] =	ssyncadd.s32 $0xFFFFFF80  }
0xe8: {  	_ =	swait.ge [sflag:s17], $0x80  }
0xe9: {  	[sflag:s17] =	ssyncset.done $0x0  }
0xea: {  	[sflag:s17] =	ssyncadd.s32 $0xFFFFFF80  }
0xeb: {  	_ =	swait.ge [sflag:s17], $0x80  }
0xec: {  	[sflag:s17] =	ssyncset.done $0x0  }
0xed: {  	[sflag:s17] =	ssyncadd.s32 $0xFFFFFF80  }
0xee: {  	_ =	swait.ge [sflag:s17], $0x80  }
0xef: {  	[sflag:s17] =	ssyncset.done $0x0  }
0xf0: {  	[sflag:s17] =	ssyncadd.s32 $0xFFFFFF80  }
0xf1: {  	_ =	swait.ge [sflag:s17], $0x80  }
0xf2: {  	[sflag:s17] =	ssyncset.done $0x0  }
0xf3: {  	[sflag:s17] =	ssyncadd.s32 $0xFFFFFF80  }
0xf4: {  	_ =	swait.ge [sflag:s17], $0x80  }
0xf5: {  	[sflag:s17] =	ssyncset.done $0x0  }
0xf6: {  	[sflag:s17] =	ssyncadd.s32 $0xFFFFFF80  }
0xf7: {  	_ =	swait.ge [sflag:s17], $0x80  }
0xf8: {  	[sflag:s17] =	ssyncset.done $0x0  }
0xf9: {  	s21 =	simm.s32 @!p2 $0x0;
	[sflag:s17] =	ssyncadd.s32 $0xFFFFFF80  }
0xfa: {  	v6 =	vld @!p2 [tilespmem:s21+$0x800];
	_ =	sdelay $0x4  }
0xfb: {  	vm0 =	vgt.f32 @!p2 v6, $5.000000000e-01;
	v6 =	vimm.s32 @!p2 $0x0  }
0xfc: {  	v6 =	vsel @!p2 vm0, $0x1, v6  }
0xfd: {  	(xrf0) =	vadd.scan.msk.s32 @!p2 $0xffff, v6;
	_ =	sdelay $0x5  }
0xfe: {  	v6, _, _ =	vpop @!p2 (xrf0)  }
0xff: {  	(v2sf) =	vpush @!p2 v6, $0xF;
	_ =	sdelay $0x3  }
0x100: {  	v7 =	vmov @!p2 s22  }
0x101: {  	v7 =	vadd.s32 @!p2 $0xFFFFFFFF, v7  }
0x102: {  	v7 =	vbroadcast @!p2 v7, $0x0  }
0x103: {  	v8 =	vld @!p2 [tilespmem:s21+$0x0]  }
0x104: {  	v6 =	vadd.s32 @!p2 v6, v7  }
0x105: {  	vm1 =	vlt.s32 @!p2 v6, $0x80  }
0x106: {  	vm0 =	vmand @!p2 vm0, vm1;
	_ =	sdelay $0x1  }
0x107: {  	v7 =	vshrl.u32 @!p2 v8, $0x12  }
0x108: {  	v7 =	vmul.u32 @!p2 $0x1800000, v7  }
0x109: {  	v8 =	vand.u32 @!p2 $0x3FFFF, v8  }
0x10a: {  	s21 =	simm.s32 @!p2 $0x1000;
	v7 =	vor.u32 @!p2 v8, v7;
	s25 =	spop @!p2 (v2sf)  }
0x10b: {  	s23 =	simm.s32 $0x40;
	[tilespmem:v6+s21+$0x0] =	vst.idx.msk @!p2 vm0, v7;
	s21 =	sadd.s32 @!p2 s22, s25  }
.LBB2_8:
0x10c: {  	s25 =	smov.u32 s22;
	s22 =	smov.u32 s21  }
0x10d: {  	s21 =	smov.u32 s23;
	s23 =	sadd.s32 $0x40, s23;
	s22 =	smov.u32 @p2 s25  }
0x10e: {  	p3 =	sne.s32 s23, $0x2000;
	p2 =	sgt.s32 s22, $0x7F  }
0x10f: {  	s21 =	sshra.s32 @!p2 s21, $0x2;
	v6 =	vmov @!p2 s22  }
0x110: {  	v7 =	vld @!p2 [tilespmem:s21+$0x800];
	v6 =	vadd.s32 @!p2 $0xFFFFFFFF, v6  }
0x111: {  	v8 =	vld @!p2 [tilespmem:s21+$0x0];
	v6 =	vbroadcast @!p2 v6, $0x0;
	_ =	sdelay $0x3  }
0x112: {  	vm0 =	vgt.f32 @!p2 v7, $5.000000000e-01;
	v7 =	vimm.s32 @!p2 $0x0  }
0x113: {  	v7 =	vsel @!p2 vm0, $0x1, v7;
	v9 =	vshrl.u32 @!p2 v8, $0x12;
	v8 =	vand.u32 @!p2 $0x3FFFF, v8  }
0x114: {  	v9 =	vmul.u32 @!p2 $0x1800000, v9;
	(xrf0) =	vadd.scan.msk.s32 @!p2 $0xffff, v7;
	_ =	sdelay $0x1  }
0x115: {  	v7 =	vor.u32 @!p2 v8, v9;
	_ =	sdelay $0x3  }
0x116: {  	v8, _, _ =	vpop @!p2 (xrf0)  }
0x117: {  	v6 =	vadd.s32 @!p2 v8, v6;
	(v2sf) =	vpush @!p2 v8, $0xF  }
0x118: {  	vm1 =	vlt.s32 @!p2 v6, $0x80  }
0x119: {  	vm0 =	vmand @!p2 vm0, vm1;
	_ =	sdelay $0x4  }
0x11a: {  	s21 =	simm.s32 @!p2 $0x1000  }
0x11b: {  	[tilespmem:v6+s21+$0x0] =	vst.idx.msk @!p2 vm0, v7;
	_ =	sdelay $0x3  }
.Ltmp7:
0x11c: {  	(pc) =	sbr.rel @p3 .LBB2_8-.Ltmp7, $3  }
0x11d: {  	_ =	sdelay $0x1  }
0x11e: {  	s21 =	spop @!p2 (v2sf)  }
0x11f: {  	s21 =	sadd.s32 @!p2 s22, s21  }
.Ltmp8:
0x120: {  	(pc) =	sbr.rel .LBB2_10-.Ltmp8, $3  }
0x121: {  	_ =	sdelay $0x1  }
0x122: {  	s21 =	smov.u32 @p2 s22  }
0x123: {  	s22 =	smov.u32 s21  }
.LBB2_12:
0x124: {  	s22 =	simm.s32 $0x0;
	s21 =	rddreg [dreg:$0x6]  }
0x125: {  	[tilespmem:s22], [sflag:$0x2] =	stream.linear.gather [hbm4b:s21+s22], $0x800, $0x38;
	[tilespmem:$0x2428] =	vst v63  }
0x126: {  	_ =	swait.ge [sflag:s11], $0x800  }
0x127: {  	[sflag:s11] =	ssyncset.done $0x0  }
0x128: {  	s23 =	simm.s32 $0x800;
	[sflag:s11] =	ssyncadd.s32 $0xFFFFF800  }
0x129: {  	[tilespmem:s23], [sflag:$0x1] =	stream.indirect.gather [hbm4b:s2+s12], $0x1, s22, s12, $0xb8;
	[tilespmem:$0x2428] =	vst v63  }
0x12a: {  	s24 =	simm.s32 $0x880  }
0x12b: {  	[tilespmem:s24], [sflag:$0x1] =	stream.indirect.gather [hbm4b:s2+s12], $0x1, s12, s12, $0xb8;
	[tilespmem:$0x2428] =	vst v63  }
0x12c: {  	s25 =	simm.s32 $0x100;
	s23 =	simm.s32 $0x900  }
0x12d: {  	[tilespmem:s23], [sflag:$0x1] =	stream.indirect.gather [hbm4b:s2+s12], $0x1, s25, s12, $0xb8;
	[tilespmem:$0x2428] =	vst v63  }
0x12e: {  	s24 =	simm.s32 $0x180;
	s25 =	simm.s32 $0x980  }
0x12f: {  	[tilespmem:s25], [sflag:$0x1] =	stream.indirect.gather [hbm4b:s2+s12], $0x1, s24, s12, $0xb8;
	[tilespmem:$0x2428] =	vst v63  }
0x130: {  	s24 =	simm.s32 $0x200;
	s25 =	simm.s32 $0xA00  }
0x131: {  	[tilespmem:s25], [sflag:$0x1] =	stream.indirect.gather [hbm4b:s2+s12], $0x1, s24, s12, $0xb8;
	[tilespmem:$0x2428] =	vst v63  }
0x132: {  	s24 =	simm.s32 $0x280;
	s25 =	simm.s32 $0xA80  }
0x133: {  	[tilespmem:s25], [sflag:$0x1] =	stream.indirect.gather [hbm4b:s2+s12], $0x1, s24, s12, $0xb8;
	[tilespmem:$0x2428] =	vst v63  }
0x134: {  	s23 =	simm.s32 $0x300;
	s24 =	simm.s32 $0xB00  }
0x135: {  	[tilespmem:s24], [sflag:$0x1] =	stream.indirect.gather [hbm4b:s2+s12], $0x1, s23, s12, $0xb8;
	[tilespmem:$0x2428] =	vst v63  }
0x136: {  	s25 =	simm.s32 $0x380  }
0x137: {  	[tilespmem:s26], [sflag:$0x1] =	stream.indirect.gather [hbm4b:s2+s12], $0x1, s25, s12, $0xb8;
	[tilespmem:$0x2428] =	vst v63  }
0x138: {  	_ = 	snop  }
0x139: {  	[tilespmem:s29], [sflag:$0x1] =	stream.indirect.gather [hbm4b:s2+s12], $0x1, s28, s12, $0xb8;
	[tilespmem:$0x2428] =	vst v63  }
0x13a: {  	_ = 	snop  }
0x13b: {  	[tilespmem:s31], [sflag:$0x1] =	stream.indirect.gather [hbm4b:s2+s12], $0x1, s30, s12, $0xb8;
	[tilespmem:$0x2428] =	vst v63  }
0x13c: {  	_ = 	snop  }
0x13d: {  	[tilespmem:s7], [sflag:$0x1] =	stream.indirect.gather [hbm4b:s2+s12], $0x1, s0, s12, $0xb8;
	[tilespmem:$0x2428] =	vst v63  }
0x13e: {  	_ = 	snop  }
0x13f: {  	[tilespmem:s3], [sflag:$0x1] =	stream.indirect.gather [hbm4b:s2+s12], $0x1, s4, s12, $0xb8;
	[tilespmem:$0x2428] =	vst v63  }
0x140: {  	_ = 	snop  }
0x141: {  	[tilespmem:s9], [sflag:$0x1] =	stream.indirect.gather [hbm4b:s2+s12], $0x1, s8, s12, $0xb8;
	[tilespmem:$0x2428] =	vst v63  }
0x142: {  	_ = 	snop  }
0x143: {  	[tilespmem:s6], [sflag:$0x1] =	stream.indirect.gather [hbm4b:s2+s12], $0x1, s5, s12, $0xb8;
	[tilespmem:$0x2428] =	vst v63  }
0x144: {  	_ = 	snop  }
0x145: {  	[tilespmem:s14], [sflag:$0x1] =	stream.indirect.gather [hbm4b:s2+s12], $0x1, s13, s12, $0xb8;
	[tilespmem:$0x2428] =	vst v63  }
0x146: {  	_ = 	snop  }
0x147: {  	[tilespmem:s16], [sflag:$0x1] =	stream.indirect.gather [hbm4b:s2+s12], $0x1, s15, s12, $0xb8;
	[tilespmem:$0x2428] =	vst v63  }
0x148: {  	_ =	swait.ge [sflag:s17], $0x80  }
0x149: {  	[sflag:s17] =	ssyncset.done $0x0  }
0x14a: {  	[sflag:s17] =	ssyncadd.s32 $0xFFFFFF80  }
0x14b: {  	_ =	swait.ge [sflag:s17], $0x80  }
0x14c: {  	[sflag:s17] =	ssyncset.done $0x0  }
0x14d: {  	[sflag:s17] =	ssyncadd.s32 $0xFFFFFF80  }
0x14e: {  	_ =	swait.ge [sflag:s17], $0x80  }
0x14f: {  	[sflag:s17] =	ssyncset.done $0x0  }
0x150: {  	[sflag:s17] =	ssyncadd.s32 $0xFFFFFF80  }
0x151: {  	_ =	swait.ge [sflag:s17], $0x80  }
0x152: {  	[sflag:s17] =	ssyncset.done $0x0  }
0x153: {  	[sflag:s17] =	ssyncadd.s32 $0xFFFFFF80  }
0x154: {  	_ =	swait.ge [sflag:s17], $0x80  }
0x155: {  	[sflag:s17] =	ssyncset.done $0x0  }
0x156: {  	[sflag:s17] =	ssyncadd.s32 $0xFFFFFF80  }
0x157: {  	_ =	swait.ge [sflag:s17], $0x80  }
0x158: {  	[sflag:s17] =	ssyncset.done $0x0  }
0x159: {  	[sflag:s17] =	ssyncadd.s32 $0xFFFFFF80  }
0x15a: {  	_ =	swait.ge [sflag:s17], $0x80  }
0x15b: {  	[sflag:s17] =	ssyncset.done $0x0  }
0x15c: {  	[sflag:s17] =	ssyncadd.s32 $0xFFFFFF80  }
0x15d: {  	_ =	swait.ge [sflag:s17], $0x80  }
0x15e: {  	[sflag:s17] =	ssyncset.done $0x0  }
0x15f: {  	[sflag:s17] =	ssyncadd.s32 $0xFFFFFF80  }
0x160: {  	_ =	swait.ge [sflag:s17], $0x80  }
0x161: {  	[sflag:s17] =	ssyncset.done $0x0  }
0x162: {  	[sflag:s17] =	ssyncadd.s32 $0xFFFFFF80  }
0x163: {  	_ =	swait.ge [sflag:s17], $0x80  }
0x164: {  	[sflag:s17] =	ssyncset.done $0x0  }
0x165: {  	[sflag:s17] =	ssyncadd.s32 $0xFFFFFF80  }
0x166: {  	_ =	swait.ge [sflag:s17], $0x80  }
0x167: {  	[sflag:s17] =	ssyncset.done $0x0  }
0x168: {  	[sflag:s17] =	ssyncadd.s32 $0xFFFFFF80  }
0x169: {  	_ =	swait.ge [sflag:s17], $0x80  }
0x16a: {  	[sflag:s17] =	ssyncset.done $0x0  }
0x16b: {  	[sflag:s17] =	ssyncadd.s32 $0xFFFFFF80  }
0x16c: {  	_ =	swait.ge [sflag:s17], $0x80  }
0x16d: {  	[sflag:s17] =	ssyncset.done $0x0  }
0x16e: {  	[sflag:s17] =	ssyncadd.s32 $0xFFFFFF80  }
0x16f: {  	_ =	swait.ge [sflag:s17], $0x80  }
0x170: {  	[sflag:s17] =	ssyncset.done $0x0  }
0x171: {  	[sflag:s17] =	ssyncadd.s32 $0xFFFFFF80  }
0x172: {  	_ =	swait.ge [sflag:s17], $0x80  }
0x173: {  	[sflag:s17] =	ssyncset.done $0x0  }
0x174: {  	[sflag:s17] =	ssyncadd.s32 $0xFFFFFF80  }
0x175: {  	_ =	swait.ge [sflag:s17], $0x80  }
0x176: {  	p2 =	por $0x0, $0x0;
	[sflag:s17] =	ssyncset.done $0x0  }
0x177: {  	s21 =	simm.s32 @!p2 $0x0;
	[sflag:s17] =	ssyncadd.s32 $0xFFFFFF80  }
0x178: {  	v6 =	vld @!p2 [tilespmem:s21+$0x800];
	_ =	sdelay $0x4  }
0x179: {  	vm0 =	vle.f32 @!p2 v6, $5.000000000e-01;
	v6 =	vimm.s32 @!p2 $0x0  }
0x17a: {  	v6 =	vsel @!p2 vm0, $0x1, v6  }
0x17b: {  	(xrf0) =	vadd.scan.msk.s32 @!p2 $0xffff, v6;
	_ =	sdelay $0x5  }
0x17c: {  	v6, _, _ =	vpop @!p2 (xrf0)  }
0x17d: {  	(v2sf) =	vpush @!p2 v6, $0xF;
	_ =	sdelay $0x6  }
0x17e: {  	v7 =	vld @!p2 [tilespmem:s21+$0x0];
	v6 =	vadd.s32 @!p2 s22, v6  }
0x17f: {  	v8 =	vadd.s32 @!p2 $0xFFFFFFFF, v6  }
0x180: {  	vm1 =	vlt.s32 @!p2 v8, $0x200  }
0x181: {  	vm0 =	vmand @!p2 vm0, vm1  }
0x182: {  	v6 =	vadd.s32 @!p2 $0x7F, v6  }
0x183: {  	v8 =	vshrl.u32 @!p2 v7, $0x12  }
0x184: {  	v8 =	vmul.u32 @!p2 $0x1800000, v8  }
0x185: {  	v7 =	vand.u32 @!p2 $0x3FFFF, v7  }
0x186: {  	s21 =	simm.s32 @!p2 $0x1000;
	v7 =	vor.u32 @!p2 v7, v8;
	s24 =	spop @!p2 (v2sf)  }
0x187: {  	s23 =	simm.s32 $0x40;
	[tilespmem:v6+s21+$0x0] =	vst.idx.msk @!p2 vm0, v7;
	s21 =	sadd.s32 @!p2 $0x0, s24  }
.LBB2_13:
0x188: {  	s24 =	smov.u32 s22;
	s22 =	smov.u32 s21  }
0x189: {  	s21 =	smov.u32 s23;
	s23 =	sadd.s32 $0x40, s23;
	s22 =	smov.u32 @p2 s24  }
0x18a: {  	p3 =	sne.s32 s23, $0x2000;
	p2 =	sgt.s32 s22, $0x1FF  }
0x18b: {  	s21 =	sshra.s32 @!p2 s21, $0x2  }
0x18c: {  	v6 =	vld @!p2 [tilespmem:s21+$0x800]  }
0x18d: {  	v7 =	vld @!p2 [tilespmem:s21+$0x0];
	_ =	sdelay $0x3  }
0x18e: {  	vm0 =	vle.f32 @!p2 v6, $5.000000000e-01;
	v6 =	vimm.s32 @!p2 $0x0  }
0x18f: {  	v6 =	vsel @!p2 vm0, $0x1, v6;
	v8 =	vshrl.u32 @!p2 v7, $0x12;
	v7 =	vand.u32 @!p2 $0x3FFFF, v7  }
0x190: {  	v8 =	vmul.u32 @!p2 $0x1800000, v8;
	(xrf0) =	vadd.scan.msk.s32 @!p2 $0xffff, v6;
	_ =	sdelay $0x1  }
0x191: {  	v6 =	vor.u32 @!p2 v7, v8;
	_ =	sdelay $0x3  }
0x192: {  	v7, _, _ =	vpop @!p2 (xrf0)  }
0x193: {  	v8 =	vadd.s32 @!p2 s22, v7;
	(v2sf) =	vpush @!p2 v7, $0xF  }
0x194: {  	v7 =	vadd.s32 @!p2 $0xFFFFFFFF, v8;
	v8 =	vadd.s32 @!p2 $0x7F, v8  }
0x195: {  	vm1 =	vlt.s32 @!p2 v7, $0x200  }
0x196: {  	vm0 =	vmand @!p2 vm0, vm1;
	_ =	sdelay $0x4  }
0x197: {  	s21 =	simm.s32 @!p2 $0x1000  }
0x198: {  	[tilespmem:v8+s21+$0x0] =	vst.idx.msk @!p2 vm0, v6;
	_ =	sdelay $0x2  }
.Ltmp9:
0x199: {  	(pc) =	sbr.rel @p3 .LBB2_13-.Ltmp9, $3  }
0x19a: {  	_ =	sdelay $0x1  }
0x19b: {  	s21 =	spop @!p2 (v2sf)  }
0x19c: {  	s21 =	sadd.s32 @!p2 s22, s21  }
0x19d: {  	s21 =	smov.u32 @p2 s22  }
0x19e: {  	p2 =	sgt.s32 s21, $0x1FF  }
.Ltmp10:
0x19f: {  	_ = 	snop;
	(pc) =	sbr.rel @!p2 .LBB2_15-.Ltmp10, $2  }
0x1a0: {  	_ =	sdelay $0x2  }
0x1a1: {  	s22 =	simm.s32 $0x1  }
.LBB2_20:
0x1a2: {  	s21 =	rddreg [dreg:$0x7];
	s22 =	simm.s32 $0x1080  }
0x1a3: {  	[spmem:s21] =	stream.linear.scatter [tilespmem:s22], [sflag:$0x2], $0x200, $0x38;
	[tilespmem:$0x2428] =	vst v63  }
0x1a4: {  	_ =	swait.ge [sflag:s11], $0x200  }
0x1a5: {  	[sflag:s11] =	ssyncset.done $0x0  }
0x1a6: {  	[sflag:s11] =	ssyncadd.s32 $0xFFFFFE00  }
.LBB2_21:
0x1a7: {  	s21 =	sadd.s32 $0x0, s10;
	[bflag:$0x0] =	sbarrier.arrive $0xFFFF  }
0x1a8: {  	v6 =	vmov s21;
	s25 =	rddreg [dreg:$0x3]  }
0x1a9: {  	[tilespmem:s18], [sflag:$0x2] =	stream.linear.gather [spmem:s25], $0x280, $0x38;
	[tilespmem:$0x2428] =	vst v63  }
0x1aa: {  	_ =	swait.ge [sflag:s11], $0x280  }
0x1ab: {  	[sflag:s11] =	ssyncset.done $0x0  }
0x1ac: {  	[sflag:s11] =	ssyncadd.s32 $0xFFFFFD80  }
0x1ad: {  	v8 =	vld.idx.msk [tilespmem:v6+s18+$0x0], $0xffff;
	_ =	sdelay $0x4  }
0x1ae: {  	s21 =	simm.s32 $0x12B0;
	v9 =	vadd.s32 v0, v8;
	v7 =	vadd.s32 v1, v8;
	v6 =	vadd.s32 v2, v8  }
0x1af: {  	s23 =	sadd.s32 $0x1, s10;
	s22 =	simm.s32 $0x2;
	v10 =	vadd.s32 v3, v8;
	[tilespmem:s21+$0xFFFFFFD0] =	vst v9;
	v9 =	vadd.s32 v4, v8;
	v8 =	vadd.s32 v5, v8  }
.LBB2_22:
0x1b0: {  	p2 =	sne.s32 s22, $0x13;
	v11 =	vmov s23;
	[tilespmem:s21+$0xFFFFFFE0] =	vst v7  }
0x1b1: {  	[tilespmem:s21+$0xFFFFFFF0] =	vst v6  }
0x1b2: {  	[tilespmem:s21+$0x0] =	vst v10  }
0x1b3: {  	[tilespmem:s21+$0x10] =	vst v9  }
0x1b4: {  	[tilespmem:s21+$0x20] =	vst v8  }
0x1b5: {  	v8 =	vld.idx.msk [tilespmem:v11+s18+$0x0], $0xffff;
	_ =	sdelay $0x2  }
.Ltmp11:
0x1b6: {  	(pc) =	sbr.rel @p2 .LBB2_22-.Ltmp11, $3  }
0x1b7: {  	_ =	sdelay $0x1  }
0x1b8: {  	s21 =	sadd.s32 $0x60, s21;
	v9 =	vadd.s32 v0, v8;
	v7 =	vadd.s32 v1, v8;
	v6 =	vadd.s32 v2, v8  }
0x1b9: {  	s23 =	sadd.s32 s22, s10;
	s22 =	sadd.s32 $0x1, s22;
	v10 =	vadd.s32 v3, v8;
	[tilespmem:s21+$0xFFFFFFD0] =	vst v9;
	v9 =	vadd.s32 v4, v8;
	v8 =	vadd.s32 v5, v8  }
0x1ba: {  	v11 =	vmov s23;
	[tilespmem:s21+$0xFFFFFFE0] =	vst v7  }
0x1bb: {  	[tilespmem:s21+$0xFFFFFFF0] =	vst v6  }
0x1bc: {  	[tilespmem:s21+$0x0] =	vst v10  }
0x1bd: {  	[tilespmem:s21+$0x10] =	vst v9  }
0x1be: {  	[tilespmem:s21+$0x20] =	vst v8  }
0x1bf: {  	v6 =	vld.idx.msk [tilespmem:v11+s18+$0x0], $0xffff;
	_ =	sdelay $0x4  }
0x1c0: {  	s23 =	sadd.s32 $0x60, s21;
	v7 =	vadd.s32 v0, v6  }
0x1c1: {  	v62 =	vadd.s32 v1, v6;
	[tilespmem:s23+$0xFFFFFFD0] =	vst v7  }
0x1c2: {  	v63 =	vadd.s32 v3, v6;
	[tilespmem:s23+$0xFFFFFFE0] =	vst v62  }
0x1c3: {  	v7 =	vadd.s32 v2, v6;
	[tilespmem:s23+$0x0] =	vst v63  }
0x1c4: {  	[tilespmem:s23+$0xFFFFFFF0] =	vst v7;
	v7 =	vadd.s32 v4, v6  }
0x1c5: {  	v6 =	vadd.s32 v5, v6;
	[tilespmem:s23+$0x10] =	vst v7  }
0x1c6: {  	s24 =	simm.s32 $0x1280;
	[tilespmem:s23+$0x20] =	vst v6;
	s23 =	simm.s32 $0x1A00  }
0x1c7: {  	[tilespmem:s23], [sflag:$0x1] =	stream.indirect.gather [hbm4b:s1+s19], $0x1, s24, s19, $0xb8;
	[tilespmem:$0x2428] =	vst v63  }
0x1c8: {  	s25 =	simm.s32 $0x12E0;
	s22 =	simm.s32 $0x1A80  }
0x1c9: {  	[tilespmem:s22], [sflag:$0x1] =	stream.indirect.gather [hbm4b:s1+s19], $0x1, s25, s19, $0xb8;
	[tilespmem:$0x2428] =	vst v63  }
0x1ca: {  	s24 =	simm.s32 $0x1340;
	s25 =	simm.s32 $0x1B00  }
0x1cb: {  	[tilespmem:s25], [sflag:$0x1] =	stream.indirect.gather [hbm4b:s1+s19], $0x1, s24, s19, $0xb8;
	[tilespmem:$0x2428] =	vst v63  }
0x1cc: {  	s24 =	simm.s32 $0x13A0;
	s25 =	simm.s32 $0x1B80  }
0x1cd: {  	[tilespmem:s25], [sflag:$0x1] =	stream.indirect.gather [hbm4b:s1+s19], $0x1, s24, s19, $0xb8;
	[tilespmem:$0x2428] =	vst v63  }
0x1ce: {  	s24 =	simm.s32 $0x1400;
	s25 =	simm.s32 $0x1C00  }
0x1cf: {  	[tilespmem:s25], [sflag:$0x1] =	stream.indirect.gather [hbm4b:s1+s19], $0x1, s24, s19, $0xb8;
	[tilespmem:$0x2428] =	vst v63  }
0x1d0: {  	s24 =	simm.s32 $0x1460;
	s25 =	simm.s32 $0x1C80  }
0x1d1: {  	[tilespmem:s25], [sflag:$0x1] =	stream.indirect.gather [hbm4b:s1+s19], $0x1, s24, s19, $0xb8;
	[tilespmem:$0x2428] =	vst v63  }
0x1d2: {  	s24 =	simm.s32 $0x14C0;
	s25 =	simm.s32 $0x1D00  }
0x1d3: {  	[tilespmem:s25], [sflag:$0x1] =	stream.indirect.gather [hbm4b:s1+s19], $0x1, s24, s19, $0xb8;
	[tilespmem:$0x2428] =	vst v63  }
0x1d4: {  	s24 =	simm.s32 $0x1520;
	s25 =	simm.s32 $0x1D80  }
0x1d5: {  	[tilespmem:s25], [sflag:$0x1] =	stream.indirect.gather [hbm4b:s1+s19], $0x1, s24, s19, $0xb8;
	[tilespmem:$0x2428] =	vst v63  }
0x1d6: {  	s24 =	simm.s32 $0x1580;
	s25 =	simm.s32 $0x1E00  }
0x1d7: {  	[tilespmem:s25], [sflag:$0x1] =	stream.indirect.gather [hbm4b:s1+s19], $0x1, s24, s19, $0xb8;
	[tilespmem:$0x2428] =	vst v63  }
0x1d8: {  	s24 =	simm.s32 $0x15E0;
	s25 =	simm.s32 $0x1E80  }
0x1d9: {  	[tilespmem:s25], [sflag:$0x1] =	stream.indirect.gather [hbm4b:s1+s19], $0x1, s24, s19, $0xb8;
	[tilespmem:$0x2428] =	vst v63  }
0x1da: {  	s24 =	simm.s32 $0x1640;
	s25 =	simm.s32 $0x1F00  }
0x1db: {  	[tilespmem:s25], [sflag:$0x1] =	stream.indirect.gather [hbm4b:s1+s19], $0x1, s24, s19, $0xb8;
	[tilespmem:$0x2428] =	vst v63  }
0x1dc: {  	s24 =	simm.s32 $0x16A0;
	s25 =	simm.s32 $0x1F80  }
0x1dd: {  	[tilespmem:s25], [sflag:$0x1] =	stream.indirect.gather [hbm4b:s1+s19], $0x1, s24, s19, $0xb8;
	[tilespmem:$0x2428] =	vst v63  }
0x1de: {  	s24 =	simm.s32 $0x1700;
	s25 =	simm.s32 $0x2000  }
0x1df: {  	[tilespmem:s25], [sflag:$0x1] =	stream.indirect.gather [hbm4b:s1+s19], $0x1, s24, s19, $0xb8;
	[tilespmem:$0x2428] =	vst v63  }
0x1e0: {  	s24 =	simm.s32 $0x1760;
	s25 =	simm.s32 $0x2080  }
0x1e1: {  	[tilespmem:s25], [sflag:$0x1] =	stream.indirect.gather [hbm4b:s1+s19], $0x1, s24, s19, $0xb8;
	[tilespmem:$0x2428] =	vst v63  }
0x1e2: {  	s24 =	simm.s32 $0x17C0;
	s25 =	simm.s32 $0x2100  }
0x1e3: {  	[tilespmem:s25], [sflag:$0x1] =	stream.indirect.gather [hbm4b:s1+s19], $0x1, s24, s19, $0xb8;
	[tilespmem:$0x2428] =	vst v63  }
0x1e4: {  	s24 =	simm.s32 $0x1820;
	s25 =	simm.s32 $0x2180  }
0x1e5: {  	[tilespmem:s25], [sflag:$0x1] =	stream.indirect.gather [hbm4b:s1+s19], $0x1, s24, s19, $0xb8;
	[tilespmem:$0x2428] =	vst v63  }
0x1e6: {  	s24 =	simm.s32 $0x1880;
	s25 =	simm.s32 $0x2200  }
0x1e7: {  	[tilespmem:s25], [sflag:$0x1] =	stream.indirect.gather [hbm4b:s1+s19], $0x1, s24, s19, $0xb8;
	[tilespmem:$0x2428] =	vst v63  }
0x1e8: {  	s24 =	simm.s32 $0x18E0;
	s25 =	simm.s32 $0x2280  }
0x1e9: {  	[tilespmem:s25], [sflag:$0x1] =	stream.indirect.gather [hbm4b:s1+s19], $0x1, s24, s19, $0xb8;
	[tilespmem:$0x2428] =	vst v63  }
0x1ea: {  	s24 =	simm.s32 $0x1940;
	s25 =	simm.s32 $0x2300  }
0x1eb: {  	[tilespmem:s25], [sflag:$0x1] =	stream.indirect.gather [hbm4b:s1+s19], $0x1, s24, s19, $0xb8;
	[tilespmem:$0x2428] =	vst v63  }
0x1ec: {  	s24 =	simm.s32 $0x19A0;
	s25 =	simm.s32 $0x2380  }
0x1ed: {  	[tilespmem:s25], [sflag:$0x1] =	stream.indirect.gather [hbm4b:s1+s19], $0x1, s24, s19, $0xb8;
	[tilespmem:$0x2428] =	vst v63  }
0x1ee: {  	_ =	swait.ge [sflag:s17], $0x60  }
0x1ef: {  	[sflag:s17] =	ssyncset.done $0x0  }
0x1f0: {  	[sflag:s17] =	ssyncadd.s32 $0xFFFFFFA0  }
0x1f1: {  	_ =	swait.ge [sflag:s17], $0x60  }
0x1f2: {  	[sflag:s17] =	ssyncset.done $0x0  }
0x1f3: {  	[sflag:s17] =	ssyncadd.s32 $0xFFFFFFA0  }
0x1f4: {  	_ =	swait.ge [sflag:s17], $0x60  }
0x1f5: {  	[sflag:s17] =	ssyncset.done $0x0  }
0x1f6: {  	[sflag:s17] =	ssyncadd.s32 $0xFFFFFFA0  }
0x1f7: {  	_ =	swait.ge [sflag:s17], $0x60  }
0x1f8: {  	[sflag:s17] =	ssyncset.done $0x0  }
0x1f9: {  	[sflag:s17] =	ssyncadd.s32 $0xFFFFFFA0  }
0x1fa: {  	_ =	swait.ge [sflag:s17], $0x60  }
0x1fb: {  	[sflag:s17] =	ssyncset.done $0x0  }
0x1fc: {  	[sflag:s17] =	ssyncadd.s32 $0xFFFFFFA0  }
0x1fd: {  	_ =	swait.ge [sflag:s17], $0x60  }
0x1fe: {  	[sflag:s17] =	ssyncset.done $0x0  }
0x1ff: {  	[sflag:s17] =	ssyncadd.s32 $0xFFFFFFA0  }
0x200: {  	_ =	swait.ge [sflag:s17], $0x60  }
0x201: {  	[sflag:s17] =	ssyncset.done $0x0  }
0x202: {  	[sflag:s17] =	ssyncadd.s32 $0xFFFFFFA0  }
0x203: {  	_ =	swait.ge [sflag:s17], $0x60  }
0x204: {  	[sflag:s17] =	ssyncset.done $0x0  }
0x205: {  	[sflag:s17] =	ssyncadd.s32 $0xFFFFFFA0  }
0x206: {  	_ =	swait.ge [sflag:s17], $0x60  }
0x207: {  	[sflag:s17] =	ssyncset.done $0x0  }
0x208: {  	[sflag:s17] =	ssyncadd.s32 $0xFFFFFFA0  }
0x209: {  	_ =	swait.ge [sflag:s17], $0x60  }
0x20a: {  	[sflag:s17] =	ssyncset.done $0x0  }
0x20b: {  	[sflag:s17] =	ssyncadd.s32 $0xFFFFFFA0  }
0x20c: {  	_ =	swait.ge [sflag:s17], $0x60  }
0x20d: {  	[sflag:s17] =	ssyncset.done $0x0  }
0x20e: {  	[sflag:s17] =	ssyncadd.s32 $0xFFFFFFA0  }
0x20f: {  	_ =	swait.ge [sflag:s17], $0x60  }
0x210: {  	[sflag:s17] =	ssyncset.done $0x0  }
0x211: {  	[sflag:s17] =	ssyncadd.s32 $0xFFFFFFA0  }
0x212: {  	_ =	swait.ge [sflag:s17], $0x60  }
0x213: {  	[sflag:s17] =	ssyncset.done $0x0  }
0x214: {  	[sflag:s17] =	ssyncadd.s32 $0xFFFFFFA0  }
0x215: {  	_ =	swait.ge [sflag:s17], $0x60  }
0x216: {  	[sflag:s17] =	ssyncset.done $0x0  }
0x217: {  	[sflag:s17] =	ssyncadd.s32 $0xFFFFFFA0  }
0x218: {  	_ =	swait.ge [sflag:s17], $0x60  }
0x219: {  	[sflag:s17] =	ssyncset.done $0x0  }
0x21a: {  	[sflag:s17] =	ssyncadd.s32 $0xFFFFFFA0  }
0x21b: {  	_ =	swait.ge [sflag:s17], $0x60  }
0x21c: {  	[sflag:s17] =	ssyncset.done $0x0  }
0x21d: {  	[sflag:s17] =	ssyncadd.s32 $0xFFFFFFA0  }
0x21e: {  	_ =	swait.ge [sflag:s17], $0x60  }
0x21f: {  	[sflag:s17] =	ssyncset.done $0x0  }
0x220: {  	[sflag:s17] =	ssyncadd.s32 $0xFFFFFFA0  }
0x221: {  	_ =	swait.ge [sflag:s17], $0x60  }
0x222: {  	[sflag:s17] =	ssyncset.done $0x0  }
0x223: {  	[sflag:s17] =	ssyncadd.s32 $0xFFFFFFA0  }
0x224: {  	_ =	swait.ge [sflag:s17], $0x60  }
0x225: {  	[sflag:s17] =	ssyncset.done $0x0  }
0x226: {  	[sflag:s17] =	ssyncadd.s32 $0xFFFFFFA0  }
0x227: {  	_ =	swait.ge [sflag:s17], $0x60  }
0x228: {  	[sflag:s17] =	ssyncset.done $0x0  }
0x229: {  	s22 =	simm.s32 $0x0;
	s24 =	rddreg [dreg:$0x8];
	[sflag:s17] =	ssyncadd.s32 $0xFFFFFFA0  }
0x22a: {  	[hbm4b:s24+s22] =	stream.linear.scatter [tilespmem:s23], [sflag:$0x2], $0xA00, $0x38;
	[tilespmem:$0x2428] =	vst v63  }
0x22b: {  	_ =	swait.ge [sflag:s11], $0xA00  }
0x22c: {  	s20 =	sadd.s32 $0x1, s20;
	s25 =	rddreg [dreg:$0x9]  }
0x22d: {  	p2 =	sne.s32 s20, s25  }
.Ltmp12:
0x22e: {  	_ = 	snop;
	(pc) =	sbr.rel @p2 .LBB2_1-.Ltmp12, $4  }
.Ltmp13:
0x22f: {  	_ = 	snop;
	(pc) =	sbr.rel @!p2 .LBB2_24-.Ltmp13, $4  }
0x230: {  	_ = 	snop  }
0x231: {  	[sflag:s11] =	ssyncset.done $0x0  }
0x232: {  	[sflag:s11] =	ssyncadd.s32 $0xFFFFF600  }
0x233: {  	_ = 	snop  }
.LBB2_19:
0x234: {  	s22 =	sadd.s32 $0x1, s22  }
0x235: {  	p2 =	sne.s32 s22, $0x200  }
.Ltmp14:
0x236: {  	_ = 	snop;
	(pc) =	sbr.rel @!p2 .LBB2_20-.Ltmp14, $1  }
0x237: {  	_ =	sdelay $0x3  }
.LBB2_15:
0x238: {  	p2 =	sgt.s32 s21, $0x1FF  }
.Ltmp15:
0x239: {  	_ = 	snop;
	(pc) =	sbr.rel @p2 .LBB2_19-.Ltmp15, $1  }
0x23a: {  	_ =	sdelay $0x3  }
0x23b: {  	s23 =	sshll.u32 s22, $0x8;
	s24 =	rddreg [dreg:$0x6]  }
0x23c: {  	s23 =	sadd.s32 s24, s23;
	s24 =	simm.s32 $0x0  }
0x23d: {  	[tilespmem:s24], [sflag:$0x2] =	stream.linear.gather [hbm4b:s23+s24], $0x800, $0x38;
	[tilespmem:$0x2428] =	vst v63  }
0x23e: {  	_ =	swait.ge [sflag:s11], $0x800  }
0x23f: {  	[sflag:s11] =	ssyncset.done $0x0  }
0x240: {  	s25 =	simm.s32 $0x800;
	[sflag:s11] =	ssyncadd.s32 $0xFFFFF800  }
0x241: {  	[tilespmem:s25], [sflag:$0x1] =	stream.indirect.gather [hbm4b:s2+s12], $0x1, s24, s12, $0xb8;
	[tilespmem:$0x2428] =	vst v63  }
0x242: {  	s25 =	simm.s32 $0x880  }
0x243: {  	[tilespmem:s25], [sflag:$0x1] =	stream.indirect.gather [hbm4b:s2+s12], $0x1, s12, s12, $0xb8;
	[tilespmem:$0x2428] =	vst v63  }
0x244: {  	s24 =	simm.s32 $0x100;
	s25 =	simm.s32 $0x900  }
0x245: {  	[tilespmem:s25], [sflag:$0x1] =	stream.indirect.gather [hbm4b:s2+s12], $0x1, s24, s12, $0xb8;
	[tilespmem:$0x2428] =	vst v63  }
0x246: {  	s24 =	simm.s32 $0x180;
	s25 =	simm.s32 $0x980  }
0x247: {  	[tilespmem:s25], [sflag:$0x1] =	stream.indirect.gather [hbm4b:s2+s12], $0x1, s24, s12, $0xb8;
	[tilespmem:$0x2428] =	vst v63  }
0x248: {  	s24 =	simm.s32 $0x200;
	s25 =	simm.s32 $0xA00  }
0x249: {  	[tilespmem:s25], [sflag:$0x1] =	stream.indirect.gather [hbm4b:s2+s12], $0x1, s24, s12, $0xb8;
	[tilespmem:$0x2428] =	vst v63  }
0x24a: {  	s24 =	simm.s32 $0x280;
	s25 =	simm.s32 $0xA80  }
0x24b: {  	[tilespmem:s25], [sflag:$0x1] =	stream.indirect.gather [hbm4b:s2+s12], $0x1, s24, s12, $0xb8;
	[tilespmem:$0x2428] =	vst v63  }
0x24c: {  	s24 =	simm.s32 $0x300;
	s25 =	simm.s32 $0xB00  }
0x24d: {  	[tilespmem:s25], [sflag:$0x1] =	stream.indirect.gather [hbm4b:s2+s12], $0x1, s24, s12, $0xb8;
	[tilespmem:$0x2428] =	vst v63  }
0x24e: {  	s25 =	simm.s32 $0x380  }
0x24f: {  	[tilespmem:s26], [sflag:$0x1] =	stream.indirect.gather [hbm4b:s2+s12], $0x1, s25, s12, $0xb8;
	[tilespmem:$0x2428] =	vst v63  }
0x250: {  	_ = 	snop  }
0x251: {  	[tilespmem:s29], [sflag:$0x1] =	stream.indirect.gather [hbm4b:s2+s12], $0x1, s28, s12, $0xb8;
	[tilespmem:$0x2428] =	vst v63  }
0x252: {  	_ = 	snop  }
0x253: {  	[tilespmem:s31], [sflag:$0x1] =	stream.indirect.gather [hbm4b:s2+s12], $0x1, s30, s12, $0xb8;
	[tilespmem:$0x2428] =	vst v63  }
0x254: {  	_ = 	snop  }
0x255: {  	[tilespmem:s7], [sflag:$0x1] =	stream.indirect.gather [hbm4b:s2+s12], $0x1, s0, s12, $0xb8;
	[tilespmem:$0x2428] =	vst v63  }
0x256: {  	_ = 	snop  }
0x257: {  	[tilespmem:s3], [sflag:$0x1] =	stream.indirect.gather [hbm4b:s2+s12], $0x1, s4, s12, $0xb8;
	[tilespmem:$0x2428] =	vst v63  }
0x258: {  	_ = 	snop  }
0x259: {  	[tilespmem:s9], [sflag:$0x1] =	stream.indirect.gather [hbm4b:s2+s12], $0x1, s8, s12, $0xb8;
	[tilespmem:$0x2428] =	vst v63  }
0x25a: {  	_ = 	snop  }
0x25b: {  	[tilespmem:s6], [sflag:$0x1] =	stream.indirect.gather [hbm4b:s2+s12], $0x1, s5, s12, $0xb8;
	[tilespmem:$0x2428] =	vst v63  }
0x25c: {  	_ = 	snop  }
0x25d: {  	[tilespmem:s14], [sflag:$0x1] =	stream.indirect.gather [hbm4b:s2+s12], $0x1, s13, s12, $0xb8;
	[tilespmem:$0x2428] =	vst v63  }
0x25e: {  	_ = 	snop  }
0x25f: {  	[tilespmem:s16], [sflag:$0x1] =	stream.indirect.gather [hbm4b:s2+s12], $0x1, s15, s12, $0xb8;
	[tilespmem:$0x2428] =	vst v63  }
0x260: {  	_ =	swait.ge [sflag:s17], $0x80  }
0x261: {  	[sflag:s17] =	ssyncset.done $0x0  }
0x262: {  	[sflag:s17] =	ssyncadd.s32 $0xFFFFFF80  }
0x263: {  	_ =	swait.ge [sflag:s17], $0x80  }
0x264: {  	[sflag:s17] =	ssyncset.done $0x0  }
0x265: {  	[sflag:s17] =	ssyncadd.s32 $0xFFFFFF80  }
0x266: {  	_ =	swait.ge [sflag:s17], $0x80  }
0x267: {  	[sflag:s17] =	ssyncset.done $0x0  }
0x268: {  	[sflag:s17] =	ssyncadd.s32 $0xFFFFFF80  }
0x269: {  	_ =	swait.ge [sflag:s17], $0x80  }
0x26a: {  	[sflag:s17] =	ssyncset.done $0x0  }
0x26b: {  	[sflag:s17] =	ssyncadd.s32 $0xFFFFFF80  }
0x26c: {  	_ =	swait.ge [sflag:s17], $0x80  }
0x26d: {  	[sflag:s17] =	ssyncset.done $0x0  }
0x26e: {  	[sflag:s17] =	ssyncadd.s32 $0xFFFFFF80  }
0x26f: {  	_ =	swait.ge [sflag:s17], $0x80  }
0x270: {  	[sflag:s17] =	ssyncset.done $0x0  }
0x271: {  	[sflag:s17] =	ssyncadd.s32 $0xFFFFFF80  }
0x272: {  	_ =	swait.ge [sflag:s17], $0x80  }
0x273: {  	[sflag:s17] =	ssyncset.done $0x0  }
0x274: {  	[sflag:s17] =	ssyncadd.s32 $0xFFFFFF80  }
0x275: {  	_ =	swait.ge [sflag:s17], $0x80  }
0x276: {  	[sflag:s17] =	ssyncset.done $0x0  }
0x277: {  	[sflag:s17] =	ssyncadd.s32 $0xFFFFFF80  }
0x278: {  	_ =	swait.ge [sflag:s17], $0x80  }
0x279: {  	[sflag:s17] =	ssyncset.done $0x0  }
0x27a: {  	[sflag:s17] =	ssyncadd.s32 $0xFFFFFF80  }
0x27b: {  	_ =	swait.ge [sflag:s17], $0x80  }
0x27c: {  	[sflag:s17] =	ssyncset.done $0x0  }
0x27d: {  	[sflag:s17] =	ssyncadd.s32 $0xFFFFFF80  }
0x27e: {  	_ =	swait.ge [sflag:s17], $0x80  }
0x27f: {  	[sflag:s17] =	ssyncset.done $0x0  }
0x280: {  	[sflag:s17] =	ssyncadd.s32 $0xFFFFFF80  }
0x281: {  	_ =	swait.ge [sflag:s17], $0x80  }
0x282: {  	[sflag:s17] =	ssyncset.done $0x0  }
0x283: {  	[sflag:s17] =	ssyncadd.s32 $0xFFFFFF80  }
0x284: {  	_ =	swait.ge [sflag:s17], $0x80  }
0x285: {  	[sflag:s17] =	ssyncset.done $0x0  }
0x286: {  	[sflag:s17] =	ssyncadd.s32 $0xFFFFFF80  }
0x287: {  	_ =	swait.ge [sflag:s17], $0x80  }
0x288: {  	[sflag:s17] =	ssyncset.done $0x0  }
0x289: {  	[sflag:s17] =	ssyncadd.s32 $0xFFFFFF80  }
0x28a: {  	_ =	swait.ge [sflag:s17], $0x80  }
0x28b: {  	[sflag:s17] =	ssyncset.done $0x0  }
0x28c: {  	[sflag:s17] =	ssyncadd.s32 $0xFFFFFF80  }
0x28d: {  	_ =	swait.ge [sflag:s17], $0x80  }
0x28e: {  	[sflag:s17] =	ssyncset.done $0x0  }
0x28f: {  	s23 =	simm.s32 @!p2 $0x0;
	[sflag:s17] =	ssyncadd.s32 $0xFFFFFF80  }
0x290: {  	v6 =	vld @!p2 [tilespmem:s23+$0x800];
	_ =	sdelay $0x4  }
0x291: {  	vm0 =	vle.f32 @!p2 v6, $5.000000000e-01;
	v6 =	vimm.s32 @!p2 $0x0  }
0x292: {  	v6 =	vsel @!p2 vm0, $0x1, v6  }
0x293: {  	(xrf0) =	vadd.scan.msk.s32 @!p2 $0xffff, v6;
	_ =	sdelay $0x5  }
0x294: {  	v6, _, _ =	vpop @!p2 (xrf0)  }
0x295: {  	(v2sf) =	vpush @!p2 v6, $0xF;
	_ =	sdelay $0x6  }
0x296: {  	v7 =	vld @!p2 [tilespmem:s23+$0x0];
	v6 =	vadd.s32 @!p2 s21, v6  }
0x297: {  	v8 =	vadd.s32 @!p2 $0xFFFFFFFF, v6  }
0x298: {  	vm1 =	vlt.s32 @!p2 v8, $0x200  }
0x299: {  	vm0 =	vmand @!p2 vm0, vm1  }
0x29a: {  	v6 =	vadd.s32 @!p2 $0x7F, v6  }
0x29b: {  	v8 =	vshrl.u32 @!p2 v7, $0x12  }
0x29c: {  	v8 =	vmul.u32 @!p2 $0x1800000, v8  }
0x29d: {  	v7 =	vand.u32 @!p2 $0x3FFFF, v7  }
0x29e: {  	s23 =	simm.s32 @!p2 $0x1000;
	v7 =	vor.u32 @!p2 v7, v8;
	s24 =	spop @!p2 (v2sf)  }
0x29f: {  	[tilespmem:v6+s23+$0x0] =	vst.idx.msk @!p2 vm0, v7;
	s23 =	simm.s32 $0x40;
	s24 =	sadd.s32 @!p2 s21, s24  }
.LBB2_17:
0x2a0: {  	s25 =	smov.u32 s21;
	s21 =	smov.u32 s24  }
0x2a1: {  	s24 =	smov.u32 s23;
	s23 =	sadd.s32 $0x40, s23;
	s21 =	smov.u32 @p2 s25  }
0x2a2: {  	p3 =	sne.s32 s23, $0x2000;
	p2 =	sgt.s32 s21, $0x1FF  }
0x2a3: {  	s24 =	sshra.s32 @!p2 s24, $0x2  }
0x2a4: {  	v6 =	vld @!p2 [tilespmem:s24+$0x800]  }
0x2a5: {  	v7 =	vld @!p2 [tilespmem:s24+$0x0];
	_ =	sdelay $0x3  }
0x2a6: {  	vm0 =	vle.f32 @!p2 v6, $5.000000000e-01;
	v6 =	vimm.s32 @!p2 $0x0  }
0x2a7: {  	v6 =	vsel @!p2 vm0, $0x1, v6;
	v8 =	vshrl.u32 @!p2 v7, $0x12;
	v7 =	vand.u32 @!p2 $0x3FFFF, v7  }
0x2a8: {  	v8 =	vmul.u32 @!p2 $0x1800000, v8;
	(xrf0) =	vadd.scan.msk.s32 @!p2 $0xffff, v6;
	_ =	sdelay $0x1  }
0x2a9: {  	v6 =	vor.u32 @!p2 v7, v8;
	_ =	sdelay $0x3  }
0x2aa: {  	v7, _, _ =	vpop @!p2 (xrf0)  }
0x2ab: {  	v8 =	vadd.s32 @!p2 s21, v7;
	(v2sf) =	vpush @!p2 v7, $0xF  }
0x2ac: {  	v7 =	vadd.s32 @!p2 $0xFFFFFFFF, v8;
	v8 =	vadd.s32 @!p2 $0x7F, v8  }
0x2ad: {  	vm1 =	vlt.s32 @!p2 v7, $0x200  }
0x2ae: {  	vm0 =	vmand @!p2 vm0, vm1;
	_ =	sdelay $0x4  }
0x2af: {  	s24 =	simm.s32 @!p2 $0x1000  }
0x2b0: {  	[tilespmem:v8+s24+$0x0] =	vst.idx.msk @!p2 vm0, v6;
	_ =	sdelay $0x2  }
.Ltmp16:
0x2b1: {  	(pc) =	sbr.rel @p3 .LBB2_17-.Ltmp16, $3  }
0x2b2: {  	_ =	sdelay $0x1  }
0x2b3: {  	s24 =	spop @!p2 (v2sf)  }
0x2b4: {  	s24 =	sadd.s32 @!p2 s21, s24  }
.Ltmp17:
0x2b5: {  	(pc) =	sbr.rel .LBB2_19-.Ltmp17, $3  }
0x2b6: {  	_ =	sdelay $0x1  }
0x2b7: {  	s24 =	smov.u32 @p2 s21  }
0x2b8: {  	s21 =	smov.u32 s24  }
.LBB2_24:
0x2b9: {  	_ =	sfence.sel $0x180000  }
0x2ba: {  	[bflag:$0x0] =	sbarrier.arrive $0xFFFF  }
0x2bb: {  	_ =	strace $0x90000047  }
0x2bc: {  	[bflag:$0x2] =	sbarrier.arrive $0xFFFF  }
0x2bd: {  	s0 =	rddreg [dreg:$0x4]  }
0x2be: {  	s0 =	sadd.s32 @!p1 $0x100000, s0  }
0x2bf: {  	[sflag:s0] =	ssyncadd.tile.s32 @!p1 $0x1;
	_ =	shalt  }
.Lfunc_end2:
_tile_overlayer_lowered:
.L_overlay_start_2:
0x2c0: {  	(tag) =	ssettag $0x2  }
0x2c1: {  	s0 =	rddreg [dreg:$0x0];
	s2 =	stileid.u32  }
0x2c2: {  	s1 =	rddreg [dreg:$0x1];
	p0 =	sne.s32 s2, $0x0  }
0x2c3: {  	s3 =	rddreg [dreg:$0x2];
	[bflag:$0x3] =	sbarrier.arrive $0xFFFF;
	s2 =	simm.s32 @!p0 $0x1C02  }
0x2c4: {  	[timem:s3], [sflag:s2] =	dma.local @!p0 [hbm:s0], s1  }
0x2c5: {  	s0 =	simm.s32 @!p0 $0x2  }
0x2c6: {  	_ =	swait.ge @!p0 [sflag:s0], s1  }
0x2c7: {  	s1 =	ssub.s32 @!p0 $0x0, s1;
	[sflag:s0] =	ssyncset.done @!p0 $0x0  }
0x2c8: {  	[sflag:s0] =	ssyncadd.s32 @!p0 s1  }
0x2c9: {  	[bflag:$0x3] =	sbarrier.arrive $0xFFFF  }
0x2ca: {  	_ =	shalt  }

</sc_bundles>
